<compile_context>
chip_gen: v7x
topology: tpu7x:2x2x1
jax: 0.10.2.dev20260603
libtpu: 0.0.44.dev20260713+nightly
codegen_flags: <defaults>
</compile_context>

<pallas_src>
import jax
import jax.numpy as jnp
from jax import lax
from jax.experimental import pallas as pl
from jax.experimental.pallas import tpu as pltpu
from jax.experimental.pallas import tpu_sc as plsc

B = 16
N_CHOICE = 2
SEQ = 2048
N_EMBD = 768
CLF_TOKEN = 40480

NUM_SUBCORES = 16
LANES = 16
NSEQ = B * N_CHOICE
BLK = 128
NBLK = SEQ // BLK
HBLK = NBLK // 2
ROWS = 2 * NBLK
SUB = BLK // LANES
EMB_CHUNKS = N_EMBD // LANES
NACC = 4


def _mc_head_sc(x_hbm, h_hbm, w_hbm, b_hbm, out_hbm,
                tok_v, wb_v, row_v, b_v, out_v,
                sem_t0, sem_t1, sem_w, sem_r0, sem_r1):
    sid = lax.axis_index("s")
    lane = lax.iota(jnp.int32, LANES)
    zero = jnp.zeros((LANES,), jnp.int32)

    sem_t = [sem_t0, sem_t1]
    sem_r = [sem_r0, sem_r1]

    cps = []
    for q in range(2):
        wid = sid * 2 + q
        cp = pltpu.make_async_copy(
            x_hbm.at[pl.ds(wid * ROWS + NBLK, NBLK), :],
            tok_v.at[q], sem_t[q])
        cp.start()
        cps.append(cp)
    cp_w = pltpu.make_async_copy(w_hbm, wb_v, sem_w)
    cp_w.start()
    cp_b = pltpu.make_async_copy(b_hbm, b_v, sem_w)
    cp_b.start()

    rows = []
    for q in range(2):
        cps[q].wait()
        accs = [zero] * NACC
        for j in range(HBLK):
            for k in range(SUB):
                i = j * SUB + k
                v = tok_v[q, 2 * j, pl.ds(k * LANES, LANES)]
                m = v == CLF_TOKEN
                accs[i % NACC] = accs[i % NACC] + jnp.where(
                    m, lane + i * LANES, zero)
        pos = SEQ // 2 + jnp.sum(accs[0] + accs[1] + accs[2] + accs[3])
        rows.append((sid * 2 + q) * SEQ + pos)

    cpr = []
    for q in range(2):
        cp = pltpu.make_async_copy(h_hbm.at[rows[q]], row_v.at[q], sem_r[q])
        cp.start()
        cpr.append(cp)
    cp_w.wait()
    cp_b.wait()

    bias = plsc.load_gather(b_v, [jnp.zeros((LANES,), jnp.int32)])
    for q in range(2):
        cpr[q].wait()
        zf = jnp.zeros((LANES,), jnp.float32)
        faccs = [zf] * NACC
        for i in range(EMB_CHUNKS):
            faccs[i % NACC] = (faccs[i % NACC]
                               + row_v[q, pl.ds(i * LANES, LANES)]
                               * wb_v[i // 8, pl.ds((i % 8) * LANES, LANES)])
        logit = jnp.sum(faccs[0] + faccs[1] + faccs[2] + faccs[3])
        out_v[...] = bias + logit
        pltpu.sync_copy(out_v, out_hbm.at[sid * 2 + q])


@jax.jit
def _mc_head(xl, h2, wv, b):
    mesh = plsc.VectorSubcoreMesh(
        core_axis_name="c", subcore_axis_name="s",
        num_cores=1, num_subcores=NUM_SUBCORES)
    run = pl.kernel(
        _mc_head_sc,
        out_type=jax.ShapeDtypeStruct((NSEQ, LANES), jnp.float32),
        mesh=mesh,
        scratch_types=[
            pltpu.VMEM((2, NBLK, BLK), jnp.int32),
            pltpu.VMEM((8, BLK), jnp.float32),
            pltpu.VMEM((2, N_EMBD), jnp.float32),
            pltpu.VMEM((1,), jnp.float32),
            pltpu.VMEM((LANES,), jnp.float32),
            pltpu.SemaphoreType.DMA,
            pltpu.SemaphoreType.DMA,
            pltpu.SemaphoreType.DMA,
            pltpu.SemaphoreType.DMA,
            pltpu.SemaphoreType.DMA,
        ],
        compiler_params=pltpu.CompilerParams(needs_layout_passes=False),
    )
    return run(xl, h2, wv, b)


def kernel(h, x, W, b):
    xl = (x.reshape(B, N_CHOICE, NBLK, BLK, 2)
          .transpose(0, 1, 2, 4, 3)
          .reshape(NSEQ * ROWS, BLK)
          .astype(jnp.int32))
    h2 = h.reshape(NSEQ * SEQ, N_EMBD)
    wv = jnp.concatenate(
        [W, jnp.zeros((BLK * 8 - N_EMBD, 1), jnp.float32)]).reshape(8, BLK)
    out = _mc_head(xl, h2, wv, b)
    return out[:, 0].reshape(B, N_CHOICE)

# --- scband reference (transcript-rebuilt; emitter-appended) ---
"""Pipeline reference for scband-multiple-choice-head-67465346286163 (READ-ONLY COPY).

The authoritative reference and input builder live on the scoring server;
editing this copy changes nothing except your own understanding.
"""

import jax, jax.numpy as jnp
import numpy as np

B = 16
N_CHOICE = 2
SEQ = 2048
N_EMBD = 768
CLF_TOKEN = 40480

def setup_inputs(seed: int = 0) -> dict:
    key = jax.random.key(seed)
    k1, k2, k3, k4, k5 = jax.random.split(key, 5)
    h = jax.random.normal(k1, (B, N_CHOICE, SEQ, N_EMBD), dtype=jnp.float32)
    # token ids; ensure exactly one clf_token per (b, choice) sequence so boolean_mask
    # yields B*N_CHOICE rows (matches the reshape in the original module)
    x_tok = jax.random.randint(k2, (B, N_CHOICE, SEQ), 0, CLF_TOKEN)  # values < clf_token
    pos = jax.random.randint(k3, (B, N_CHOICE), SEQ // 2, SEQ)
    one_hot = jax.nn.one_hot(pos, SEQ, dtype=jnp.int32).astype(bool)
    x_tok = jnp.where(one_hot, CLF_TOKEN, x_tok)
    # x has trailing dim 2 (token id, position id) like GPT-1 inputs
    pos_ids = jnp.broadcast_to(jnp.arange(SEQ, dtype=jnp.int64), (B, N_CHOICE, SEQ))
    x = jnp.stack([x_tok.astype(jnp.int64), pos_ids], axis=-1)
    W = jax.random.normal(k4, (N_EMBD, 1), dtype=jnp.float32) * 0.02
    b = jax.random.normal(k5, (1,), dtype=jnp.float32)
    return {"h": h, "x": x, "W": W, "b": b}

def reference(h, x, W, b):
    n_embd = h.shape[-1]
    n_choice = x.shape[1]
    clf_h = jnp.reshape(h, (-1, n_embd))
    flat = jnp.reshape(x[..., 0], (-1,))
    mask = jnp.equal(flat, CLF_TOKEN)
    # boolean_mask equivalent with static output size (one clf token per sequence)
    num_sel = clf_h.shape[0] // SEQ  # B * N_CHOICE
    idx = jnp.argsort(~mask, stable=True)[:num_sel]
    idx = jnp.sort(idx)
    clf_h = jnp.take(clf_h, idx, axis=0)
    clf_h = jnp.reshape(clf_h, (-1, n_choice, n_embd, 1))
    # dropout is identity at inference
    clf_h = jnp.reshape(clf_h, (-1, n_embd))
    clf_logits = clf_h @ W + b
    return jnp.reshape(clf_logits, (-1, n_choice))

if __name__ == "__main__":
    import jax
    _d = setup_inputs()
    print(jax.jit(kernel)(*tuple(_d.values())))

</pallas_src>

<mosaic_0001>
#map = affine_map<(d0, d1) -> (0, 0)>
#map1 = affine_map<(d0, d1) -> (0)>
module attributes {stable_mosaic.version = 14 : i64} {
  func.func @_mc_head_sc(%arg0: i32, %arg1: i32, %arg2: memref<1024x128xi32, #tpu.memory_space<hbm>>, %arg3: memref<65536x768xf32, #tpu.memory_space<hbm>>, %arg4: memref<8x128xf32, #tpu.memory_space<hbm>>, %arg5: memref<1xf32, #tpu.memory_space<hbm>>, %arg6: memref<32x16xf32, #tpu.memory_space<hbm>>, %arg7: memref<2x16x128xi32, #tpu.memory_space<vmem>>, %arg8: memref<8x128xf32, #tpu.memory_space<vmem>>, %arg9: memref<2x768xf32, #tpu.memory_space<vmem>>, %arg10: memref<1xf32, #tpu.memory_space<vmem>>, %arg11: memref<16xf32, #tpu.memory_space<vmem>>, %arg12: memref<!tpu.dma_semaphore, #tpu.memory_space<semaphore_mem>>, %arg13: memref<!tpu.dma_semaphore, #tpu.memory_space<semaphore_mem>>, %arg14: memref<!tpu.dma_semaphore, #tpu.memory_space<semaphore_mem>>, %arg15: memref<!tpu.dma_semaphore, #tpu.memory_space<semaphore_mem>>, %arg16: memref<!tpu.dma_semaphore, #tpu.memory_space<semaphore_mem>>) attributes {dimension_semantics = [#tpu.dimension_semantics<core_parallel>, #tpu.dimension_semantics<subcore_parallel>], iteration_bounds = array<i64: 1, 16>, scalar_prefetch = 0 : i64, scratch_operands = 10 : i64, tpu.core_type = #tpu.core_type<sc_vector_subcore>, window_params = [{transform_indices = #map}, {transform_indices = #map}, {transform_indices = #map}, {transform_indices = #map1}, {transform_indices = #map}]} {
    %iota3A = tpu.iota {dimensions = array<i32: 0>} : vector<16xi32>
    %broadcast_in_dim3A = arith.constant 0 : i32
    %broadcast_in_dim3A_0 = vector.broadcast %broadcast_in_dim3A : i32 to vector<16xi32>
    %mul3A = arith.constant 2 : i32
    %mul3A_1 = arith.muli %arg1, %mul3A : i32
    %add3A = arith.constant 0 : i32
    %add3A_2 = arith.addi %mul3A_1, %add3A : i32
    %mul3A_3 = arith.constant 32 : i32
    %mul3A_4 = arith.muli %add3A_2, %mul3A_3 : i32
    %add3A_5 = arith.constant 16 : i32
    %add3A_6 = arith.addi %mul3A_4, %add3A_5 : i32
    %dma_start3A = arith.constant 0 : i32
    %dma_start3A_7 = arith.constant 0 : i32
    %dma_start3A_8 = arith.constant 0 : i32
    %dma_start3A_9 = tpu.memref_slice %arg7[%dma_start3A, %dma_start3A_7, %dma_start3A_8] : memref<2x16x128xi32, #tpu.memory_space<vmem>> -> memref<1x16x128xi32, #tpu.memory_space<vmem>>
    %dma_start3A_10 = tpu.memref_squeeze %dma_start3A_9 : memref<1x16x128xi32, #tpu.memory_space<vmem>> -> memref<16x128xi32, #tpu.memory_space<vmem>>
    %dma_start3A_11 = arith.constant 0 : i32
    %dma_start3A_12 = tpu.memref_slice %arg2[%add3A_6, %dma_start3A_11] : memref<1024x128xi32, #tpu.memory_space<hbm>> -> memref<16x128xi32, #tpu.memory_space<hbm>>
    %dma_start3A_13 = arith.constant 0 : i32
    %dma_start3A_14 = arith.constant 0 : i32
    %dma_start3A_15 = tpu.memref_slice %arg7[%dma_start3A, %dma_start3A_13, %dma_start3A_14] : memref<2x16x128xi32, #tpu.memory_space<vmem>> -> memref<1x16x128xi32, #tpu.memory_space<vmem>>
    %dma_start3A_16 = tpu.memref_squeeze %dma_start3A_15 : memref<1x16x128xi32, #tpu.memory_space<vmem>> -> memref<16x128xi32, #tpu.memory_space<vmem>>
    %dma_start3A_17 = arith.constant 0 : i32
    %dma_start3A_18 = tpu.memref_slice %arg2[%add3A_6, %dma_start3A_17] : memref<1024x128xi32, #tpu.memory_space<hbm>> -> memref<16x128xi32, #tpu.memory_space<hbm>>
    tpu.enqueue_dma source(%dma_start3A_18 : memref<16x128xi32, #tpu.memory_space<hbm>>) target(%dma_start3A_16 : memref<16x128xi32, #tpu.memory_space<vmem>>) target_semaphore(%arg12 : memref<!tpu.dma_semaphore, #tpu.memory_space<semaphore_mem>>)
    %mul3A_19 = arith.constant 2 : i32
    %mul3A_20 = arith.muli %arg1, %mul3A_19 : i32
    %add3A_21 = arith.constant 1 : i32
    %add3A_22 = arith.addi %mul3A_20, %add3A_21 : i32
    %mul3A_23 = arith.constant 32 : i32
    %mul3A_24 = arith.muli %add3A_22, %mul3A_23 : i32
    %add3A_25 = arith.constant 16 : i32
    %add3A_26 = arith.addi %mul3A_24, %add3A_25 : i32
    %dma_start3A_27 = arith.constant 1 : i32
    %dma_start3A_28 = arith.constant 0 : i32
    %dma_start3A_29 = arith.constant 0 : i32
    %dma_start3A_30 = tpu.memref_slice %arg7[%dma_start3A_27, %dma_start3A_28, %dma_start3A_29] : memref<2x16x128xi32, #tpu.memory_space<vmem>> -> memref<1x16x128xi32, #tpu.memory_space<vmem>>
    %dma_start3A_31 = tpu.memref_squeeze %dma_start3A_30 : memref<1x16x128xi32, #tpu.memory_space<vmem>> -> memref<16x128xi32, #tpu.memory_space<vmem>>
    %dma_start3A_32 = arith.constant 0 : i32
    %dma_start3A_33 = tpu.memref_slice %arg2[%add3A_26, %dma_start3A_32] : memref<1024x128xi32, #tpu.memory_space<hbm>> -> memref<16x128xi32, #tpu.memory_space<hbm>>
    %dma_start3A_34 = arith.constant 0 : i32
    %dma_start3A_35 = arith.constant 0 : i32
    %dma_start3A_36 = tpu.memref_slice %arg7[%dma_start3A_27, %dma_start3A_34, %dma_start3A_35] : memref<2x16x128xi32, #tpu.memory_space<vmem>> -> memref<1x16x128xi32, #tpu.memory_space<vmem>>
    %dma_start3A_37 = tpu.memref_squeeze %dma_start3A_36 : memref<1x16x128xi32, #tpu.memory_space<vmem>> -> memref<16x128xi32, #tpu.memory_space<vmem>>
    %dma_start3A_38 = arith.constant 0 : i32
    %dma_start3A_39 = tpu.memref_slice %arg2[%add3A_26, %dma_start3A_38] : memref<1024x128xi32, #tpu.memory_space<hbm>> -> memref<16x128xi32, #tpu.memory_space<hbm>>
    tpu.enqueue_dma source(%dma_start3A_39 : memref<16x128xi32, #tpu.memory_space<hbm>>) target(%dma_start3A_37 : memref<16x128xi32, #tpu.memory_space<vmem>>) target_semaphore(%arg13 : memref<!tpu.dma_semaphore, #tpu.memory_space<semaphore_mem>>)
    tpu.enqueue_dma source(%arg4 : memref<8x128xf32, #tpu.memory_space<hbm>>) target(%arg8 : memref<8x128xf32, #tpu.memory_space<vmem>>) target_semaphore(%arg14 : memref<!tpu.dma_semaphore, #tpu.memory_space<semaphore_mem>>)
    tpu.enqueue_dma source(%arg5 : memref<1xf32, #tpu.memory_space<hbm>>) target(%arg10 : memref<1xf32, #tpu.memory_space<vmem>>) target_semaphore(%arg14 : memref<!tpu.dma_semaphore, #tpu.memory_space<semaphore_mem>>)
    %dma_wait3A = arith.constant 0 : i32
    %dma_wait3A_40 = arith.constant 0 : i32
    %dma_wait3A_41 = arith.constant 0 : i32
    %dma_wait3A_42 = tpu.memref_slice %arg7[%dma_wait3A, %dma_wait3A_40, %dma_wait3A_41] : memref<2x16x128xi32, #tpu.memory_space<vmem>> -> memref<1x16x128xi32, #tpu.memory_space<vmem>>
    %dma_wait3A_43 = tpu.memref_squeeze %dma_wait3A_42 : memref<1x16x128xi32, #tpu.memory_space<vmem>> -> memref<16x128xi32, #tpu.memory_space<vmem>>
    %dma_wait3A_44 = arith.constant 0 : i32
    %dma_wait3A_45 = tpu.memref_slice %arg2[%add3A_6, %dma_wait3A_44] : memref<1024x128xi32, #tpu.memory_space<hbm>> -> memref<16x128xi32, #tpu.memory_space<hbm>>
    %dma_wait3A_46 = arith.constant 0 : i32
    %dma_wait3A_47 = arith.constant 0 : i32
    %dma_wait3A_48 = tpu.memref_slice %arg7[%dma_wait3A, %dma_wait3A_46, %dma_wait3A_47] : memref<2x16x128xi32, #tpu.memory_space<vmem>> -> memref<1x16x128xi32, #tpu.memory_space<vmem>>
    %dma_wait3A_49 = tpu.memref_squeeze %dma_wait3A_48 : memref<1x16x128xi32, #tpu.memory_space<vmem>> -> memref<16x128xi32, #tpu.memory_space<vmem>>
    %dma_wait3A_50 = arith.constant 0 : i32
    %dma_wait3A_51 = tpu.memref_slice %arg2[%add3A_6, %dma_wait3A_50] : memref<1024x128xi32, #tpu.memory_space<hbm>> -> memref<16x128xi32, #tpu.memory_space<hbm>>
    tpu.wait_dma2 semaphore(%arg12 : memref<!tpu.dma_semaphore, #tpu.memory_space<semaphore_mem>>) src(%dma_wait3A_51 : memref<16x128xi32, #tpu.memory_space<hbm>>) dst(%dma_wait3A_49 : memref<16x128xi32, #tpu.memory_space<vmem>>)
    %get3A = arith.constant 0 : i32
    %get3A_52 = arith.constant 0 : i32
    %get3A_53 = arith.index_cast %get3A : i32 to index
    %get3A_54 = arith.index_cast %get3A_52 : i32 to index
    %get3A_55 = arith.constant 0 : index
    %get3A_56 = tpu.vector_load %arg7[%get3A_53, %get3A_54, %get3A_55] {strides = array<i32>} : memref<2x16x128xi32, #tpu.memory_space<vmem>>, vector<16xi32>,
    %eq3A = arith.constant 40480 : i32
    %eq3A_57 = vector.broadcast %eq3A : i32 to vector<16xi32>
    %eq3A_58 = arith.cmpi eq, %get3A_56, %eq3A_57 : vector<16xi32>
    %add3A_59 = arith.constant 0 : i32
    %add3A_60 = vector.broadcast %add3A_59 : i32 to vector<16xi32>
    %add3A_61 = arith.addi %iota3A, %add3A_60 : vector<16xi32>
    %select_n3A = arith.select %eq3A_58, %add3A_61, %broadcast_in_dim3A_0 : vector<16xi1>, vector<16xi32>
    %add3A_62 = arith.addi %broadcast_in_dim3A_0, %select_n3A : vector<16xi32>
    %get3A_63 = arith.constant 0 : i32
    %get3A_64 = arith.constant 0 : i32
    %get3A_65 = arith.index_cast %get3A_63 : i32 to index
    %get3A_66 = arith.index_cast %get3A_64 : i32 to index
    %get3A_67 = arith.constant 16 : index
    %get3A_68 = tpu.vector_load %arg7[%get3A_65, %get3A_66, %get3A_67] {strides = array<i32>} : memref<2x16x128xi32, #tpu.memory_space<vmem>>, vector<16xi32>,
    %eq3A_69 = arith.constant 40480 : i32
    %eq3A_70 = vector.broadcast %eq3A_69 : i32 to vector<16xi32>
    %eq3A_71 = arith.cmpi eq, %get3A_68, %eq3A_70 : vector<16xi32>
    %add3A_72 = arith.constant 16 : i32
    %add3A_73 = vector.broadcast %add3A_72 : i32 to vector<16xi32>
    %add3A_74 = arith.addi %iota3A, %add3A_73 : vector<16xi32>
    %select_n3A_75 = arith.select %eq3A_71, %add3A_74, %broadcast_in_dim3A_0 : vector<16xi1>, vector<16xi32>
    %add3A_76 = arith.addi %broadcast_in_dim3A_0, %select_n3A_75 : vector<16xi32>
    %get3A_77 = arith.constant 0 : i32
    %get3A_78 = arith.constant 0 : i32
    %get3A_79 = arith.index_cast %get3A_77 : i32 to index
    %get3A_80 = arith.index_cast %get3A_78 : i32 to index
    %get3A_81 = arith.constant 32 : index
    %get3A_82 = tpu.vector_load %arg7[%get3A_79, %get3A_80, %get3A_81] {strides = array<i32>} : memref<2x16x128xi32, #tpu.memory_space<vmem>>, vector<16xi32>,
    %eq3A_83 = arith.constant 40480 : i32
    %eq3A_84 = vector.broadcast %eq3A_83 : i32 to vector<16xi32>
    %eq3A_85 = arith.cmpi eq, %get3A_82, %eq3A_84 : vector<16xi32>
    %add3A_86 = arith.constant 32 : i32
    %add3A_87 = vector.broadcast %add3A_86 : i32 to vector<16xi32>
    %add3A_88 = arith.addi %iota3A, %add3A_87 : vector<16xi32>
    %select_n3A_89 = arith.select %eq3A_85, %add3A_88, %broadcast_in_dim3A_0 : vector<16xi1>, vector<16xi32>
    %add3A_90 = arith.addi %broadcast_in_dim3A_0, %select_n3A_89 : vector<16xi32>
    %get3A_91 = arith.constant 0 : i32
    %get3A_92 = arith.constant 0 : i32
    %get3A_93 = arith.index_cast %get3A_91 : i32 to index
    %get3A_94 = arith.index_cast %get3A_92 : i32 to index
    %get3A_95 = arith.constant 48 : index
    %get3A_96 = tpu.vector_load %arg7[%get3A_93, %get3A_94, %get3A_95] {strides = array<i32>} : memref<2x16x128xi32, #tpu.memory_space<vmem>>, vector<16xi32>,
    %eq3A_97 = arith.constant 40480 : i32
    %eq3A_98 = vector.broadcast %eq3A_97 : i32 to vector<16xi32>
    %eq3A_99 = arith.cmpi eq, %get3A_96, %eq3A_98 : vector<16xi32>
    %add3A_100 = arith.constant 48 : i32
    %add3A_101 = vector.broadcast %add3A_100 : i32 to vector<16xi32>
    %add3A_102 = arith.addi %iota3A, %add3A_101 : vector<16xi32>
    %select_n3A_103 = arith.select %eq3A_99, %add3A_102, %broadcast_in_dim3A_0 : vector<16xi1>, vector<16xi32>
    %add3A_104 = arith.addi %broadcast_in_dim3A_0, %select_n3A_103 : vector<16xi32>
    %get3A_105 = arith.constant 0 : i32
    %get3A_106 = arith.constant 0 : i32
    %get3A_107 = arith.index_cast %get3A_105 : i32 to index
    %get3A_108 = arith.index_cast %get3A_106 : i32 to index
    %get3A_109 = arith.constant 64 : index
    %get3A_110 = tpu.vector_load %arg7[%get3A_107, %get3A_108, %get3A_109] {strides = array<i32>} : memref<2x16x128xi32, #tpu.memory_space<vmem>>, vector<16xi32>,
    %eq3A_111 = arith.constant 40480 : i32
    %eq3A_112 = vector.broadcast %eq3A_111 : i32 to vector<16xi32>
    %eq3A_113 = arith.cmpi eq, %get3A_110, %eq3A_112 : vector<16xi32>
    %add3A_114 = arith.constant 64 : i32
    %add3A_115 = vector.broadcast %add3A_114 : i32 to vector<16xi32>
    %add3A_116 = arith.addi %iota3A, %add3A_115 : vector<16xi32>
    %select_n3A_117 = arith.select %eq3A_113, %add3A_116, %broadcast_in_dim3A_0 : vector<16xi1>, vector<16xi32>
    %add3A_118 = arith.addi %add3A_62, %select_n3A_117 : vector<16xi32>
    %get3A_119 = arith.constant 0 : i32
    %get3A_120 = arith.constant 0 : i32
    %get3A_121 = arith.index_cast %get3A_119 : i32 to index
    %get3A_122 = arith.index_cast %get3A_120 : i32 to index
    %get3A_123 = arith.constant 80 : index
    %get3A_124 = tpu.vector_load %arg7[%get3A_121, %get3A_122, %get3A_123] {strides = array<i32>} : memref<2x16x128xi32, #tpu.memory_space<vmem>>, vector<16xi32>,
    %eq3A_125 = arith.constant 40480 : i32
    %eq3A_126 = vector.broadcast %eq3A_125 : i32 to vector<16xi32>
    %eq3A_127 = arith.cmpi eq, %get3A_124, %eq3A_126 : vector<16xi32>
    %add3A_128 = arith.constant 80 : i32
    %add3A_129 = vector.broadcast %add3A_128 : i32 to vector<16xi32>
    %add3A_130 = arith.addi %iota3A, %add3A_129 : vector<16xi32>
    %select_n3A_131 = arith.select %eq3A_127, %add3A_130, %broadcast_in_dim3A_0 : vector<16xi1>, vector<16xi32>
    %add3A_132 = arith.addi %add3A_76, %select_n3A_131 : vector<16xi32>
    %get3A_133 = arith.constant 0 : i32
    %get3A_134 = arith.constant 0 : i32
    %get3A_135 = arith.index_cast %get3A_133 : i32 to index
    %get3A_136 = arith.index_cast %get3A_134 : i32 to index
    %get3A_137 = arith.constant 96 : index
    %get3A_138 = tpu.vector_load %arg7[%get3A_135, %get3A_136, %get3A_137] {strides = array<i32>} : memref<2x16x128xi32, #tpu.memory_space<vmem>>, vector<16xi32>,
    %eq3A_139 = arith.constant 40480 : i32
    %eq3A_140 = vector.broadcast %eq3A_139 : i32 to vector<16xi32>
    %eq3A_141 = arith.cmpi eq, %get3A_138, %eq3A_140 : vector<16xi32>
    %add3A_142 = arith.constant 96 : i32
    %add3A_143 = vector.broadcast %add3A_142 : i32 to vector<16xi32>
    %add3A_144 = arith.addi %iota3A, %add3A_143 : vector<16xi32>
    %select_n3A_145 = arith.select %eq3A_141, %add3A_144, %broadcast_in_dim3A_0 : vector<16xi1>, vector<16xi32>
    %add3A_146 = arith.addi %add3A_90, %select_n3A_145 : vector<16xi32>
    %get3A_147 = arith.constant 0 : i32
    %get3A_148 = arith.constant 0 : i32
    %get3A_149 = arith.index_cast %get3A_147 : i32 to index
    %get3A_150 = arith.index_cast %get3A_148 : i32 to index
    %get3A_151 = arith.constant 112 : index
    %get3A_152 = tpu.vector_load %arg7[%get3A_149, %get3A_150, %get3A_151] {strides = array<i32>} : memref<2x16x128xi32, #tpu.memory_space<vmem>>, vector<16xi32>,
    %eq3A_153 = arith.constant 40480 : i32
    %eq3A_154 = vector.broadcast %eq3A_153 : i32 to vector<16xi32>
    %eq3A_155 = arith.cmpi eq, %get3A_152, %eq3A_154 : vector<16xi32>
    %add3A_156 = arith.constant 112 : i32
    %add3A_157 = vector.broadcast %add3A_156 : i32 to vector<16xi32>
    %add3A_158 = arith.addi %iota3A, %add3A_157 : vector<16xi32>
    %select_n3A_159 = arith.select %eq3A_155, %add3A_158, %broadcast_in_dim3A_0 : vector<16xi1>, vector<16xi32>
    %add3A_160 = arith.addi %add3A_104, %select_n3A_159 : vector<16xi32>
    %get3A_161 = arith.constant 0 : i32
    %get3A_162 = arith.constant 2 : i32
    %get3A_163 = arith.index_cast %get3A_161 : i32 to index
    %get3A_164 = arith.index_cast %get3A_162 : i32 to index
    %get3A_165 = arith.constant 0 : index
    %get3A_166 = tpu.vector_load %arg7[%get3A_163, %get3A_164, %get3A_165] {strides = array<i32>} : memref<2x16x128xi32, #tpu.memory_space<vmem>>, vector<16xi32>,
    %eq3A_167 = arith.constant 40480 : i32
    %eq3A_168 = vector.broadcast %eq3A_167 : i32 to vector<16xi32>
    %eq3A_169 = arith.cmpi eq, %get3A_166, %eq3A_168 : vector<16xi32>
    %add3A_170 = arith.constant 128 : i32
    %add3A_171 = vector.broadcast %add3A_170 : i32 to vector<16xi32>
    %add3A_172 = arith.addi %iota3A, %add3A_171 : vector<16xi32>
    %select_n3A_173 = arith.select %eq3A_169, %add3A_172, %broadcast_in_dim3A_0 : vector<16xi1>, vector<16xi32>
    %add3A_174 = arith.addi %add3A_118, %select_n3A_173 : vector<16xi32>
    %get3A_175 = arith.constant 0 : i32
    %get3A_176 = arith.constant 2 : i32
    %get3A_177 = arith.index_cast %get3A_175 : i32 to index
    %get3A_178 = arith.index_cast %get3A_176 : i32 to index
    %get3A_179 = arith.constant 16 : index
    %get3A_180 = tpu.vector_load %arg7[%get3A_177, %get3A_178, %get3A_179] {strides = array<i32>} : memref<2x16x128xi32, #tpu.memory_space<vmem>>, vector<16xi32>,
    %eq3A_181 = arith.constant 40480 : i32
    %eq3A_182 = vector.broadcast %eq3A_181 : i32 to vector<16xi32>
    %eq3A_183 = arith.cmpi eq, %get3A_180, %eq3A_182 : vector<16xi32>
    %add3A_184 = arith.constant 144 : i32
    %add3A_185 = vector.broadcast %add3A_184 : i32 to vector<16xi32>
    %add3A_186 = arith.addi %iota3A, %add3A_185 : vector<16xi32>
    %select_n3A_187 = arith.select %eq3A_183, %add3A_186, %broadcast_in_dim3A_0 : vector<16xi1>, vector<16xi32>
    %add3A_188 = arith.addi %add3A_132, %select_n3A_187 : vector<16xi32>
    %get3A_189 = arith.constant 0 : i32
    %get3A_190 = arith.constant 2 : i32
    %get3A_191 = arith.index_cast %get3A_189 : i32 to index
    %get3A_192 = arith.index_cast %get3A_190 : i32 to index
    %get3A_193 = arith.constant 32 : index
    %get3A_194 = tpu.vector_load %arg7[%get3A_191, %get3A_192, %get3A_193] {strides = array<i32>} : memref<2x16x128xi32, #tpu.memory_space<vmem>>, vector<16xi32>,
    %eq3A_195 = arith.constant 40480 : i32
    %eq3A_196 = vector.broadcast %eq3A_195 : i32 to vector<16xi32>
    %eq3A_197 = arith.cmpi eq, %get3A_194, %eq3A_196 : vector<16xi32>
    %add3A_198 = arith.constant 160 : i32
    %add3A_199 = vector.broadcast %add3A_198 : i32 to vector<16xi32>
    %add3A_200 = arith.addi %iota3A, %add3A_199 : vector<16xi32>
    %select_n3A_201 = arith.select %eq3A_197, %add3A_200, %broadcast_in_dim3A_0 : vector<16xi1>, vector<16xi32>
    %add3A_202 = arith.addi %add3A_146, %select_n3A_201 : vector<16xi32>
    %get3A_203 = arith.constant 0 : i32
    %get3A_204 = arith.constant 2 : i32
    %get3A_205 = arith.index_cast %get3A_203 : i32 to index
    %get3A_206 = arith.index_cast %get3A_204 : i32 to index
    %get3A_207 = arith.constant 48 : index
    %get3A_208 = tpu.vector_load %arg7[%get3A_205, %get3A_206, %get3A_207] {strides = array<i32>} : memref<2x16x128xi32, #tpu.memory_space<vmem>>, vector<16xi32>,
    %eq3A_209 = arith.constant 40480 : i32
    %eq3A_210 = vector.broadcast %eq3A_209 : i32 to vector<16xi32>
    %eq3A_211 = arith.cmpi eq, %get3A_208, %eq3A_210 : vector<16xi32>
    %add3A_212 = arith.constant 176 : i32
    %add3A_213 = vector.broadcast %add3A_212 : i32 to vector<16xi32>
    %add3A_214 = arith.addi %iota3A, %add3A_213 : vector<16xi32>
    %select_n3A_215 = arith.select %eq3A_211, %add3A_214, %broadcast_in_dim3A_0 : vector<16xi1>, vector<16xi32>
    %add3A_216 = arith.addi %add3A_160, %select_n3A_215 : vector<16xi32>
    %get3A_217 = arith.constant 0 : i32
    %get3A_218 = arith.constant 2 : i32
    %get3A_219 = arith.index_cast %get3A_217 : i32 to index
    %get3A_220 = arith.index_cast %get3A_218 : i32 to index
    %get3A_221 = arith.constant 64 : index
    %get3A_222 = tpu.vector_load %arg7[%get3A_219, %get3A_220, %get3A_221] {strides = array<i32>} : memref<2x16x128xi32, #tpu.memory_space<vmem>>, vector<16xi32>,
    %eq3A_223 = arith.constant 40480 : i32
    %eq3A_224 = vector.broadcast %eq3A_223 : i32 to vector<16xi32>
    %eq3A_225 = arith.cmpi eq, %get3A_222, %eq3A_224 : vector<16xi32>
    %add3A_226 = arith.constant 192 : i32
    %add3A_227 = vector.broadcast %add3A_226 : i32 to vector<16xi32>
    %add3A_228 = arith.addi %iota3A, %add3A_227 : vector<16xi32>
    %select_n3A_229 = arith.select %eq3A_225, %add3A_228, %broadcast_in_dim3A_0 : vector<16xi1>, vector<16xi32>
    %add3A_230 = arith.addi %add3A_174, %select_n3A_229 : vector<16xi32>
    %get3A_231 = arith.constant 0 : i32
    %get3A_232 = arith.constant 2 : i32
    %get3A_233 = arith.index_cast %get3A_231 : i32 to index
    %get3A_234 = arith.index_cast %get3A_232 : i32 to index
    %get3A_235 = arith.constant 80 : index
    %get3A_236 = tpu.vector_load %arg7[%get3A_233, %get3A_234, %get3A_235] {strides = array<i32>} : memref<2x16x128xi32, #tpu.memory_space<vmem>>, vector<16xi32>,
    %eq3A_237 = arith.constant 40480 : i32
    %eq3A_238 = vector.broadcast %eq3A_237 : i32 to vector<16xi32>
    %eq3A_239 = arith.cmpi eq, %get3A_236, %eq3A_238 : vector<16xi32>
    %add3A_240 = arith.constant 208 : i32
    %add3A_241 = vector.broadcast %add3A_240 : i32 to vector<16xi32>
    %add3A_242 = arith.addi %iota3A, %add3A_241 : vector<16xi32>
    %select_n3A_243 = arith.select %eq3A_239, %add3A_242, %broadcast_in_dim3A_0 : vector<16xi1>, vector<16xi32>
    %add3A_244 = arith.addi %add3A_188, %select_n3A_243 : vector<16xi32>
    %get3A_245 = arith.constant 0 : i32
    %get3A_246 = arith.constant 2 : i32
    %get3A_247 = arith.index_cast %get3A_245 : i32 to index
    %get3A_248 = arith.index_cast %get3A_246 : i32 to index
    %get3A_249 = arith.constant 96 : index
    %get3A_250 = tpu.vector_load %arg7[%get3A_247, %get3A_248, %get3A_249] {strides = array<i32>} : memref<2x16x128xi32, #tpu.memory_space<vmem>>, vector<16xi32>,
    %eq3A_251 = arith.constant 40480 : i32
    %eq3A_252 = vector.broadcast %eq3A_251 : i32 to vector<16xi32>
    %eq3A_253 = arith.cmpi eq, %get3A_250, %eq3A_252 : vector<16xi32>
    %add3A_254 = arith.constant 224 : i32
    %add3A_255 = vector.broadcast %add3A_254 : i32 to vector<16xi32>
    %add3A_256 = arith.addi %iota3A, %add3A_255 : vector<16xi32>
    %select_n3A_257 = arith.select %eq3A_253, %add3A_256, %broadcast_in_dim3A_0 : vector<16xi1>, vector<16xi32>
    %add3A_258 = arith.addi %add3A_202, %select_n3A_257 : vector<16xi32>
    %get3A_259 = arith.constant 0 : i32
    %get3A_260 = arith.constant 2 : i32
    %get3A_261 = arith.index_cast %get3A_259 : i32 to index
    %get3A_262 = arith.index_cast %get3A_260 : i32 to index
    %get3A_263 = arith.constant 112 : index
    %get3A_264 = tpu.vector_load %arg7[%get3A_261, %get3A_262, %get3A_263] {strides = array<i32>} : memref<2x16x128xi32, #tpu.memory_space<vmem>>, vector<16xi32>,
    %eq3A_265 = arith.constant 40480 : i32
    %eq3A_266 = vector.broadcast %eq3A_265 : i32 to vector<16xi32>
    %eq3A_267 = arith.cmpi eq, %get3A_264, %eq3A_266 : vector<16xi32>
    %add3A_268 = arith.constant 240 : i32
    %add3A_269 = vector.broadcast %add3A_268 : i32 to vector<16xi32>
    %add3A_270 = arith.addi %iota3A, %add3A_269 : vector<16xi32>
    %select_n3A_271 = arith.select %eq3A_267, %add3A_270, %broadcast_in_dim3A_0 : vector<16xi1>, vector<16xi32>
    %add3A_272 = arith.addi %add3A_216, %select_n3A_271 : vector<16xi32>
    %get3A_273 = arith.constant 0 : i32
    %get3A_274 = arith.constant 4 : i32
    %get3A_275 = arith.index_cast %get3A_273 : i32 to index
    %get3A_276 = arith.index_cast %get3A_274 : i32 to index
    %get3A_277 = arith.constant 0 : index
    %get3A_278 = tpu.vector_load %arg7[%get3A_275, %get3A_276, %get3A_277] {strides = array<i32>} : memref<2x16x128xi32, #tpu.memory_space<vmem>>, vector<16xi32>,
    %eq3A_279 = arith.constant 40480 : i32
    %eq3A_280 = vector.broadcast %eq3A_279 : i32 to vector<16xi32>
    %eq3A_281 = arith.cmpi eq, %get3A_278, %eq3A_280 : vector<16xi32>
    %add3A_282 = arith.constant 256 : i32
    %add3A_283 = vector.broadcast %add3A_282 : i32 to vector<16xi32>
    %add3A_284 = arith.addi %iota3A, %add3A_283 : vector<16xi32>
    %select_n3A_285 = arith.select %eq3A_281, %add3A_284, %broadcast_in_dim3A_0 : vector<16xi1>, vector<16xi32>
    %add3A_286 = arith.addi %add3A_230, %select_n3A_285 : vector<16xi32>
    %get3A_287 = arith.constant 0 : i32
    %get3A_288 = arith.constant 4 : i32
    %get3A_289 = arith.index_cast %get3A_287 : i32 to index
    %get3A_290 = arith.index_cast %get3A_288 : i32 to index
    %get3A_291 = arith.constant 16 : index
    %get3A_292 = tpu.vector_load %arg7[%get3A_289, %get3A_290, %get3A_291] {strides = array<i32>} : memref<2x16x128xi32, #tpu.memory_space<vmem>>, vector<16xi32>,
    %eq3A_293 = arith.constant 40480 : i32
    %eq3A_294 = vector.broadcast %eq3A_293 : i32 to vector<16xi32>
    %eq3A_295 = arith.cmpi eq, %get3A_292, %eq3A_294 : vector<16xi32>
    %add3A_296 = arith.constant 272 : i32
    %add3A_297 = vector.broadcast %add3A_296 : i32 to vector<16xi32>
    %add3A_298 = arith.addi %iota3A, %add3A_297 : vector<16xi32>
    %select_n3A_299 = arith.select %eq3A_295, %add3A_298, %broadcast_in_dim3A_0 : vector<16xi1>, vector<16xi32>
    %add3A_300 = arith.addi %add3A_244, %select_n3A_299 : vector<16xi32>
    %get3A_301 = arith.constant 0 : i32
    %get3A_302 = arith.constant 4 : i32
    %get3A_303 = arith.index_cast %get3A_301 : i32 to index
    %get3A_304 = arith.index_cast %get3A_302 : i32 to index
    %get3A_305 = arith.constant 32 : index
    %get3A_306 = tpu.vector_load %arg7[%get3A_303, %get3A_304, %get3A_305] {strides = array<i32>} : memref<2x16x128xi32, #tpu.memory_space<vmem>>, vector<16xi32>,
    %eq3A_307 = arith.constant 40480 : i32
    %eq3A_308 = vector.broadcast %eq3A_307 : i32 to vector<16xi32>
    %eq3A_309 = arith.cmpi eq, %get3A_306, %eq3A_308 : vector<16xi32>
    %add3A_310 = arith.constant 288 : i32
    %add3A_311 = vector.broadcast %add3A_310 : i32 to vector<16xi32>
    %add3A_312 = arith.addi %iota3A, %add3A_311 : vector<16xi32>
    %select_n3A_313 = arith.select %eq3A_309, %add3A_312, %broadcast_in_dim3A_0 : vector<16xi1>, vector<16xi32>
    %add3A_314 = arith.addi %add3A_258, %select_n3A_313 : vector<16xi32>
    %get3A_315 = arith.constant 0 : i32
    %get3A_316 = arith.constant 4 : i32
    %get3A_317 = arith.index_cast %get3A_315 : i32 to index
    %get3A_318 = arith.index_cast %get3A_316 : i32 to index
    %get3A_319 = arith.constant 48 : index
    %get3A_320 = tpu.vector_load %arg7[%get3A_317, %get3A_318, %get3A_319] {strides = array<i32>} : memref<2x16x128xi32, #tpu.memory_space<vmem>>, vector<16xi32>,
    %eq3A_321 = arith.constant 40480 : i32
    %eq3A_322 = vector.broadcast %eq3A_321 : i32 to vector<16xi32>
    %eq3A_323 = arith.cmpi eq, %get3A_320, %eq3A_322 : vector<16xi32>
    %add3A_324 = arith.constant 304 : i32
    %add3A_325 = vector.broadcast %add3A_324 : i32 to vector<16xi32>
    %add3A_326 = arith.addi %iota3A, %add3A_325 : vector<16xi32>
    %select_n3A_327 = arith.select %eq3A_323, %add3A_326, %broadcast_in_dim3A_0 : vector<16xi1>, vector<16xi32>
    %add3A_328 = arith.addi %add3A_272, %select_n3A_327 : vector<16xi32>
    %get3A_329 = arith.constant 0 : i32
    %get3A_330 = arith.constant 4 : i32
    %get3A_331 = arith.index_cast %get3A_329 : i32 to index
    %get3A_332 = arith.index_cast %get3A_330 : i32 to index
    %get3A_333 = arith.constant 64 : index
    %get3A_334 = tpu.vector_load %arg7[%get3A_331, %get3A_332, %get3A_333] {strides = array<i32>} : memref<2x16x128xi32, #tpu.memory_space<vmem>>, vector<16xi32>,
    %eq3A_335 = arith.constant 40480 : i32
    %eq3A_336 = vector.broadcast %eq3A_335 : i32 to vector<16xi32>
    %eq3A_337 = arith.cmpi eq, %get3A_334, %eq3A_336 : vector<16xi32>
    %add3A_338 = arith.constant 320 : i32
    %add3A_339 = vector.broadcast %add3A_338 : i32 to vector<16xi32>
    %add3A_340 = arith.addi %iota3A, %add3A_339 : vector<16xi32>
    %select_n3A_341 = arith.select %eq3A_337, %add3A_340, %broadcast_in_dim3A_0 : vector<16xi1>, vector<16xi32>
    %add3A_342 = arith.addi %add3A_286, %select_n3A_341 : vector<16xi32>
    %get3A_343 = arith.constant 0 : i32
    %get3A_344 = arith.constant 4 : i32
    %get3A_345 = arith.index_cast %get3A_343 : i32 to index
    %get3A_346 = arith.index_cast %get3A_344 : i32 to index
    %get3A_347 = arith.constant 80 : index
    %get3A_348 = tpu.vector_load %arg7[%get3A_345, %get3A_346, %get3A_347] {strides = array<i32>} : memref<2x16x128xi32, #tpu.memory_space<vmem>>, vector<16xi32>,
    %eq3A_349 = arith.constant 40480 : i32
    %eq3A_350 = vector.broadcast %eq3A_349 : i32 to vector<16xi32>
    %eq3A_351 = arith.cmpi eq, %get3A_348, %eq3A_350 : vector<16xi32>
    %add3A_352 = arith.constant 336 : i32
    %add3A_353 = vector.broadcast %add3A_352 : i32 to vector<16xi32>
    %add3A_354 = arith.addi %iota3A, %add3A_353 : vector<16xi32>
    %select_n3A_355 = arith.select %eq3A_351, %add3A_354, %broadcast_in_dim3A_0 : vector<16xi1>, vector<16xi32>
    %add3A_356 = arith.addi %add3A_300, %select_n3A_355 : vector<16xi32>
    %get3A_357 = arith.constant 0 : i32
    %get3A_358 = arith.constant 4 : i32
    %get3A_359 = arith.index_cast %get3A_357 : i32 to index
    %get3A_360 = arith.index_cast %get3A_358 : i32 to index
    %get3A_361 = arith.constant 96 : index
    %get3A_362 = tpu.vector_load %arg7[%get3A_359, %get3A_360, %get3A_361] {strides = array<i32>} : memref<2x16x128xi32, #tpu.memory_space<vmem>>, vector<16xi32>,
    %eq3A_363 = arith.constant 40480 : i32
    %eq3A_364 = vector.broadcast %eq3A_363 : i32 to vector<16xi32>
    %eq3A_365 = arith.cmpi eq, %get3A_362, %eq3A_364 : vector<16xi32>
    %add3A_366 = arith.constant 352 : i32
    %add3A_367 = vector.broadcast %add3A_366 : i32 to vector<16xi32>
    %add3A_368 = arith.addi %iota3A, %add3A_367 : vector<16xi32>
    %select_n3A_369 = arith.select %eq3A_365, %add3A_368, %broadcast_in_dim3A_0 : vector<16xi1>, vector<16xi32>
    %add3A_370 = arith.addi %add3A_314, %select_n3A_369 : vector<16xi32>
    %get3A_371 = arith.constant 0 : i32
    %get3A_372 = arith.constant 4 : i32
    %get3A_373 = arith.index_cast %get3A_371 : i32 to index
    %get3A_374 = arith.index_cast %get3A_372 : i32 to index
    %get3A_375 = arith.constant 112 : index
    %get3A_376 = tpu.vector_load %arg7[%get3A_373, %get3A_374, %get3A_375] {strides = array<i32>} : memref<2x16x128xi32, #tpu.memory_space<vmem>>, vector<16xi32>,
    %eq3A_377 = arith.constant 40480 : i32
    %eq3A_378 = vector.broadcast %eq3A_377 : i32 to vector<16xi32>
    %eq3A_379 = arith.cmpi eq, %get3A_376, %eq3A_378 : vector<16xi32>
    %add3A_380 = arith.constant 368 : i32
    %add3A_381 = vector.broadcast %add3A_380 : i32 to vector<16xi32>
    %add3A_382 = arith.addi %iota3A, %add3A_381 : vector<16xi32>
    %select_n3A_383 = arith.select %eq3A_379, %add3A_382, %broadcast_in_dim3A_0 : vector<16xi1>, vector<16xi32>
    %add3A_384 = arith.addi %add3A_328, %select_n3A_383 : vector<16xi32>
    %get3A_385 = arith.constant 0 : i32
    %get3A_386 = arith.constant 6 : i32
    %get3A_387 = arith.index_cast %get3A_385 : i32 to index
    %get3A_388 = arith.index_cast %get3A_386 : i32 to index
    %get3A_389 = arith.constant 0 : index
    %get3A_390 = tpu.vector_load %arg7[%get3A_387, %get3A_388, %get3A_389] {strides = array<i32>} : memref<2x16x128xi32, #tpu.memory_space<vmem>>, vector<16xi32>,
    %eq3A_391 = arith.constant 40480 : i32
    %eq3A_392 = vector.broadcast %eq3A_391 : i32 to vector<16xi32>
    %eq3A_393 = arith.cmpi eq, %get3A_390, %eq3A_392 : vector<16xi32>
    %add3A_394 = arith.constant 384 : i32
    %add3A_395 = vector.broadcast %add3A_394 : i32 to vector<16xi32>
    %add3A_396 = arith.addi %iota3A, %add3A_395 : vector<16xi32>
    %select_n3A_397 = arith.select %eq3A_393, %add3A_396, %broadcast_in_dim3A_0 : vector<16xi1>, vector<16xi32>
    %add3A_398 = arith.addi %add3A_342, %select_n3A_397 : vector<16xi32>
    %get3A_399 = arith.constant 0 : i32
    %get3A_400 = arith.constant 6 : i32
    %get3A_401 = arith.index_cast %get3A_399 : i32 to index
    %get3A_402 = arith.index_cast %get3A_400 : i32 to index
    %get3A_403 = arith.constant 16 : index
    %get3A_404 = tpu.vector_load %arg7[%get3A_401, %get3A_402, %get3A_403] {strides = array<i32>} : memref<2x16x128xi32, #tpu.memory_space<vmem>>, vector<16xi32>,
    %eq3A_405 = arith.constant 40480 : i32
    %eq3A_406 = vector.broadcast %eq3A_405 : i32 to vector<16xi32>
    %eq3A_407 = arith.cmpi eq, %get3A_404, %eq3A_406 : vector<16xi32>
    %add3A_408 = arith.constant 400 : i32
    %add3A_409 = vector.broadcast %add3A_408 : i32 to vector<16xi32>
    %add3A_410 = arith.addi %iota3A, %add3A_409 : vector<16xi32>
    %select_n3A_411 = arith.select %eq3A_407, %add3A_410, %broadcast_in_dim3A_0 : vector<16xi1>, vector<16xi32>
    %add3A_412 = arith.addi %add3A_356, %select_n3A_411 : vector<16xi32>
    %get3A_413 = arith.constant 0 : i32
    %get3A_414 = arith.constant 6 : i32
    %get3A_415 = arith.index_cast %get3A_413 : i32 to index
    %get3A_416 = arith.index_cast %get3A_414 : i32 to index
    %get3A_417 = arith.constant 32 : index
    %get3A_418 = tpu.vector_load %arg7[%get3A_415, %get3A_416, %get3A_417] {strides = array<i32>} : memref<2x16x128xi32, #tpu.memory_space<vmem>>, vector<16xi32>,
    %eq3A_419 = arith.constant 40480 : i32
    %eq3A_420 = vector.broadcast %eq3A_419 : i32 to vector<16xi32>
    %eq3A_421 = arith.cmpi eq, %get3A_418, %eq3A_420 : vector<16xi32>
    %add3A_422 = arith.constant 416 : i32
    %add3A_423 = vector.broadcast %add3A_422 : i32 to vector<16xi32>
    %add3A_424 = arith.addi %iota3A, %add3A_423 : vector<16xi32>
    %select_n3A_425 = arith.select %eq3A_421, %add3A_424, %broadcast_in_dim3A_0 : vector<16xi1>, vector<16xi32>
    %add3A_426 = arith.addi %add3A_370, %select_n3A_425 : vector<16xi32>
    %get3A_427 = arith.constant 0 : i32
    %get3A_428 = arith.constant 6 : i32
    %get3A_429 = arith.index_cast %get3A_427 : i32 to index
    %get3A_430 = arith.index_cast %get3A_428 : i32 to index
    %get3A_431 = arith.constant 48 : index
    %get3A_432 = tpu.vector_load %arg7[%get3A_429, %get3A_430, %get3A_431] {strides = array<i32>} : memref<2x16x128xi32, #tpu.memory_space<vmem>>, vector<16xi32>,
    %eq3A_433 = arith.constant 40480 : i32
    %eq3A_434 = vector.broadcast %eq3A_433 : i32 to vector<16xi32>
    %eq3A_435 = arith.cmpi eq, %get3A_432, %eq3A_434 : vector<16xi32>
    %add3A_436 = arith.constant 432 : i32
    %add3A_437 = vector.broadcast %add3A_436 : i32 to vector<16xi32>
    %add3A_438 = arith.addi %iota3A, %add3A_437 : vector<16xi32>
    %select_n3A_439 = arith.select %eq3A_435, %add3A_438, %broadcast_in_dim3A_0 : vector<16xi1>, vector<16xi32>
    %add3A_440 = arith.addi %add3A_384, %select_n3A_439 : vector<16xi32>
    %get3A_441 = arith.constant 0 : i32
    %get3A_442 = arith.constant 6 : i32
    %get3A_443 = arith.index_cast %get3A_441 : i32 to index
    %get3A_444 = arith.index_cast %get3A_442 : i32 to index
    %get3A_445 = arith.constant 64 : index
    %get3A_446 = tpu.vector_load %arg7[%get3A_443, %get3A_444, %get3A_445] {strides = array<i32>} : memref<2x16x128xi32, #tpu.memory_space<vmem>>, vector<16xi32>,
    %eq3A_447 = arith.constant 40480 : i32
    %eq3A_448 = vector.broadcast %eq3A_447 : i32 to vector<16xi32>
    %eq3A_449 = arith.cmpi eq, %get3A_446, %eq3A_448 : vector<16xi32>
    %add3A_450 = arith.constant 448 : i32
    %add3A_451 = vector.broadcast %add3A_450 : i32 to vector<16xi32>
    %add3A_452 = arith.addi %iota3A, %add3A_451 : vector<16xi32>
    %select_n3A_453 = arith.select %eq3A_449, %add3A_452, %broadcast_in_dim3A_0 : vector<16xi1>, vector<16xi32>
    %add3A_454 = arith.addi %add3A_398, %select_n3A_453 : vector<16xi32>
    %get3A_455 = arith.constant 0 : i32
    %get3A_456 = arith.constant 6 : i32
    %get3A_457 = arith.index_cast %get3A_455 : i32 to index
    %get3A_458 = arith.index_cast %get3A_456 : i32 to index
    %get3A_459 = arith.constant 80 : index
    %get3A_460 = tpu.vector_load %arg7[%get3A_457, %get3A_458, %get3A_459] {strides = array<i32>} : memref<2x16x128xi32, #tpu.memory_space<vmem>>, vector<16xi32>,
    %eq3A_461 = arith.constant 40480 : i32
    %eq3A_462 = vector.broadcast %eq3A_461 : i32 to vector<16xi32>
    %eq3A_463 = arith.cmpi eq, %get3A_460, %eq3A_462 : vector<16xi32>
    %add3A_464 = arith.constant 464 : i32
    %add3A_465 = vector.broadcast %add3A_464 : i32 to vector<16xi32>
    %add3A_466 = arith.addi %iota3A, %add3A_465 : vector<16xi32>
    %select_n3A_467 = arith.select %eq3A_463, %add3A_466, %broadcast_in_dim3A_0 : vector<16xi1>, vector<16xi32>
    %add3A_468 = arith.addi %add3A_412, %select_n3A_467 : vector<16xi32>
    %get3A_469 = arith.constant 0 : i32
    %get3A_470 = arith.constant 6 : i32
    %get3A_471 = arith.index_cast %get3A_469 : i32 to index
    %get3A_472 = arith.index_cast %get3A_470 : i32 to index
    %get3A_473 = arith.constant 96 : index
    %get3A_474 = tpu.vector_load %arg7[%get3A_471, %get3A_472, %get3A_473] {strides = array<i32>} : memref<2x16x128xi32, #tpu.memory_space<vmem>>, vector<16xi32>,
    %eq3A_475 = arith.constant 40480 : i32
    %eq3A_476 = vector.broadcast %eq3A_475 : i32 to vector<16xi32>
    %eq3A_477 = arith.cmpi eq, %get3A_474, %eq3A_476 : vector<16xi32>
    %add3A_478 = arith.constant 480 : i32
    %add3A_479 = vector.broadcast %add3A_478 : i32 to vector<16xi32>
    %add3A_480 = arith.addi %iota3A, %add3A_479 : vector<16xi32>
    %select_n3A_481 = arith.select %eq3A_477, %add3A_480, %broadcast_in_dim3A_0 : vector<16xi1>, vector<16xi32>
    %add3A_482 = arith.addi %add3A_426, %select_n3A_481 : vector<16xi32>
    %get3A_483 = arith.constant 0 : i32
    %get3A_484 = arith.constant 6 : i32
    %get3A_485 = arith.index_cast %get3A_483 : i32 to index
    %get3A_486 = arith.index_cast %get3A_484 : i32 to index
    %get3A_487 = arith.constant 112 : index
    %get3A_488 = tpu.vector_load %arg7[%get3A_485, %get3A_486, %get3A_487] {strides = array<i32>} : memref<2x16x128xi32, #tpu.memory_space<vmem>>, vector<16xi32>,
    %eq3A_489 = arith.constant 40480 : i32
    %eq3A_490 = vector.broadcast %eq3A_489 : i32 to vector<16xi32>
    %eq3A_491 = arith.cmpi eq, %get3A_488, %eq3A_490 : vector<16xi32>
    %add3A_492 = arith.constant 496 : i32
    %add3A_493 = vector.broadcast %add3A_492 : i32 to vector<16xi32>
    %add3A_494 = arith.addi %iota3A, %add3A_493 : vector<16xi32>
    %select_n3A_495 = arith.select %eq3A_491, %add3A_494, %broadcast_in_dim3A_0 : vector<16xi1>, vector<16xi32>
    %add3A_496 = arith.addi %add3A_440, %select_n3A_495 : vector<16xi32>
    %get3A_497 = arith.constant 0 : i32
    %get3A_498 = arith.constant 8 : i32
    %get3A_499 = arith.index_cast %get3A_497 : i32 to index
    %get3A_500 = arith.index_cast %get3A_498 : i32 to index
    %get3A_501 = arith.constant 0 : index
    %get3A_502 = tpu.vector_load %arg7[%get3A_499, %get3A_500, %get3A_501] {strides = array<i32>} : memref<2x16x128xi32, #tpu.memory_space<vmem>>, vector<16xi32>,
    %eq3A_503 = arith.constant 40480 : i32
    %eq3A_504 = vector.broadcast %eq3A_503 : i32 to vector<16xi32>
    %eq3A_505 = arith.cmpi eq, %get3A_502, %eq3A_504 : vector<16xi32>
    %add3A_506 = arith.constant 512 : i32
    %add3A_507 = vector.broadcast %add3A_506 : i32 to vector<16xi32>
    %add3A_508 = arith.addi %iota3A, %add3A_507 : vector<16xi32>
    %select_n3A_509 = arith.select %eq3A_505, %add3A_508, %broadcast_in_dim3A_0 : vector<16xi1>, vector<16xi32>
    %add3A_510 = arith.addi %add3A_454, %select_n3A_509 : vector<16xi32>
    %get3A_511 = arith.constant 0 : i32
    %get3A_512 = arith.constant 8 : i32
    %get3A_513 = arith.index_cast %get3A_511 : i32 to index
    %get3A_514 = arith.index_cast %get3A_512 : i32 to index
    %get3A_515 = arith.constant 16 : index
    %get3A_516 = tpu.vector_load %arg7[%get3A_513, %get3A_514, %get3A_515] {strides = array<i32>} : memref<2x16x128xi32, #tpu.memory_space<vmem>>, vector<16xi32>,
    %eq3A_517 = arith.constant 40480 : i32
    %eq3A_518 = vector.broadcast %eq3A_517 : i32 to vector<16xi32>
    %eq3A_519 = arith.cmpi eq, %get3A_516, %eq3A_518 : vector<16xi32>
    %add3A_520 = arith.constant 528 : i32
    %add3A_521 = vector.broadcast %add3A_520 : i32 to vector<16xi32>
    %add3A_522 = arith.addi %iota3A, %add3A_521 : vector<16xi32>
    %select_n3A_523 = arith.select %eq3A_519, %add3A_522, %broadcast_in_dim3A_0 : vector<16xi1>, vector<16xi32>
    %add3A_524 = arith.addi %add3A_468, %select_n3A_523 : vector<16xi32>
    %get3A_525 = arith.constant 0 : i32
    %get3A_526 = arith.constant 8 : i32
    %get3A_527 = arith.index_cast %get3A_525 : i32 to index
    %get3A_528 = arith.index_cast %get3A_526 : i32 to index
    %get3A_529 = arith.constant 32 : index
    %get3A_530 = tpu.vector_load %arg7[%get3A_527, %get3A_528, %get3A_529] {strides = array<i32>} : memref<2x16x128xi32, #tpu.memory_space<vmem>>, vector<16xi32>,
    %eq3A_531 = arith.constant 40480 : i32
    %eq3A_532 = vector.broadcast %eq3A_531 : i32 to vector<16xi32>
    %eq3A_533 = arith.cmpi eq, %get3A_530, %eq3A_532 : vector<16xi32>
    %add3A_534 = arith.constant 544 : i32
    %add3A_535 = vector.broadcast %add3A_534 : i32 to vector<16xi32>
    %add3A_536 = arith.addi %iota3A, %add3A_535 : vector<16xi32>
    %select_n3A_537 = arith.select %eq3A_533, %add3A_536, %broadcast_in_dim3A_0 : vector<16xi1>, vector<16xi32>
    %add3A_538 = arith.addi %add3A_482, %select_n3A_537 : vector<16xi32>
    %get3A_539 = arith.constant 0 : i32
    %get3A_540 = arith.constant 8 : i32
    %get3A_541 = arith.index_cast %get3A_539 : i32 to index
    %get3A_542 = arith.index_cast %get3A_540 : i32 to index
    %get3A_543 = arith.constant 48 : index
    %get3A_544 = tpu.vector_load %arg7[%get3A_541, %get3A_542, %get3A_543] {strides = array<i32>} : memref<2x16x128xi32, #tpu.memory_space<vmem>>, vector<16xi32>,
    %eq3A_545 = arith.constant 40480 : i32
    %eq3A_546 = vector.broadcast %eq3A_545 : i32 to vector<16xi32>
    %eq3A_547 = arith.cmpi eq, %get3A_544, %eq3A_546 : vector<16xi32>
    %add3A_548 = arith.constant 560 : i32
    %add3A_549 = vector.broadcast %add3A_548 : i32 to vector<16xi32>
    %add3A_550 = arith.addi %iota3A, %add3A_549 : vector<16xi32>
    %select_n3A_551 = arith.select %eq3A_547, %add3A_550, %broadcast_in_dim3A_0 : vector<16xi1>, vector<16xi32>
    %add3A_552 = arith.addi %add3A_496, %select_n3A_551 : vector<16xi32>
    %get3A_553 = arith.constant 0 : i32
    %get3A_554 = arith.constant 8 : i32
    %get3A_555 = arith.index_cast %get3A_553 : i32 to index
    %get3A_556 = arith.index_cast %get3A_554 : i32 to index
    %get3A_557 = arith.constant 64 : index
    %get3A_558 = tpu.vector_load %arg7[%get3A_555, %get3A_556, %get3A_557] {strides = array<i32>} : memref<2x16x128xi32, #tpu.memory_space<vmem>>, vector<16xi32>,
    %eq3A_559 = arith.constant 40480 : i32
    %eq3A_560 = vector.broadcast %eq3A_559 : i32 to vector<16xi32>
    %eq3A_561 = arith.cmpi eq, %get3A_558, %eq3A_560 : vector<16xi32>
    %add3A_562 = arith.constant 576 : i32
    %add3A_563 = vector.broadcast %add3A_562 : i32 to vector<16xi32>
    %add3A_564 = arith.addi %iota3A, %add3A_563 : vector<16xi32>
    %select_n3A_565 = arith.select %eq3A_561, %add3A_564, %broadcast_in_dim3A_0 : vector<16xi1>, vector<16xi32>
    %add3A_566 = arith.addi %add3A_510, %select_n3A_565 : vector<16xi32>
    %get3A_567 = arith.constant 0 : i32
    %get3A_568 = arith.constant 8 : i32
    %get3A_569 = arith.index_cast %get3A_567 : i32 to index
    %get3A_570 = arith.index_cast %get3A_568 : i32 to index
    %get3A_571 = arith.constant 80 : index
    %get3A_572 = tpu.vector_load %arg7[%get3A_569, %get3A_570, %get3A_571] {strides = array<i32>} : memref<2x16x128xi32, #tpu.memory_space<vmem>>, vector<16xi32>,
    %eq3A_573 = arith.constant 40480 : i32
    %eq3A_574 = vector.broadcast %eq3A_573 : i32 to vector<16xi32>
    %eq3A_575 = arith.cmpi eq, %get3A_572, %eq3A_574 : vector<16xi32>
    %add3A_576 = arith.constant 592 : i32
    %add3A_577 = vector.broadcast %add3A_576 : i32 to vector<16xi32>
    %add3A_578 = arith.addi %iota3A, %add3A_577 : vector<16xi32>
    %select_n3A_579 = arith.select %eq3A_575, %add3A_578, %broadcast_in_dim3A_0 : vector<16xi1>, vector<16xi32>
    %add3A_580 = arith.addi %add3A_524, %select_n3A_579 : vector<16xi32>
    %get3A_581 = arith.constant 0 : i32
    %get3A_582 = arith.constant 8 : i32
    %get3A_583 = arith.index_cast %get3A_581 : i32 to index
    %get3A_584 = arith.index_cast %get3A_582 : i32 to index
    %get3A_585 = arith.constant 96 : index
    %get3A_586 = tpu.vector_load %arg7[%get3A_583, %get3A_584, %get3A_585] {strides = array<i32>} : memref<2x16x128xi32, #tpu.memory_space<vmem>>, vector<16xi32>,
    %eq3A_587 = arith.constant 40480 : i32
    %eq3A_588 = vector.broadcast %eq3A_587 : i32 to vector<16xi32>
    %eq3A_589 = arith.cmpi eq, %get3A_586, %eq3A_588 : vector<16xi32>
    %add3A_590 = arith.constant 608 : i32
    %add3A_591 = vector.broadcast %add3A_590 : i32 to vector<16xi32>
    %add3A_592 = arith.addi %iota3A, %add3A_591 : vector<16xi32>
    %select_n3A_593 = arith.select %eq3A_589, %add3A_592, %broadcast_in_dim3A_0 : vector<16xi1>, vector<16xi32>
    %add3A_594 = arith.addi %add3A_538, %select_n3A_593 : vector<16xi32>
    %get3A_595 = arith.constant 0 : i32
    %get3A_596 = arith.constant 8 : i32
    %get3A_597 = arith.index_cast %get3A_595 : i32 to index
    %get3A_598 = arith.index_cast %get3A_596 : i32 to index
    %get3A_599 = arith.constant 112 : index
    %get3A_600 = tpu.vector_load %arg7[%get3A_597, %get3A_598, %get3A_599] {strides = array<i32>} : memref<2x16x128xi32, #tpu.memory_space<vmem>>, vector<16xi32>,
    %eq3A_601 = arith.constant 40480 : i32
    %eq3A_602 = vector.broadcast %eq3A_601 : i32 to vector<16xi32>
    %eq3A_603 = arith.cmpi eq, %get3A_600, %eq3A_602 : vector<16xi32>
    %add3A_604 = arith.constant 624 : i32
    %add3A_605 = vector.broadcast %add3A_604 : i32 to vector<16xi32>
    %add3A_606 = arith.addi %iota3A, %add3A_605 : vector<16xi32>
    %select_n3A_607 = arith.select %eq3A_603, %add3A_606, %broadcast_in_dim3A_0 : vector<16xi1>, vector<16xi32>
    %add3A_608 = arith.addi %add3A_552, %select_n3A_607 : vector<16xi32>
    %get3A_609 = arith.constant 0 : i32
    %get3A_610 = arith.constant 10 : i32
    %get3A_611 = arith.index_cast %get3A_609 : i32 to index
    %get3A_612 = arith.index_cast %get3A_610 : i32 to index
    %get3A_613 = arith.constant 0 : index
    %get3A_614 = tpu.vector_load %arg7[%get3A_611, %get3A_612, %get3A_613] {strides = array<i32>} : memref<2x16x128xi32, #tpu.memory_space<vmem>>, vector<16xi32>,
    %eq3A_615 = arith.constant 40480 : i32
    %eq3A_616 = vector.broadcast %eq3A_615 : i32 to vector<16xi32>
    %eq3A_617 = arith.cmpi eq, %get3A_614, %eq3A_616 : vector<16xi32>
    %add3A_618 = arith.constant 640 : i32
    %add3A_619 = vector.broadcast %add3A_618 : i32 to vector<16xi32>
    %add3A_620 = arith.addi %iota3A, %add3A_619 : vector<16xi32>
    %select_n3A_621 = arith.select %eq3A_617, %add3A_620, %broadcast_in_dim3A_0 : vector<16xi1>, vector<16xi32>
    %add3A_622 = arith.addi %add3A_566, %select_n3A_621 : vector<16xi32>
    %get3A_623 = arith.constant 0 : i32
    %get3A_624 = arith.constant 10 : i32
    %get3A_625 = arith.index_cast %get3A_623 : i32 to index
    %get3A_626 = arith.index_cast %get3A_624 : i32 to index
    %get3A_627 = arith.constant 16 : index
    %get3A_628 = tpu.vector_load %arg7[%get3A_625, %get3A_626, %get3A_627] {strides = array<i32>} : memref<2x16x128xi32, #tpu.memory_space<vmem>>, vector<16xi32>,
    %eq3A_629 = arith.constant 40480 : i32
    %eq3A_630 = vector.broadcast %eq3A_629 : i32 to vector<16xi32>
    %eq3A_631 = arith.cmpi eq, %get3A_628, %eq3A_630 : vector<16xi32>
    %add3A_632 = arith.constant 656 : i32
    %add3A_633 = vector.broadcast %add3A_632 : i32 to vector<16xi32>
    %add3A_634 = arith.addi %iota3A, %add3A_633 : vector<16xi32>
    %select_n3A_635 = arith.select %eq3A_631, %add3A_634, %broadcast_in_dim3A_0 : vector<16xi1>, vector<16xi32>
    %add3A_636 = arith.addi %add3A_580, %select_n3A_635 : vector<16xi32>
    %get3A_637 = arith.constant 0 : i32
    %get3A_638 = arith.constant 10 : i32
    %get3A_639 = arith.index_cast %get3A_637 : i32 to index
    %get3A_640 = arith.index_cast %get3A_638 : i32 to index
    %get3A_641 = arith.constant 32 : index
    %get3A_642 = tpu.vector_load %arg7[%get3A_639, %get3A_640, %get3A_641] {strides = array<i32>} : memref<2x16x128xi32, #tpu.memory_space<vmem>>, vector<16xi32>,
    %eq3A_643 = arith.constant 40480 : i32
    %eq3A_644 = vector.broadcast %eq3A_643 : i32 to vector<16xi32>
    %eq3A_645 = arith.cmpi eq, %get3A_642, %eq3A_644 : vector<16xi32>
    %add3A_646 = arith.constant 672 : i32
    %add3A_647 = vector.broadcast %add3A_646 : i32 to vector<16xi32>
    %add3A_648 = arith.addi %iota3A, %add3A_647 : vector<16xi32>
    %select_n3A_649 = arith.select %eq3A_645, %add3A_648, %broadcast_in_dim3A_0 : vector<16xi1>, vector<16xi32>
    %add3A_650 = arith.addi %add3A_594, %select_n3A_649 : vector<16xi32>
    %get3A_651 = arith.constant 0 : i32
    %get3A_652 = arith.constant 10 : i32
    %get3A_653 = arith.index_cast %get3A_651 : i32 to index
    %get3A_654 = arith.index_cast %get3A_652 : i32 to index
    %get3A_655 = arith.constant 48 : index
    %get3A_656 = tpu.vector_load %arg7[%get3A_653, %get3A_654, %get3A_655] {strides = array<i32>} : memref<2x16x128xi32, #tpu.memory_space<vmem>>, vector<16xi32>,
    %eq3A_657 = arith.constant 40480 : i32
    %eq3A_658 = vector.broadcast %eq3A_657 : i32 to vector<16xi32>
    %eq3A_659 = arith.cmpi eq, %get3A_656, %eq3A_658 : vector<16xi32>
    %add3A_660 = arith.constant 688 : i32
    %add3A_661 = vector.broadcast %add3A_660 : i32 to vector<16xi32>
    %add3A_662 = arith.addi %iota3A, %add3A_661 : vector<16xi32>
    %select_n3A_663 = arith.select %eq3A_659, %add3A_662, %broadcast_in_dim3A_0 : vector<16xi1>, vector<16xi32>
    %add3A_664 = arith.addi %add3A_608, %select_n3A_663 : vector<16xi32>
    %get3A_665 = arith.constant 0 : i32
    %get3A_666 = arith.constant 10 : i32
    %get3A_667 = arith.index_cast %get3A_665 : i32 to index
    %get3A_668 = arith.index_cast %get3A_666 : i32 to index
    %get3A_669 = arith.constant 64 : index
    %get3A_670 = tpu.vector_load %arg7[%get3A_667, %get3A_668, %get3A_669] {strides = array<i32>} : memref<2x16x128xi32, #tpu.memory_space<vmem>>, vector<16xi32>,
    %eq3A_671 = arith.constant 40480 : i32
    %eq3A_672 = vector.broadcast %eq3A_671 : i32 to vector<16xi32>
    %eq3A_673 = arith.cmpi eq, %get3A_670, %eq3A_672 : vector<16xi32>
    %add3A_674 = arith.constant 704 : i32
    %add3A_675 = vector.broadcast %add3A_674 : i32 to vector<16xi32>
    %add3A_676 = arith.addi %iota3A, %add3A_675 : vector<16xi32>
    %select_n3A_677 = arith.select %eq3A_673, %add3A_676, %broadcast_in_dim3A_0 : vector<16xi1>, vector<16xi32>
    %add3A_678 = arith.addi %add3A_622, %select_n3A_677 : vector<16xi32>
    %get3A_679 = arith.constant 0 : i32
    %get3A_680 = arith.constant 10 : i32
    %get3A_681 = arith.index_cast %get3A_679 : i32 to index
    %get3A_682 = arith.index_cast %get3A_680 : i32 to index
    %get3A_683 = arith.constant 80 : index
    %get3A_684 = tpu.vector_load %arg7[%get3A_681, %get3A_682, %get3A_683] {strides = array<i32>} : memref<2x16x128xi32, #tpu.memory_space<vmem>>, vector<16xi32>,
    %eq3A_685 = arith.constant 40480 : i32
    %eq3A_686 = vector.broadcast %eq3A_685 : i32 to vector<16xi32>
    %eq3A_687 = arith.cmpi eq, %get3A_684, %eq3A_686 : vector<16xi32>
    %add3A_688 = arith.constant 720 : i32
    %add3A_689 = vector.broadcast %add3A_688 : i32 to vector<16xi32>
    %add3A_690 = arith.addi %iota3A, %add3A_689 : vector<16xi32>
    %select_n3A_691 = arith.select %eq3A_687, %add3A_690, %broadcast_in_dim3A_0 : vector<16xi1>, vector<16xi32>
    %add3A_692 = arith.addi %add3A_636, %select_n3A_691 : vector<16xi32>
    %get3A_693 = arith.constant 0 : i32
    %get3A_694 = arith.constant 10 : i32
    %get3A_695 = arith.index_cast %get3A_693 : i32 to index
    %get3A_696 = arith.index_cast %get3A_694 : i32 to index
    %get3A_697 = arith.constant 96 : index
    %get3A_698 = tpu.vector_load %arg7[%get3A_695, %get3A_696, %get3A_697] {strides = array<i32>} : memref<2x16x128xi32, #tpu.memory_space<vmem>>, vector<16xi32>,
    %eq3A_699 = arith.constant 40480 : i32
    %eq3A_700 = vector.broadcast %eq3A_699 : i32 to vector<16xi32>
    %eq3A_701 = arith.cmpi eq, %get3A_698, %eq3A_700 : vector<16xi32>
    %add3A_702 = arith.constant 736 : i32
    %add3A_703 = vector.broadcast %add3A_702 : i32 to vector<16xi32>
    %add3A_704 = arith.addi %iota3A, %add3A_703 : vector<16xi32>
    %select_n3A_705 = arith.select %eq3A_701, %add3A_704, %broadcast_in_dim3A_0 : vector<16xi1>, vector<16xi32>
    %add3A_706 = arith.addi %add3A_650, %select_n3A_705 : vector<16xi32>
    %get3A_707 = arith.constant 0 : i32
    %get3A_708 = arith.constant 10 : i32
    %get3A_709 = arith.index_cast %get3A_707 : i32 to index
    %get3A_710 = arith.index_cast %get3A_708 : i32 to index
    %get3A_711 = arith.constant 112 : index
    %get3A_712 = tpu.vector_load %arg7[%get3A_709, %get3A_710, %get3A_711] {strides = array<i32>} : memref<2x16x128xi32, #tpu.memory_space<vmem>>, vector<16xi32>,
    %eq3A_713 = arith.constant 40480 : i32
    %eq3A_714 = vector.broadcast %eq3A_713 : i32 to vector<16xi32>
    %eq3A_715 = arith.cmpi eq, %get3A_712, %eq3A_714 : vector<16xi32>
    %add3A_716 = arith.constant 752 : i32
    %add3A_717 = vector.broadcast %add3A_716 : i32 to vector<16xi32>
    %add3A_718 = arith.addi %iota3A, %add3A_717 : vector<16xi32>
    %select_n3A_719 = arith.select %eq3A_715, %add3A_718, %broadcast_in_dim3A_0 : vector<16xi1>, vector<16xi32>
    %add3A_720 = arith.addi %add3A_664, %select_n3A_719 : vector<16xi32>
    %get3A_721 = arith.constant 0 : i32
    %get3A_722 = arith.constant 12 : i32
    %get3A_723 = arith.index_cast %get3A_721 : i32 to index
    %get3A_724 = arith.index_cast %get3A_722 : i32 to index
    %get3A_725 = arith.constant 0 : index
    %get3A_726 = tpu.vector_load %arg7[%get3A_723, %get3A_724, %get3A_725] {strides = array<i32>} : memref<2x16x128xi32, #tpu.memory_space<vmem>>, vector<16xi32>,
    %eq3A_727 = arith.constant 40480 : i32
    %eq3A_728 = vector.broadcast %eq3A_727 : i32 to vector<16xi32>
    %eq3A_729 = arith.cmpi eq, %get3A_726, %eq3A_728 : vector<16xi32>
    %add3A_730 = arith.constant 768 : i32
    %add3A_731 = vector.broadcast %add3A_730 : i32 to vector<16xi32>
    %add3A_732 = arith.addi %iota3A, %add3A_731 : vector<16xi32>
    %select_n3A_733 = arith.select %eq3A_729, %add3A_732, %broadcast_in_dim3A_0 : vector<16xi1>, vector<16xi32>
    %add3A_734 = arith.addi %add3A_678, %select_n3A_733 : vector<16xi32>
    %get3A_735 = arith.constant 0 : i32
    %get3A_736 = arith.constant 12 : i32
    %get3A_737 = arith.index_cast %get3A_735 : i32 to index
    %get3A_738 = arith.index_cast %get3A_736 : i32 to index
    %get3A_739 = arith.constant 16 : index
    %get3A_740 = tpu.vector_load %arg7[%get3A_737, %get3A_738, %get3A_739] {strides = array<i32>} : memref<2x16x128xi32, #tpu.memory_space<vmem>>, vector<16xi32>,
    %eq3A_741 = arith.constant 40480 : i32
    %eq3A_742 = vector.broadcast %eq3A_741 : i32 to vector<16xi32>
    %eq3A_743 = arith.cmpi eq, %get3A_740, %eq3A_742 : vector<16xi32>
    %add3A_744 = arith.constant 784 : i32
    %add3A_745 = vector.broadcast %add3A_744 : i32 to vector<16xi32>
    %add3A_746 = arith.addi %iota3A, %add3A_745 : vector<16xi32>
    %select_n3A_747 = arith.select %eq3A_743, %add3A_746, %broadcast_in_dim3A_0 : vector<16xi1>, vector<16xi32>
    %add3A_748 = arith.addi %add3A_692, %select_n3A_747 : vector<16xi32>
    %get3A_749 = arith.constant 0 : i32
    %get3A_750 = arith.constant 12 : i32
    %get3A_751 = arith.index_cast %get3A_749 : i32 to index
    %get3A_752 = arith.index_cast %get3A_750 : i32 to index
    %get3A_753 = arith.constant 32 : index
    %get3A_754 = tpu.vector_load %arg7[%get3A_751, %get3A_752, %get3A_753] {strides = array<i32>} : memref<2x16x128xi32, #tpu.memory_space<vmem>>, vector<16xi32>,
    %eq3A_755 = arith.constant 40480 : i32
    %eq3A_756 = vector.broadcast %eq3A_755 : i32 to vector<16xi32>
    %eq3A_757 = arith.cmpi eq, %get3A_754, %eq3A_756 : vector<16xi32>
    %add3A_758 = arith.constant 800 : i32
    %add3A_759 = vector.broadcast %add3A_758 : i32 to vector<16xi32>
    %add3A_760 = arith.addi %iota3A, %add3A_759 : vector<16xi32>
    %select_n3A_761 = arith.select %eq3A_757, %add3A_760, %broadcast_in_dim3A_0 : vector<16xi1>, vector<16xi32>
    %add3A_762 = arith.addi %add3A_706, %select_n3A_761 : vector<16xi32>
    %get3A_763 = arith.constant 0 : i32
    %get3A_764 = arith.constant 12 : i32
    %get3A_765 = arith.index_cast %get3A_763 : i32 to index
    %get3A_766 = arith.index_cast %get3A_764 : i32 to index
    %get3A_767 = arith.constant 48 : index
    %get3A_768 = tpu.vector_load %arg7[%get3A_765, %get3A_766, %get3A_767] {strides = array<i32>} : memref<2x16x128xi32, #tpu.memory_space<vmem>>, vector<16xi32>,
    %eq3A_769 = arith.constant 40480 : i32
    %eq3A_770 = vector.broadcast %eq3A_769 : i32 to vector<16xi32>
    %eq3A_771 = arith.cmpi eq, %get3A_768, %eq3A_770 : vector<16xi32>
    %add3A_772 = arith.constant 816 : i32
    %add3A_773 = vector.broadcast %add3A_772 : i32 to vector<16xi32>
    %add3A_774 = arith.addi %iota3A, %add3A_773 : vector<16xi32>
    %select_n3A_775 = arith.select %eq3A_771, %add3A_774, %broadcast_in_dim3A_0 : vector<16xi1>, vector<16xi32>
    %add3A_776 = arith.addi %add3A_720, %select_n3A_775 : vector<16xi32>
    %get3A_777 = arith.constant 0 : i32
    %get3A_778 = arith.constant 12 : i32
    %get3A_779 = arith.index_cast %get3A_777 : i32 to index
    %get3A_780 = arith.index_cast %get3A_778 : i32 to index
    %get3A_781 = arith.constant 64 : index
    %get3A_782 = tpu.vector_load %arg7[%get3A_779, %get3A_780, %get3A_781] {strides = array<i32>} : memref<2x16x128xi32, #tpu.memory_space<vmem>>, vector<16xi32>,
    %eq3A_783 = arith.constant 40480 : i32
    %eq3A_784 = vector.broadcast %eq3A_783 : i32 to vector<16xi32>
    %eq3A_785 = arith.cmpi eq, %get3A_782, %eq3A_784 : vector<16xi32>
    %add3A_786 = arith.constant 832 : i32
    %add3A_787 = vector.broadcast %add3A_786 : i32 to vector<16xi32>
    %add3A_788 = arith.addi %iota3A, %add3A_787 : vector<16xi32>
    %select_n3A_789 = arith.select %eq3A_785, %add3A_788, %broadcast_in_dim3A_0 : vector<16xi1>, vector<16xi32>
    %add3A_790 = arith.addi %add3A_734, %select_n3A_789 : vector<16xi32>
    %get3A_791 = arith.constant 0 : i32
    %get3A_792 = arith.constant 12 : i32
    %get3A_793 = arith.index_cast %get3A_791 : i32 to index
    %get3A_794 = arith.index_cast %get3A_792 : i32 to index
    %get3A_795 = arith.constant 80 : index
    %get3A_796 = tpu.vector_load %arg7[%get3A_793, %get3A_794, %get3A_795] {strides = array<i32>} : memref<2x16x128xi32, #tpu.memory_space<vmem>>, vector<16xi32>,
    %eq3A_797 = arith.constant 40480 : i32
    %eq3A_798 = vector.broadcast %eq3A_797 : i32 to vector<16xi32>
    %eq3A_799 = arith.cmpi eq, %get3A_796, %eq3A_798 : vector<16xi32>
    %add3A_800 = arith.constant 848 : i32
    %add3A_801 = vector.broadcast %add3A_800 : i32 to vector<16xi32>
    %add3A_802 = arith.addi %iota3A, %add3A_801 : vector<16xi32>
    %select_n3A_803 = arith.select %eq3A_799, %add3A_802, %broadcast_in_dim3A_0 : vector<16xi1>, vector<16xi32>
    %add3A_804 = arith.addi %add3A_748, %select_n3A_803 : vector<16xi32>
    %get3A_805 = arith.constant 0 : i32
    %get3A_806 = arith.constant 12 : i32
    %get3A_807 = arith.index_cast %get3A_805 : i32 to index
    %get3A_808 = arith.index_cast %get3A_806 : i32 to index
    %get3A_809 = arith.constant 96 : index
    %get3A_810 = tpu.vector_load %arg7[%get3A_807, %get3A_808, %get3A_809] {strides = array<i32>} : memref<2x16x128xi32, #tpu.memory_space<vmem>>, vector<16xi32>,
    %eq3A_811 = arith.constant 40480 : i32
    %eq3A_812 = vector.broadcast %eq3A_811 : i32 to vector<16xi32>
    %eq3A_813 = arith.cmpi eq, %get3A_810, %eq3A_812 : vector<16xi32>
    %add3A_814 = arith.constant 864 : i32
    %add3A_815 = vector.broadcast %add3A_814 : i32 to vector<16xi32>
    %add3A_816 = arith.addi %iota3A, %add3A_815 : vector<16xi32>
    %select_n3A_817 = arith.select %eq3A_813, %add3A_816, %broadcast_in_dim3A_0 : vector<16xi1>, vector<16xi32>
    %add3A_818 = arith.addi %add3A_762, %select_n3A_817 : vector<16xi32>
    %get3A_819 = arith.constant 0 : i32
    %get3A_820 = arith.constant 12 : i32
    %get3A_821 = arith.index_cast %get3A_819 : i32 to index
    %get3A_822 = arith.index_cast %get3A_820 : i32 to index
    %get3A_823 = arith.constant 112 : index
    %get3A_824 = tpu.vector_load %arg7[%get3A_821, %get3A_822, %get3A_823] {strides = array<i32>} : memref<2x16x128xi32, #tpu.memory_space<vmem>>, vector<16xi32>,
    %eq3A_825 = arith.constant 40480 : i32
    %eq3A_826 = vector.broadcast %eq3A_825 : i32 to vector<16xi32>
    %eq3A_827 = arith.cmpi eq, %get3A_824, %eq3A_826 : vector<16xi32>
    %add3A_828 = arith.constant 880 : i32
    %add3A_829 = vector.broadcast %add3A_828 : i32 to vector<16xi32>
    %add3A_830 = arith.addi %iota3A, %add3A_829 : vector<16xi32>
    %select_n3A_831 = arith.select %eq3A_827, %add3A_830, %broadcast_in_dim3A_0 : vector<16xi1>, vector<16xi32>
    %add3A_832 = arith.addi %add3A_776, %select_n3A_831 : vector<16xi32>
    %get3A_833 = arith.constant 0 : i32
    %get3A_834 = arith.constant 14 : i32
    %get3A_835 = arith.index_cast %get3A_833 : i32 to index
    %get3A_836 = arith.index_cast %get3A_834 : i32 to index
    %get3A_837 = arith.constant 0 : index
    %get3A_838 = tpu.vector_load %arg7[%get3A_835, %get3A_836, %get3A_837] {strides = array<i32>} : memref<2x16x128xi32, #tpu.memory_space<vmem>>, vector<16xi32>,
    %eq3A_839 = arith.constant 40480 : i32
    %eq3A_840 = vector.broadcast %eq3A_839 : i32 to vector<16xi32>
    %eq3A_841 = arith.cmpi eq, %get3A_838, %eq3A_840 : vector<16xi32>
    %add3A_842 = arith.constant 896 : i32
    %add3A_843 = vector.broadcast %add3A_842 : i32 to vector<16xi32>
    %add3A_844 = arith.addi %iota3A, %add3A_843 : vector<16xi32>
    %select_n3A_845 = arith.select %eq3A_841, %add3A_844, %broadcast_in_dim3A_0 : vector<16xi1>, vector<16xi32>
    %add3A_846 = arith.addi %add3A_790, %select_n3A_845 : vector<16xi32>
    %get3A_847 = arith.constant 0 : i32
    %get3A_848 = arith.constant 14 : i32
    %get3A_849 = arith.index_cast %get3A_847 : i32 to index
    %get3A_850 = arith.index_cast %get3A_848 : i32 to index
    %get3A_851 = arith.constant 16 : index
    %get3A_852 = tpu.vector_load %arg7[%get3A_849, %get3A_850, %get3A_851] {strides = array<i32>} : memref<2x16x128xi32, #tpu.memory_space<vmem>>, vector<16xi32>,
    %eq3A_853 = arith.constant 40480 : i32
    %eq3A_854 = vector.broadcast %eq3A_853 : i32 to vector<16xi32>
    %eq3A_855 = arith.cmpi eq, %get3A_852, %eq3A_854 : vector<16xi32>
    %add3A_856 = arith.constant 912 : i32
    %add3A_857 = vector.broadcast %add3A_856 : i32 to vector<16xi32>
    %add3A_858 = arith.addi %iota3A, %add3A_857 : vector<16xi32>
    %select_n3A_859 = arith.select %eq3A_855, %add3A_858, %broadcast_in_dim3A_0 : vector<16xi1>, vector<16xi32>
    %add3A_860 = arith.addi %add3A_804, %select_n3A_859 : vector<16xi32>
    %get3A_861 = arith.constant 0 : i32
    %get3A_862 = arith.constant 14 : i32
    %get3A_863 = arith.index_cast %get3A_861 : i32 to index
    %get3A_864 = arith.index_cast %get3A_862 : i32 to index
    %get3A_865 = arith.constant 32 : index
    %get3A_866 = tpu.vector_load %arg7[%get3A_863, %get3A_864, %get3A_865] {strides = array<i32>} : memref<2x16x128xi32, #tpu.memory_space<vmem>>, vector<16xi32>,
    %eq3A_867 = arith.constant 40480 : i32
    %eq3A_868 = vector.broadcast %eq3A_867 : i32 to vector<16xi32>
    %eq3A_869 = arith.cmpi eq, %get3A_866, %eq3A_868 : vector<16xi32>
    %add3A_870 = arith.constant 928 : i32
    %add3A_871 = vector.broadcast %add3A_870 : i32 to vector<16xi32>
    %add3A_872 = arith.addi %iota3A, %add3A_871 : vector<16xi32>
    %select_n3A_873 = arith.select %eq3A_869, %add3A_872, %broadcast_in_dim3A_0 : vector<16xi1>, vector<16xi32>
    %add3A_874 = arith.addi %add3A_818, %select_n3A_873 : vector<16xi32>
    %get3A_875 = arith.constant 0 : i32
    %get3A_876 = arith.constant 14 : i32
    %get3A_877 = arith.index_cast %get3A_875 : i32 to index
    %get3A_878 = arith.index_cast %get3A_876 : i32 to index
    %get3A_879 = arith.constant 48 : index
    %get3A_880 = tpu.vector_load %arg7[%get3A_877, %get3A_878, %get3A_879] {strides = array<i32>} : memref<2x16x128xi32, #tpu.memory_space<vmem>>, vector<16xi32>,
    %eq3A_881 = arith.constant 40480 : i32
    %eq3A_882 = vector.broadcast %eq3A_881 : i32 to vector<16xi32>
    %eq3A_883 = arith.cmpi eq, %get3A_880, %eq3A_882 : vector<16xi32>
    %add3A_884 = arith.constant 944 : i32
    %add3A_885 = vector.broadcast %add3A_884 : i32 to vector<16xi32>
    %add3A_886 = arith.addi %iota3A, %add3A_885 : vector<16xi32>
    %select_n3A_887 = arith.select %eq3A_883, %add3A_886, %broadcast_in_dim3A_0 : vector<16xi1>, vector<16xi32>
    %add3A_888 = arith.addi %add3A_832, %select_n3A_887 : vector<16xi32>
    %get3A_889 = arith.constant 0 : i32
    %get3A_890 = arith.constant 14 : i32
    %get3A_891 = arith.index_cast %get3A_889 : i32 to index
    %get3A_892 = arith.index_cast %get3A_890 : i32 to index
    %get3A_893 = arith.constant 64 : index
    %get3A_894 = tpu.vector_load %arg7[%get3A_891, %get3A_892, %get3A_893] {strides = array<i32>} : memref<2x16x128xi32, #tpu.memory_space<vmem>>, vector<16xi32>,
    %eq3A_895 = arith.constant 40480 : i32
    %eq3A_896 = vector.broadcast %eq3A_895 : i32 to vector<16xi32>
    %eq3A_897 = arith.cmpi eq, %get3A_894, %eq3A_896 : vector<16xi32>
    %add3A_898 = arith.constant 960 : i32
    %add3A_899 = vector.broadcast %add3A_898 : i32 to vector<16xi32>
    %add3A_900 = arith.addi %iota3A, %add3A_899 : vector<16xi32>
    %select_n3A_901 = arith.select %eq3A_897, %add3A_900, %broadcast_in_dim3A_0 : vector<16xi1>, vector<16xi32>
    %add3A_902 = arith.addi %add3A_846, %select_n3A_901 : vector<16xi32>
    %get3A_903 = arith.constant 0 : i32
    %get3A_904 = arith.constant 14 : i32
    %get3A_905 = arith.index_cast %get3A_903 : i32 to index
    %get3A_906 = arith.index_cast %get3A_904 : i32 to index
    %get3A_907 = arith.constant 80 : index
    %get3A_908 = tpu.vector_load %arg7[%get3A_905, %get3A_906, %get3A_907] {strides = array<i32>} : memref<2x16x128xi32, #tpu.memory_space<vmem>>, vector<16xi32>,
    %eq3A_909 = arith.constant 40480 : i32
    %eq3A_910 = vector.broadcast %eq3A_909 : i32 to vector<16xi32>
    %eq3A_911 = arith.cmpi eq, %get3A_908, %eq3A_910 : vector<16xi32>
    %add3A_912 = arith.constant 976 : i32
    %add3A_913 = vector.broadcast %add3A_912 : i32 to vector<16xi32>
    %add3A_914 = arith.addi %iota3A, %add3A_913 : vector<16xi32>
    %select_n3A_915 = arith.select %eq3A_911, %add3A_914, %broadcast_in_dim3A_0 : vector<16xi1>, vector<16xi32>
    %add3A_916 = arith.addi %add3A_860, %select_n3A_915 : vector<16xi32>
    %get3A_917 = arith.constant 0 : i32
    %get3A_918 = arith.constant 14 : i32
    %get3A_919 = arith.index_cast %get3A_917 : i32 to index
    %get3A_920 = arith.index_cast %get3A_918 : i32 to index
    %get3A_921 = arith.constant 96 : index
    %get3A_922 = tpu.vector_load %arg7[%get3A_919, %get3A_920, %get3A_921] {strides = array<i32>} : memref<2x16x128xi32, #tpu.memory_space<vmem>>, vector<16xi32>,
    %eq3A_923 = arith.constant 40480 : i32
    %eq3A_924 = vector.broadcast %eq3A_923 : i32 to vector<16xi32>
    %eq3A_925 = arith.cmpi eq, %get3A_922, %eq3A_924 : vector<16xi32>
    %add3A_926 = arith.constant 992 : i32
    %add3A_927 = vector.broadcast %add3A_926 : i32 to vector<16xi32>
    %add3A_928 = arith.addi %iota3A, %add3A_927 : vector<16xi32>
    %select_n3A_929 = arith.select %eq3A_925, %add3A_928, %broadcast_in_dim3A_0 : vector<16xi1>, vector<16xi32>
    %add3A_930 = arith.addi %add3A_874, %select_n3A_929 : vector<16xi32>
    %get3A_931 = arith.constant 0 : i32
    %get3A_932 = arith.constant 14 : i32
    %get3A_933 = arith.index_cast %get3A_931 : i32 to index
    %get3A_934 = arith.index_cast %get3A_932 : i32 to index
    %get3A_935 = arith.constant 112 : index
    %get3A_936 = tpu.vector_load %arg7[%get3A_933, %get3A_934, %get3A_935] {strides = array<i32>} : memref<2x16x128xi32, #tpu.memory_space<vmem>>, vector<16xi32>,
    %eq3A_937 = arith.constant 40480 : i32
    %eq3A_938 = vector.broadcast %eq3A_937 : i32 to vector<16xi32>
    %eq3A_939 = arith.cmpi eq, %get3A_936, %eq3A_938 : vector<16xi32>
    %add3A_940 = arith.constant 1008 : i32
    %add3A_941 = vector.broadcast %add3A_940 : i32 to vector<16xi32>
    %add3A_942 = arith.addi %iota3A, %add3A_941 : vector<16xi32>
    %select_n3A_943 = arith.select %eq3A_939, %add3A_942, %broadcast_in_dim3A_0 : vector<16xi1>, vector<16xi32>
    %add3A_944 = arith.addi %add3A_888, %select_n3A_943 : vector<16xi32>
    %add3A_945 = arith.addi %add3A_902, %add3A_916 : vector<16xi32>
    %add3A_946 = arith.addi %add3A_945, %add3A_930 : vector<16xi32>
    %add3A_947 = arith.addi %add3A_946, %add3A_944 : vector<16xi32>
    %reduce_sum3A = arith.constant true
    %reduce_sum3A_948 = vector.broadcast %reduce_sum3A : i1 to vector<16xi1>
    %reduce_sum3A_949 = tpu.scan <sum>, %add3A_947 masked %reduce_sum3A_948 : vector<16xi32>, vector<16xi1> -> vector<16xi32>
    %reduce_sum3A_950 = vector.extract %reduce_sum3A_949[15] : i32 from vector<16xi32>
    %add3A_951 = arith.constant 1024 : i32
    %add3A_952 = arith.addi %add3A_951, %reduce_sum3A_950 : i32
    %mul3A_953 = arith.constant 2 : i32
    %mul3A_954 = arith.muli %arg1, %mul3A_953 : i32
    %add3A_955 = arith.constant 0 : i32
    %add3A_956 = arith.addi %mul3A_954, %add3A_955 : i32
    %mul3A_957 = arith.constant 2048 : i32
    %mul3A_958 = arith.muli %add3A_956, %mul3A_957 : i32
    %add3A_959 = arith.addi %mul3A_958, %add3A_952 : i32
    %dma_wait3A_960 = arith.constant 1 : i32
    %dma_wait3A_961 = arith.constant 0 : i32
    %dma_wait3A_962 = arith.constant 0 : i32
    %dma_wait3A_963 = tpu.memref_slice %arg7[%dma_wait3A_960, %dma_wait3A_961, %dma_wait3A_962] : memref<2x16x128xi32, #tpu.memory_space<vmem>> -> memref<1x16x128xi32, #tpu.memory_space<vmem>>
    %dma_wait3A_964 = tpu.memref_squeeze %dma_wait3A_963 : memref<1x16x128xi32, #tpu.memory_space<vmem>> -> memref<16x128xi32, #tpu.memory_space<vmem>>
    %dma_wait3A_965 = arith.constant 0 : i32
    %dma_wait3A_966 = tpu.memref_slice %arg2[%add3A_26, %dma_wait3A_965] : memref<1024x128xi32, #tpu.memory_space<hbm>> -> memref<16x128xi32, #tpu.memory_space<hbm>>
    %dma_wait3A_967 = arith.constant 0 : i32
    %dma_wait3A_968 = arith.constant 0 : i32
    %dma_wait3A_969 = tpu.memref_slice %arg7[%dma_wait3A_960, %dma_wait3A_967, %dma_wait3A_968] : memref<2x16x128xi32, #tpu.memory_space<vmem>> -> memref<1x16x128xi32, #tpu.memory_space<vmem>>
    %dma_wait3A_970 = tpu.memref_squeeze %dma_wait3A_969 : memref<1x16x128xi32, #tpu.memory_space<vmem>> -> memref<16x128xi32, #tpu.memory_space<vmem>>
    %dma_wait3A_971 = arith.constant 0 : i32
    %dma_wait3A_972 = tpu.memref_slice %arg2[%add3A_26, %dma_wait3A_971] : memref<1024x128xi32, #tpu.memory_space<hbm>> -> memref<16x128xi32, #tpu.memory_space<hbm>>
    tpu.wait_dma2 semaphore(%arg13 : memref<!tpu.dma_semaphore, #tpu.memory_space<semaphore_mem>>) src(%dma_wait3A_972 : memref<16x128xi32, #tpu.memory_space<hbm>>) dst(%dma_wait3A_970 : memref<16x128xi32, #tpu.memory_space<vmem>>)
    %get3A_973 = arith.constant 1 : i32
    %get3A_974 = arith.constant 0 : i32
    %get3A_975 = arith.index_cast %get3A_973 : i32 to index
    %get3A_976 = arith.index_cast %get3A_974 : i32 to index
    %get3A_977 = arith.constant 0 : index
    %get3A_978 = tpu.vector_load %arg7[%get3A_975, %get3A_976, %get3A_977] {strides = array<i32>} : memref<2x16x128xi32, #tpu.memory_space<vmem>>, vector<16xi32>,
    %eq3A_979 = arith.constant 40480 : i32
    %eq3A_980 = vector.broadcast %eq3A_979 : i32 to vector<16xi32>
    %eq3A_981 = arith.cmpi eq, %get3A_978, %eq3A_980 : vector<16xi32>
    %add3A_982 = arith.constant 0 : i32
    %add3A_983 = vector.broadcast %add3A_982 : i32 to vector<16xi32>
    %add3A_984 = arith.addi %iota3A, %add3A_983 : vector<16xi32>
    %select_n3A_985 = arith.select %eq3A_981, %add3A_984, %broadcast_in_dim3A_0 : vector<16xi1>, vector<16xi32>
    %add3A_986 = arith.addi %broadcast_in_dim3A_0, %select_n3A_985 : vector<16xi32>
    %get3A_987 = arith.constant 1 : i32
    %get3A_988 = arith.constant 0 : i32
    %get3A_989 = arith.index_cast %get3A_987 : i32 to index
    %get3A_990 = arith.index_cast %get3A_988 : i32 to index
    %get3A_991 = arith.constant 16 : index
    %get3A_992 = tpu.vector_load %arg7[%get3A_989, %get3A_990, %get3A_991] {strides = array<i32>} : memref<2x16x128xi32, #tpu.memory_space<vmem>>, vector<16xi32>,
    %eq3A_993 = arith.constant 40480 : i32
    %eq3A_994 = vector.broadcast %eq3A_993 : i32 to vector<16xi32>
    %eq3A_995 = arith.cmpi eq, %get3A_992, %eq3A_994 : vector<16xi32>
    %add3A_996 = arith.constant 16 : i32
    %add3A_997 = vector.broadcast %add3A_996 : i32 to vector<16xi32>
    %add3A_998 = arith.addi %iota3A, %add3A_997 : vector<16xi32>
    %select_n3A_999 = arith.select %eq3A_995, %add3A_998, %broadcast_in_dim3A_0 : vector<16xi1>, vector<16xi32>
    %add3A_1000 = arith.addi %broadcast_in_dim3A_0, %select_n3A_999 : vector<16xi32>
    %get3A_1001 = arith.constant 1 : i32
    %get3A_1002 = arith.constant 0 : i32
    %get3A_1003 = arith.index_cast %get3A_1001 : i32 to index
    %get3A_1004 = arith.index_cast %get3A_1002 : i32 to index
    %get3A_1005 = arith.constant 32 : index
    %get3A_1006 = tpu.vector_load %arg7[%get3A_1003, %get3A_1004, %get3A_1005] {strides = array<i32>} : memref<2x16x128xi32, #tpu.memory_space<vmem>>, vector<16xi32>,
    %eq3A_1007 = arith.constant 40480 : i32
    %eq3A_1008 = vector.broadcast %eq3A_1007 : i32 to vector<16xi32>
    %eq3A_1009 = arith.cmpi eq, %get3A_1006, %eq3A_1008 : vector<16xi32>
    %add3A_1010 = arith.constant 32 : i32
    %add3A_1011 = vector.broadcast %add3A_1010 : i32 to vector<16xi32>
    %add3A_1012 = arith.addi %iota3A, %add3A_1011 : vector<16xi32>
    %select_n3A_1013 = arith.select %eq3A_1009, %add3A_1012, %broadcast_in_dim3A_0 : vector<16xi1>, vector<16xi32>
    %add3A_1014 = arith.addi %broadcast_in_dim3A_0, %select_n3A_1013 : vector<16xi32>
    %get3A_1015 = arith.constant 1 : i32
    %get3A_1016 = arith.constant 0 : i32
    %get3A_1017 = arith.index_cast %get3A_1015 : i32 to index
    %get3A_1018 = arith.index_cast %get3A_1016 : i32 to index
    %get3A_1019 = arith.constant 48 : index
    %get3A_1020 = tpu.vector_load %arg7[%get3A_1017, %get3A_1018, %get3A_1019] {strides = array<i32>} : memref<2x16x128xi32, #tpu.memory_space<vmem>>, vector<16xi32>,
    %eq3A_1021 = arith.constant 40480 : i32
    %eq3A_1022 = vector.broadcast %eq3A_1021 : i32 to vector<16xi32>
    %eq3A_1023 = arith.cmpi eq, %get3A_1020, %eq3A_1022 : vector<16xi32>
    %add3A_1024 = arith.constant 48 : i32
    %add3A_1025 = vector.broadcast %add3A_1024 : i32 to vector<16xi32>
    %add3A_1026 = arith.addi %iota3A, %add3A_1025 : vector<16xi32>
    %select_n3A_1027 = arith.select %eq3A_1023, %add3A_1026, %broadcast_in_dim3A_0 : vector<16xi1>, vector<16xi32>
    %add3A_1028 = arith.addi %broadcast_in_dim3A_0, %select_n3A_1027 : vector<16xi32>
    %get3A_1029 = arith.constant 1 : i32
    %get3A_1030 = arith.constant 0 : i32
    %get3A_1031 = arith.index_cast %get3A_1029 : i32 to index
    %get3A_1032 = arith.index_cast %get3A_1030 : i32 to index
    %get3A_1033 = arith.constant 64 : index
    %get3A_1034 = tpu.vector_load %arg7[%get3A_1031, %get3A_1032, %get3A_1033] {strides = array<i32>} : memref<2x16x128xi32, #tpu.memory_space<vmem>>, vector<16xi32>,
    %eq3A_1035 = arith.constant 40480 : i32
    %eq3A_1036 = vector.broadcast %eq3A_1035 : i32 to vector<16xi32>
    %eq3A_1037 = arith.cmpi eq, %get3A_1034, %eq3A_1036 : vector<16xi32>
    %add3A_1038 = arith.constant 64 : i32
    %add3A_1039 = vector.broadcast %add3A_1038 : i32 to vector<16xi32>
    %add3A_1040 = arith.addi %iota3A, %add3A_1039 : vector<16xi32>
    %select_n3A_1041 = arith.select %eq3A_1037, %add3A_1040, %broadcast_in_dim3A_0 : vector<16xi1>, vector<16xi32>
    %add3A_1042 = arith.addi %add3A_986, %select_n3A_1041 : vector<16xi32>
    %get3A_1043 = arith.constant 1 : i32
    %get3A_1044 = arith.constant 0 : i32
    %get3A_1045 = arith.index_cast %get3A_1043 : i32 to index
    %get3A_1046 = arith.index_cast %get3A_1044 : i32 to index
    %get3A_1047 = arith.constant 80 : index
    %get3A_1048 = tpu.vector_load %arg7[%get3A_1045, %get3A_1046, %get3A_1047] {strides = array<i32>} : memref<2x16x128xi32, #tpu.memory_space<vmem>>, vector<16xi32>,
    %eq3A_1049 = arith.constant 40480 : i32
    %eq3A_1050 = vector.broadcast %eq3A_1049 : i32 to vector<16xi32>
    %eq3A_1051 = arith.cmpi eq, %get3A_1048, %eq3A_1050 : vector<16xi32>
    %add3A_1052 = arith.constant 80 : i32
    %add3A_1053 = vector.broadcast %add3A_1052 : i32 to vector<16xi32>
    %add3A_1054 = arith.addi %iota3A, %add3A_1053 : vector<16xi32>
    %select_n3A_1055 = arith.select %eq3A_1051, %add3A_1054, %broadcast_in_dim3A_0 : vector<16xi1>, vector<16xi32>
    %add3A_1056 = arith.addi %add3A_1000, %select_n3A_1055 : vector<16xi32>
    %get3A_1057 = arith.constant 1 : i32
    %get3A_1058 = arith.constant 0 : i32
    %get3A_1059 = arith.index_cast %get3A_1057 : i32 to index
    %get3A_1060 = arith.index_cast %get3A_1058 : i32 to index
    %get3A_1061 = arith.constant 96 : index
    %get3A_1062 = tpu.vector_load %arg7[%get3A_1059, %get3A_1060, %get3A_1061] {strides = array<i32>} : memref<2x16x128xi32, #tpu.memory_space<vmem>>, vector<16xi32>,
    %eq3A_1063 = arith.constant 40480 : i32
    %eq3A_1064 = vector.broadcast %eq3A_1063 : i32 to vector<16xi32>
    %eq3A_1065 = arith.cmpi eq, %get3A_1062, %eq3A_1064 : vector<16xi32>
    %add3A_1066 = arith.constant 96 : i32
    %add3A_1067 = vector.broadcast %add3A_1066 : i32 to vector<16xi32>
    %add3A_1068 = arith.addi %iota3A, %add3A_1067 : vector<16xi32>
    %select_n3A_1069 = arith.select %eq3A_1065, %add3A_1068, %broadcast_in_dim3A_0 : vector<16xi1>, vector<16xi32>
    %add3A_1070 = arith.addi %add3A_1014, %select_n3A_1069 : vector<16xi32>
    %get3A_1071 = arith.constant 1 : i32
    %get3A_1072 = arith.constant 0 : i32
    %get3A_1073 = arith.index_cast %get3A_1071 : i32 to index
    %get3A_1074 = arith.index_cast %get3A_1072 : i32 to index
    %get3A_1075 = arith.constant 112 : index
    %get3A_1076 = tpu.vector_load %arg7[%get3A_1073, %get3A_1074, %get3A_1075] {strides = array<i32>} : memref<2x16x128xi32, #tpu.memory_space<vmem>>, vector<16xi32>,
    %eq3A_1077 = arith.constant 40480 : i32
    %eq3A_1078 = vector.broadcast %eq3A_1077 : i32 to vector<16xi32>
    %eq3A_1079 = arith.cmpi eq, %get3A_1076, %eq3A_1078 : vector<16xi32>
    %add3A_1080 = arith.constant 112 : i32
    %add3A_1081 = vector.broadcast %add3A_1080 : i32 to vector<16xi32>
    %add3A_1082 = arith.addi %iota3A, %add3A_1081 : vector<16xi32>
    %select_n3A_1083 = arith.select %eq3A_1079, %add3A_1082, %broadcast_in_dim3A_0 : vector<16xi1>, vector<16xi32>
    %add3A_1084 = arith.addi %add3A_1028, %select_n3A_1083 : vector<16xi32>
    %get3A_1085 = arith.constant 1 : i32
    %get3A_1086 = arith.constant 2 : i32
    %get3A_1087 = arith.index_cast %get3A_1085 : i32 to index
    %get3A_1088 = arith.index_cast %get3A_1086 : i32 to index
    %get3A_1089 = arith.constant 0 : index
    %get3A_1090 = tpu.vector_load %arg7[%get3A_1087, %get3A_1088, %get3A_1089] {strides = array<i32>} : memref<2x16x128xi32, #tpu.memory_space<vmem>>, vector<16xi32>,
    %eq3A_1091 = arith.constant 40480 : i32
    %eq3A_1092 = vector.broadcast %eq3A_1091 : i32 to vector<16xi32>
    %eq3A_1093 = arith.cmpi eq, %get3A_1090, %eq3A_1092 : vector<16xi32>
    %add3A_1094 = arith.constant 128 : i32
    %add3A_1095 = vector.broadcast %add3A_1094 : i32 to vector<16xi32>
    %add3A_1096 = arith.addi %iota3A, %add3A_1095 : vector<16xi32>
    %select_n3A_1097 = arith.select %eq3A_1093, %add3A_1096, %broadcast_in_dim3A_0 : vector<16xi1>, vector<16xi32>
    %add3A_1098 = arith.addi %add3A_1042, %select_n3A_1097 : vector<16xi32>
    %get3A_1099 = arith.constant 1 : i32
    %get3A_1100 = arith.constant 2 : i32
    %get3A_1101 = arith.index_cast %get3A_1099 : i32 to index
    %get3A_1102 = arith.index_cast %get3A_1100 : i32 to index
    %get3A_1103 = arith.constant 16 : index
    %get3A_1104 = tpu.vector_load %arg7[%get3A_1101, %get3A_1102, %get3A_1103] {strides = array<i32>} : memref<2x16x128xi32, #tpu.memory_space<vmem>>, vector<16xi32>,
    %eq3A_1105 = arith.constant 40480 : i32
    %eq3A_1106 = vector.broadcast %eq3A_1105 : i32 to vector<16xi32>
    %eq3A_1107 = arith.cmpi eq, %get3A_1104, %eq3A_1106 : vector<16xi32>
    %add3A_1108 = arith.constant 144 : i32
    %add3A_1109 = vector.broadcast %add3A_1108 : i32 to vector<16xi32>
    %add3A_1110 = arith.addi %iota3A, %add3A_1109 : vector<16xi32>
    %select_n3A_1111 = arith.select %eq3A_1107, %add3A_1110, %broadcast_in_dim3A_0 : vector<16xi1>, vector<16xi32>
    %add3A_1112 = arith.addi %add3A_1056, %select_n3A_1111 : vector<16xi32>
    %get3A_1113 = arith.constant 1 : i32
    %get3A_1114 = arith.constant 2 : i32
    %get3A_1115 = arith.index_cast %get3A_1113 : i32 to index
    %get3A_1116 = arith.index_cast %get3A_1114 : i32 to index
    %get3A_1117 = arith.constant 32 : index
    %get3A_1118 = tpu.vector_load %arg7[%get3A_1115, %get3A_1116, %get3A_1117] {strides = array<i32>} : memref<2x16x128xi32, #tpu.memory_space<vmem>>, vector<16xi32>,
    %eq3A_1119 = arith.constant 40480 : i32
    %eq3A_1120 = vector.broadcast %eq3A_1119 : i32 to vector<16xi32>
    %eq3A_1121 = arith.cmpi eq, %get3A_1118, %eq3A_1120 : vector<16xi32>
    %add3A_1122 = arith.constant 160 : i32
    %add3A_1123 = vector.broadcast %add3A_1122 : i32 to vector<16xi32>
    %add3A_1124 = arith.addi %iota3A, %add3A_1123 : vector<16xi32>
    %select_n3A_1125 = arith.select %eq3A_1121, %add3A_1124, %broadcast_in_dim3A_0 : vector<16xi1>, vector<16xi32>
    %add3A_1126 = arith.addi %add3A_1070, %select_n3A_1125 : vector<16xi32>
    %get3A_1127 = arith.constant 1 : i32
    %get3A_1128 = arith.constant 2 : i32
    %get3A_1129 = arith.index_cast %get3A_1127 : i32 to index
    %get3A_1130 = arith.index_cast %get3A_1128 : i32 to index
    %get3A_1131 = arith.constant 48 : index
    %get3A_1132 = tpu.vector_load %arg7[%get3A_1129, %get3A_1130, %get3A_1131] {strides = array<i32>} : memref<2x16x128xi32, #tpu.memory_space<vmem>>, vector<16xi32>,
    %eq3A_1133 = arith.constant 40480 : i32
    %eq3A_1134 = vector.broadcast %eq3A_1133 : i32 to vector<16xi32>
    %eq3A_1135 = arith.cmpi eq, %get3A_1132, %eq3A_1134 : vector<16xi32>
    %add3A_1136 = arith.constant 176 : i32
    %add3A_1137 = vector.broadcast %add3A_1136 : i32 to vector<16xi32>
    %add3A_1138 = arith.addi %iota3A, %add3A_1137 : vector<16xi32>
    %select_n3A_1139 = arith.select %eq3A_1135, %add3A_1138, %broadcast_in_dim3A_0 : vector<16xi1>, vector<16xi32>
    %add3A_1140 = arith.addi %add3A_1084, %select_n3A_1139 : vector<16xi32>
    %get3A_1141 = arith.constant 1 : i32
    %get3A_1142 = arith.constant 2 : i32
    %get3A_1143 = arith.index_cast %get3A_1141 : i32 to index
    %get3A_1144 = arith.index_cast %get3A_1142 : i32 to index
    %get3A_1145 = arith.constant 64 : index
    %get3A_1146 = tpu.vector_load %arg7[%get3A_1143, %get3A_1144, %get3A_1145] {strides = array<i32>} : memref<2x16x128xi32, #tpu.memory_space<vmem>>, vector<16xi32>,
    %eq3A_1147 = arith.constant 40480 : i32
    %eq3A_1148 = vector.broadcast %eq3A_1147 : i32 to vector<16xi32>
    %eq3A_1149 = arith.cmpi eq, %get3A_1146, %eq3A_1148 : vector<16xi32>
    %add3A_1150 = arith.constant 192 : i32
    %add3A_1151 = vector.broadcast %add3A_1150 : i32 to vector<16xi32>
    %add3A_1152 = arith.addi %iota3A, %add3A_1151 : vector<16xi32>
    %select_n3A_1153 = arith.select %eq3A_1149, %add3A_1152, %broadcast_in_dim3A_0 : vector<16xi1>, vector<16xi32>
    %add3A_1154 = arith.addi %add3A_1098, %select_n3A_1153 : vector<16xi32>
    %get3A_1155 = arith.constant 1 : i32
    %get3A_1156 = arith.constant 2 : i32
    %get3A_1157 = arith.index_cast %get3A_1155 : i32 to index
    %get3A_1158 = arith.index_cast %get3A_1156 : i32 to index
    %get3A_1159 = arith.constant 80 : index
    %get3A_1160 = tpu.vector_load %arg7[%get3A_1157, %get3A_1158, %get3A_1159] {strides = array<i32>} : memref<2x16x128xi32, #tpu.memory_space<vmem>>, vector<16xi32>,
    %eq3A_1161 = arith.constant 40480 : i32
    %eq3A_1162 = vector.broadcast %eq3A_1161 : i32 to vector<16xi32>
    %eq3A_1163 = arith.cmpi eq, %get3A_1160, %eq3A_1162 : vector<16xi32>
    %add3A_1164 = arith.constant 208 : i32
    %add3A_1165 = vector.broadcast %add3A_1164 : i32 to vector<16xi32>
    %add3A_1166 = arith.addi %iota3A, %add3A_1165 : vector<16xi32>
    %select_n3A_1167 = arith.select %eq3A_1163, %add3A_1166, %broadcast_in_dim3A_0 : vector<16xi1>, vector<16xi32>
    %add3A_1168 = arith.addi %add3A_1112, %select_n3A_1167 : vector<16xi32>
    %get3A_1169 = arith.constant 1 : i32
    %get3A_1170 = arith.constant 2 : i32
    %get3A_1171 = arith.index_cast %get3A_1169 : i32 to index
    %get3A_1172 = arith.index_cast %get3A_1170 : i32 to index
    %get3A_1173 = arith.constant 96 : index
    %get3A_1174 = tpu.vector_load %arg7[%get3A_1171, %get3A_1172, %get3A_1173] {strides = array<i32>} : memref<2x16x128xi32, #tpu.memory_space<vmem>>, vector<16xi32>,
    %eq3A_1175 = arith.constant 40480 : i32
    %eq3A_1176 = vector.broadcast %eq3A_1175 : i32 to vector<16xi32>
    %eq3A_1177 = arith.cmpi eq, %get3A_1174, %eq3A_1176 : vector<16xi32>
    %add3A_1178 = arith.constant 224 : i32
    %add3A_1179 = vector.broadcast %add3A_1178 : i32 to vector<16xi32>
    %add3A_1180 = arith.addi %iota3A, %add3A_1179 : vector<16xi32>
    %select_n3A_1181 = arith.select %eq3A_1177, %add3A_1180, %broadcast_in_dim3A_0 : vector<16xi1>, vector<16xi32>
    %add3A_1182 = arith.addi %add3A_1126, %select_n3A_1181 : vector<16xi32>
    %get3A_1183 = arith.constant 1 : i32
    %get3A_1184 = arith.constant 2 : i32
    %get3A_1185 = arith.index_cast %get3A_1183 : i32 to index
    %get3A_1186 = arith.index_cast %get3A_1184 : i32 to index
    %get3A_1187 = arith.constant 112 : index
    %get3A_1188 = tpu.vector_load %arg7[%get3A_1185, %get3A_1186, %get3A_1187] {strides = array<i32>} : memref<2x16x128xi32, #tpu.memory_space<vmem>>, vector<16xi32>,
    %eq3A_1189 = arith.constant 40480 : i32
    %eq3A_1190 = vector.broadcast %eq3A_1189 : i32 to vector<16xi32>
    %eq3A_1191 = arith.cmpi eq, %get3A_1188, %eq3A_1190 : vector<16xi32>
    %add3A_1192 = arith.constant 240 : i32
    %add3A_1193 = vector.broadcast %add3A_1192 : i32 to vector<16xi32>
    %add3A_1194 = arith.addi %iota3A, %add3A_1193 : vector<16xi32>
    %select_n3A_1195 = arith.select %eq3A_1191, %add3A_1194, %broadcast_in_dim3A_0 : vector<16xi1>, vector<16xi32>
    %add3A_1196 = arith.addi %add3A_1140, %select_n3A_1195 : vector<16xi32>
    %get3A_1197 = arith.constant 1 : i32
    %get3A_1198 = arith.constant 4 : i32
    %get3A_1199 = arith.index_cast %get3A_1197 : i32 to index
    %get3A_1200 = arith.index_cast %get3A_1198 : i32 to index
    %get3A_1201 = arith.constant 0 : index
    %get3A_1202 = tpu.vector_load %arg7[%get3A_1199, %get3A_1200, %get3A_1201] {strides = array<i32>} : memref<2x16x128xi32, #tpu.memory_space<vmem>>, vector<16xi32>,
    %eq3A_1203 = arith.constant 40480 : i32
    %eq3A_1204 = vector.broadcast %eq3A_1203 : i32 to vector<16xi32>
    %eq3A_1205 = arith.cmpi eq, %get3A_1202, %eq3A_1204 : vector<16xi32>
    %add3A_1206 = arith.constant 256 : i32
    %add3A_1207 = vector.broadcast %add3A_1206 : i32 to vector<16xi32>
    %add3A_1208 = arith.addi %iota3A, %add3A_1207 : vector<16xi32>
    %select_n3A_1209 = arith.select %eq3A_1205, %add3A_1208, %broadcast_in_dim3A_0 : vector<16xi1>, vector<16xi32>
    %add3A_1210 = arith.addi %add3A_1154, %select_n3A_1209 : vector<16xi32>
    %get3A_1211 = arith.constant 1 : i32
    %get3A_1212 = arith.constant 4 : i32
    %get3A_1213 = arith.index_cast %get3A_1211 : i32 to index
    %get3A_1214 = arith.index_cast %get3A_1212 : i32 to index
    %get3A_1215 = arith.constant 16 : index
    %get3A_1216 = tpu.vector_load %arg7[%get3A_1213, %get3A_1214, %get3A_1215] {strides = array<i32>} : memref<2x16x128xi32, #tpu.memory_space<vmem>>, vector<16xi32>,
    %eq3A_1217 = arith.constant 40480 : i32
    %eq3A_1218 = vector.broadcast %eq3A_1217 : i32 to vector<16xi32>
    %eq3A_1219 = arith.cmpi eq, %get3A_1216, %eq3A_1218 : vector<16xi32>
    %add3A_1220 = arith.constant 272 : i32
    %add3A_1221 = vector.broadcast %add3A_1220 : i32 to vector<16xi32>
    %add3A_1222 = arith.addi %iota3A, %add3A_1221 : vector<16xi32>
    %select_n3A_1223 = arith.select %eq3A_1219, %add3A_1222, %broadcast_in_dim3A_0 : vector<16xi1>, vector<16xi32>
    %add3A_1224 = arith.addi %add3A_1168, %select_n3A_1223 : vector<16xi32>
    %get3A_1225 = arith.constant 1 : i32
    %get3A_1226 = arith.constant 4 : i32
    %get3A_1227 = arith.index_cast %get3A_1225 : i32 to index
    %get3A_1228 = arith.index_cast %get3A_1226 : i32 to index
    %get3A_1229 = arith.constant 32 : index
    %get3A_1230 = tpu.vector_load %arg7[%get3A_1227, %get3A_1228, %get3A_1229] {strides = array<i32>} : memref<2x16x128xi32, #tpu.memory_space<vmem>>, vector<16xi32>,
    %eq3A_1231 = arith.constant 40480 : i32
    %eq3A_1232 = vector.broadcast %eq3A_1231 : i32 to vector<16xi32>
    %eq3A_1233 = arith.cmpi eq, %get3A_1230, %eq3A_1232 : vector<16xi32>
    %add3A_1234 = arith.constant 288 : i32
    %add3A_1235 = vector.broadcast %add3A_1234 : i32 to vector<16xi32>
    %add3A_1236 = arith.addi %iota3A, %add3A_1235 : vector<16xi32>
    %select_n3A_1237 = arith.select %eq3A_1233, %add3A_1236, %broadcast_in_dim3A_0 : vector<16xi1>, vector<16xi32>
    %add3A_1238 = arith.addi %add3A_1182, %select_n3A_1237 : vector<16xi32>
    %get3A_1239 = arith.constant 1 : i32
    %get3A_1240 = arith.constant 4 : i32
    %get3A_1241 = arith.index_cast %get3A_1239 : i32 to index
    %get3A_1242 = arith.index_cast %get3A_1240 : i32 to index
    %get3A_1243 = arith.constant 48 : index
    %get3A_1244 = tpu.vector_load %arg7[%get3A_1241, %get3A_1242, %get3A_1243] {strides = array<i32>} : memref<2x16x128xi32, #tpu.memory_space<vmem>>, vector<16xi32>,
    %eq3A_1245 = arith.constant 40480 : i32
    %eq3A_1246 = vector.broadcast %eq3A_1245 : i32 to vector<16xi32>
    %eq3A_1247 = arith.cmpi eq, %get3A_1244, %eq3A_1246 : vector<16xi32>
    %add3A_1248 = arith.constant 304 : i32
    %add3A_1249 = vector.broadcast %add3A_1248 : i32 to vector<16xi32>
    %add3A_1250 = arith.addi %iota3A, %add3A_1249 : vector<16xi32>
    %select_n3A_1251 = arith.select %eq3A_1247, %add3A_1250, %broadcast_in_dim3A_0 : vector<16xi1>, vector<16xi32>
    %add3A_1252 = arith.addi %add3A_1196, %select_n3A_1251 : vector<16xi32>
    %get3A_1253 = arith.constant 1 : i32
    %get3A_1254 = arith.constant 4 : i32
    %get3A_1255 = arith.index_cast %get3A_1253 : i32 to index
    %get3A_1256 = arith.index_cast %get3A_1254 : i32 to index
    %get3A_1257 = arith.constant 64 : index
    %get3A_1258 = tpu.vector_load %arg7[%get3A_1255, %get3A_1256, %get3A_1257] {strides = array<i32>} : memref<2x16x128xi32, #tpu.memory_space<vmem>>, vector<16xi32>,
    %eq3A_1259 = arith.constant 40480 : i32
    %eq3A_1260 = vector.broadcast %eq3A_1259 : i32 to vector<16xi32>
    %eq3A_1261 = arith.cmpi eq, %get3A_1258, %eq3A_1260 : vector<16xi32>
    %add3A_1262 = arith.constant 320 : i32
    %add3A_1263 = vector.broadcast %add3A_1262 : i32 to vector<16xi32>
    %add3A_1264 = arith.addi %iota3A, %add3A_1263 : vector<16xi32>
    %select_n3A_1265 = arith.select %eq3A_1261, %add3A_1264, %broadcast_in_dim3A_0 : vector<16xi1>, vector<16xi32>
    %add3A_1266 = arith.addi %add3A_1210, %select_n3A_1265 : vector<16xi32>
    %get3A_1267 = arith.constant 1 : i32
    %get3A_1268 = arith.constant 4 : i32
    %get3A_1269 = arith.index_cast %get3A_1267 : i32 to index
    %get3A_1270 = arith.index_cast %get3A_1268 : i32 to index
    %get3A_1271 = arith.constant 80 : index
    %get3A_1272 = tpu.vector_load %arg7[%get3A_1269, %get3A_1270, %get3A_1271] {strides = array<i32>} : memref<2x16x128xi32, #tpu.memory_space<vmem>>, vector<16xi32>,
    %eq3A_1273 = arith.constant 40480 : i32
    %eq3A_1274 = vector.broadcast %eq3A_1273 : i32 to vector<16xi32>
    %eq3A_1275 = arith.cmpi eq, %get3A_1272, %eq3A_1274 : vector<16xi32>
    %add3A_1276 = arith.constant 336 : i32
    %add3A_1277 = vector.broadcast %add3A_1276 : i32 to vector<16xi32>
    %add3A_1278 = arith.addi %iota3A, %add3A_1277 : vector<16xi32>
    %select_n3A_1279 = arith.select %eq3A_1275, %add3A_1278, %broadcast_in_dim3A_0 : vector<16xi1>, vector<16xi32>
    %add3A_1280 = arith.addi %add3A_1224, %select_n3A_1279 : vector<16xi32>
    %get3A_1281 = arith.constant 1 : i32
    %get3A_1282 = arith.constant 4 : i32
    %get3A_1283 = arith.index_cast %get3A_1281 : i32 to index
    %get3A_1284 = arith.index_cast %get3A_1282 : i32 to index
    %get3A_1285 = arith.constant 96 : index
    %get3A_1286 = tpu.vector_load %arg7[%get3A_1283, %get3A_1284, %get3A_1285] {strides = array<i32>} : memref<2x16x128xi32, #tpu.memory_space<vmem>>, vector<16xi32>,
    %eq3A_1287 = arith.constant 40480 : i32
    %eq3A_1288 = vector.broadcast %eq3A_1287 : i32 to vector<16xi32>
    %eq3A_1289 = arith.cmpi eq, %get3A_1286, %eq3A_1288 : vector<16xi32>
    %add3A_1290 = arith.constant 352 : i32
    %add3A_1291 = vector.broadcast %add3A_1290 : i32 to vector<16xi32>
    %add3A_1292 = arith.addi %iota3A, %add3A_1291 : vector<16xi32>
    %select_n3A_1293 = arith.select %eq3A_1289, %add3A_1292, %broadcast_in_dim3A_0 : vector<16xi1>, vector<16xi32>
    %add3A_1294 = arith.addi %add3A_1238, %select_n3A_1293 : vector<16xi32>
    %get3A_1295 = arith.constant 1 : i32
    %get3A_1296 = arith.constant 4 : i32
    %get3A_1297 = arith.index_cast %get3A_1295 : i32 to index
    %get3A_1298 = arith.index_cast %get3A_1296 : i32 to index
    %get3A_1299 = arith.constant 112 : index
    %get3A_1300 = tpu.vector_load %arg7[%get3A_1297, %get3A_1298, %get3A_1299] {strides = array<i32>} : memref<2x16x128xi32, #tpu.memory_space<vmem>>, vector<16xi32>,
    %eq3A_1301 = arith.constant 40480 : i32
    %eq3A_1302 = vector.broadcast %eq3A_1301 : i32 to vector<16xi32>
    %eq3A_1303 = arith.cmpi eq, %get3A_1300, %eq3A_1302 : vector<16xi32>
    %add3A_1304 = arith.constant 368 : i32
    %add3A_1305 = vector.broadcast %add3A_1304 : i32 to vector<16xi32>
    %add3A_1306 = arith.addi %iota3A, %add3A_1305 : vector<16xi32>
    %select_n3A_1307 = arith.select %eq3A_1303, %add3A_1306, %broadcast_in_dim3A_0 : vector<16xi1>, vector<16xi32>
    %add3A_1308 = arith.addi %add3A_1252, %select_n3A_1307 : vector<16xi32>
    %get3A_1309 = arith.constant 1 : i32
    %get3A_1310 = arith.constant 6 : i32
    %get3A_1311 = arith.index_cast %get3A_1309 : i32 to index
    %get3A_1312 = arith.index_cast %get3A_1310 : i32 to index
    %get3A_1313 = arith.constant 0 : index
    %get3A_1314 = tpu.vector_load %arg7[%get3A_1311, %get3A_1312, %get3A_1313] {strides = array<i32>} : memref<2x16x128xi32, #tpu.memory_space<vmem>>, vector<16xi32>,
    %eq3A_1315 = arith.constant 40480 : i32
    %eq3A_1316 = vector.broadcast %eq3A_1315 : i32 to vector<16xi32>
    %eq3A_1317 = arith.cmpi eq, %get3A_1314, %eq3A_1316 : vector<16xi32>
    %add3A_1318 = arith.constant 384 : i32
    %add3A_1319 = vector.broadcast %add3A_1318 : i32 to vector<16xi32>
    %add3A_1320 = arith.addi %iota3A, %add3A_1319 : vector<16xi32>
    %select_n3A_1321 = arith.select %eq3A_1317, %add3A_1320, %broadcast_in_dim3A_0 : vector<16xi1>, vector<16xi32>
    %add3A_1322 = arith.addi %add3A_1266, %select_n3A_1321 : vector<16xi32>
    %get3A_1323 = arith.constant 1 : i32
    %get3A_1324 = arith.constant 6 : i32
    %get3A_1325 = arith.index_cast %get3A_1323 : i32 to index
    %get3A_1326 = arith.index_cast %get3A_1324 : i32 to index
    %get3A_1327 = arith.constant 16 : index
    %get3A_1328 = tpu.vector_load %arg7[%get3A_1325, %get3A_1326, %get3A_1327] {strides = array<i32>} : memref<2x16x128xi32, #tpu.memory_space<vmem>>, vector<16xi32>,
    %eq3A_1329 = arith.constant 40480 : i32
    %eq3A_1330 = vector.broadcast %eq3A_1329 : i32 to vector<16xi32>
    %eq3A_1331 = arith.cmpi eq, %get3A_1328, %eq3A_1330 : vector<16xi32>
    %add3A_1332 = arith.constant 400 : i32
    %add3A_1333 = vector.broadcast %add3A_1332 : i32 to vector<16xi32>
    %add3A_1334 = arith.addi %iota3A, %add3A_1333 : vector<16xi32>
    %select_n3A_1335 = arith.select %eq3A_1331, %add3A_1334, %broadcast_in_dim3A_0 : vector<16xi1>, vector<16xi32>
    %add3A_1336 = arith.addi %add3A_1280, %select_n3A_1335 : vector<16xi32>
    %get3A_1337 = arith.constant 1 : i32
    %get3A_1338 = arith.constant 6 : i32
    %get3A_1339 = arith.index_cast %get3A_1337 : i32 to index
    %get3A_1340 = arith.index_cast %get3A_1338 : i32 to index
    %get3A_1341 = arith.constant 32 : index
    %get3A_1342 = tpu.vector_load %arg7[%get3A_1339, %get3A_1340, %get3A_1341] {strides = array<i32>} : memref<2x16x128xi32, #tpu.memory_space<vmem>>, vector<16xi32>,
    %eq3A_1343 = arith.constant 40480 : i32
    %eq3A_1344 = vector.broadcast %eq3A_1343 : i32 to vector<16xi32>
    %eq3A_1345 = arith.cmpi eq, %get3A_1342, %eq3A_1344 : vector<16xi32>
    %add3A_1346 = arith.constant 416 : i32
    %add3A_1347 = vector.broadcast %add3A_1346 : i32 to vector<16xi32>
    %add3A_1348 = arith.addi %iota3A, %add3A_1347 : vector<16xi32>
    %select_n3A_1349 = arith.select %eq3A_1345, %add3A_1348, %broadcast_in_dim3A_0 : vector<16xi1>, vector<16xi32>
    %add3A_1350 = arith.addi %add3A_1294, %select_n3A_1349 : vector<16xi32>
    %get3A_1351 = arith.constant 1 : i32
    %get3A_1352 = arith.constant 6 : i32
    %get3A_1353 = arith.index_cast %get3A_1351 : i32 to index
    %get3A_1354 = arith.index_cast %get3A_1352 : i32 to index
    %get3A_1355 = arith.constant 48 : index
    %get3A_1356 = tpu.vector_load %arg7[%get3A_1353, %get3A_1354, %get3A_1355] {strides = array<i32>} : memref<2x16x128xi32, #tpu.memory_space<vmem>>, vector<16xi32>,
    %eq3A_1357 = arith.constant 40480 : i32
    %eq3A_1358 = vector.broadcast %eq3A_1357 : i32 to vector<16xi32>
    %eq3A_1359 = arith.cmpi eq, %get3A_1356, %eq3A_1358 : vector<16xi32>
    %add3A_1360 = arith.constant 432 : i32
    %add3A_1361 = vector.broadcast %add3A_1360 : i32 to vector<16xi32>
    %add3A_1362 = arith.addi %iota3A, %add3A_1361 : vector<16xi32>
    %select_n3A_1363 = arith.select %eq3A_1359, %add3A_1362, %broadcast_in_dim3A_0 : vector<16xi1>, vector<16xi32>
    %add3A_1364 = arith.addi %add3A_1308, %select_n3A_1363 : vector<16xi32>
    %get3A_1365 = arith.constant 1 : i32
    %get3A_1366 = arith.constant 6 : i32
    %get3A_1367 = arith.index_cast %get3A_1365 : i32 to index
    %get3A_1368 = arith.index_cast %get3A_1366 : i32 to index
    %get3A_1369 = arith.constant 64 : index
    %get3A_1370 = tpu.vector_load %arg7[%get3A_1367, %get3A_1368, %get3A_1369] {strides = array<i32>} : memref<2x16x128xi32, #tpu.memory_space<vmem>>, vector<16xi32>,
    %eq3A_1371 = arith.constant 40480 : i32
    %eq3A_1372 = vector.broadcast %eq3A_1371 : i32 to vector<16xi32>
    %eq3A_1373 = arith.cmpi eq, %get3A_1370, %eq3A_1372 : vector<16xi32>
    %add3A_1374 = arith.constant 448 : i32
    %add3A_1375 = vector.broadcast %add3A_1374 : i32 to vector<16xi32>
    %add3A_1376 = arith.addi %iota3A, %add3A_1375 : vector<16xi32>
    %select_n3A_1377 = arith.select %eq3A_1373, %add3A_1376, %broadcast_in_dim3A_0 : vector<16xi1>, vector<16xi32>
    %add3A_1378 = arith.addi %add3A_1322, %select_n3A_1377 : vector<16xi32>
    %get3A_1379 = arith.constant 1 : i32
    %get3A_1380 = arith.constant 6 : i32
    %get3A_1381 = arith.index_cast %get3A_1379 : i32 to index
    %get3A_1382 = arith.index_cast %get3A_1380 : i32 to index
    %get3A_1383 = arith.constant 80 : index
    %get3A_1384 = tpu.vector_load %arg7[%get3A_1381, %get3A_1382, %get3A_1383] {strides = array<i32>} : memref<2x16x128xi32, #tpu.memory_space<vmem>>, vector<16xi32>,
    %eq3A_1385 = arith.constant 40480 : i32
    %eq3A_1386 = vector.broadcast %eq3A_1385 : i32 to vector<16xi32>
    %eq3A_1387 = arith.cmpi eq, %get3A_1384, %eq3A_1386 : vector<16xi32>
    %add3A_1388 = arith.constant 464 : i32
    %add3A_1389 = vector.broadcast %add3A_1388 : i32 to vector<16xi32>
    %add3A_1390 = arith.addi %iota3A, %add3A_1389 : vector<16xi32>
    %select_n3A_1391 = arith.select %eq3A_1387, %add3A_1390, %broadcast_in_dim3A_0 : vector<16xi1>, vector<16xi32>
    %add3A_1392 = arith.addi %add3A_1336, %select_n3A_1391 : vector<16xi32>
    %get3A_1393 = arith.constant 1 : i32
    %get3A_1394 = arith.constant 6 : i32
    %get3A_1395 = arith.index_cast %get3A_1393 : i32 to index
    %get3A_1396 = arith.index_cast %get3A_1394 : i32 to index
    %get3A_1397 = arith.constant 96 : index
    %get3A_1398 = tpu.vector_load %arg7[%get3A_1395, %get3A_1396, %get3A_1397] {strides = array<i32>} : memref<2x16x128xi32, #tpu.memory_space<vmem>>, vector<16xi32>,
    %eq3A_1399 = arith.constant 40480 : i32
    %eq3A_1400 = vector.broadcast %eq3A_1399 : i32 to vector<16xi32>
    %eq3A_1401 = arith.cmpi eq, %get3A_1398, %eq3A_1400 : vector<16xi32>
    %add3A_1402 = arith.constant 480 : i32
    %add3A_1403 = vector.broadcast %add3A_1402 : i32 to vector<16xi32>
    %add3A_1404 = arith.addi %iota3A, %add3A_1403 : vector<16xi32>
    %select_n3A_1405 = arith.select %eq3A_1401, %add3A_1404, %broadcast_in_dim3A_0 : vector<16xi1>, vector<16xi32>
    %add3A_1406 = arith.addi %add3A_1350, %select_n3A_1405 : vector<16xi32>
    %get3A_1407 = arith.constant 1 : i32
    %get3A_1408 = arith.constant 6 : i32
    %get3A_1409 = arith.index_cast %get3A_1407 : i32 to index
    %get3A_1410 = arith.index_cast %get3A_1408 : i32 to index
    %get3A_1411 = arith.constant 112 : index
    %get3A_1412 = tpu.vector_load %arg7[%get3A_1409, %get3A_1410, %get3A_1411] {strides = array<i32>} : memref<2x16x128xi32, #tpu.memory_space<vmem>>, vector<16xi32>,
    %eq3A_1413 = arith.constant 40480 : i32
    %eq3A_1414 = vector.broadcast %eq3A_1413 : i32 to vector<16xi32>
    %eq3A_1415 = arith.cmpi eq, %get3A_1412, %eq3A_1414 : vector<16xi32>
    %add3A_1416 = arith.constant 496 : i32
    %add3A_1417 = vector.broadcast %add3A_1416 : i32 to vector<16xi32>
    %add3A_1418 = arith.addi %iota3A, %add3A_1417 : vector<16xi32>
    %select_n3A_1419 = arith.select %eq3A_1415, %add3A_1418, %broadcast_in_dim3A_0 : vector<16xi1>, vector<16xi32>
    %add3A_1420 = arith.addi %add3A_1364, %select_n3A_1419 : vector<16xi32>
    %get3A_1421 = arith.constant 1 : i32
    %get3A_1422 = arith.constant 8 : i32
    %get3A_1423 = arith.index_cast %get3A_1421 : i32 to index
    %get3A_1424 = arith.index_cast %get3A_1422 : i32 to index
    %get3A_1425 = arith.constant 0 : index
    %get3A_1426 = tpu.vector_load %arg7[%get3A_1423, %get3A_1424, %get3A_1425] {strides = array<i32>} : memref<2x16x128xi32, #tpu.memory_space<vmem>>, vector<16xi32>,
    %eq3A_1427 = arith.constant 40480 : i32
    %eq3A_1428 = vector.broadcast %eq3A_1427 : i32 to vector<16xi32>
    %eq3A_1429 = arith.cmpi eq, %get3A_1426, %eq3A_1428 : vector<16xi32>
    %add3A_1430 = arith.constant 512 : i32
    %add3A_1431 = vector.broadcast %add3A_1430 : i32 to vector<16xi32>
    %add3A_1432 = arith.addi %iota3A, %add3A_1431 : vector<16xi32>
    %select_n3A_1433 = arith.select %eq3A_1429, %add3A_1432, %broadcast_in_dim3A_0 : vector<16xi1>, vector<16xi32>
    %add3A_1434 = arith.addi %add3A_1378, %select_n3A_1433 : vector<16xi32>
    %get3A_1435 = arith.constant 1 : i32
    %get3A_1436 = arith.constant 8 : i32
    %get3A_1437 = arith.index_cast %get3A_1435 : i32 to index
    %get3A_1438 = arith.index_cast %get3A_1436 : i32 to index
    %get3A_1439 = arith.constant 16 : index
    %get3A_1440 = tpu.vector_load %arg7[%get3A_1437, %get3A_1438, %get3A_1439] {strides = array<i32>} : memref<2x16x128xi32, #tpu.memory_space<vmem>>, vector<16xi32>,
    %eq3A_1441 = arith.constant 40480 : i32
    %eq3A_1442 = vector.broadcast %eq3A_1441 : i32 to vector<16xi32>
    %eq3A_1443 = arith.cmpi eq, %get3A_1440, %eq3A_1442 : vector<16xi32>
    %add3A_1444 = arith.constant 528 : i32
    %add3A_1445 = vector.broadcast %add3A_1444 : i32 to vector<16xi32>
    %add3A_1446 = arith.addi %iota3A, %add3A_1445 : vector<16xi32>
    %select_n3A_1447 = arith.select %eq3A_1443, %add3A_1446, %broadcast_in_dim3A_0 : vector<16xi1>, vector<16xi32>
    %add3A_1448 = arith.addi %add3A_1392, %select_n3A_1447 : vector<16xi32>
    %get3A_1449 = arith.constant 1 : i32
    %get3A_1450 = arith.constant 8 : i32
    %get3A_1451 = arith.index_cast %get3A_1449 : i32 to index
    %get3A_1452 = arith.index_cast %get3A_1450 : i32 to index
    %get3A_1453 = arith.constant 32 : index
    %get3A_1454 = tpu.vector_load %arg7[%get3A_1451, %get3A_1452, %get3A_1453] {strides = array<i32>} : memref<2x16x128xi32, #tpu.memory_space<vmem>>, vector<16xi32>,
    %eq3A_1455 = arith.constant 40480 : i32
    %eq3A_1456 = vector.broadcast %eq3A_1455 : i32 to vector<16xi32>
    %eq3A_1457 = arith.cmpi eq, %get3A_1454, %eq3A_1456 : vector<16xi32>
    %add3A_1458 = arith.constant 544 : i32
    %add3A_1459 = vector.broadcast %add3A_1458 : i32 to vector<16xi32>
    %add3A_1460 = arith.addi %iota3A, %add3A_1459 : vector<16xi32>
    %select_n3A_1461 = arith.select %eq3A_1457, %add3A_1460, %broadcast_in_dim3A_0 : vector<16xi1>, vector<16xi32>
    %add3A_1462 = arith.addi %add3A_1406, %select_n3A_1461 : vector<16xi32>
    %get3A_1463 = arith.constant 1 : i32
    %get3A_1464 = arith.constant 8 : i32
    %get3A_1465 = arith.index_cast %get3A_1463 : i32 to index
    %get3A_1466 = arith.index_cast %get3A_1464 : i32 to index
    %get3A_1467 = arith.constant 48 : index
    %get3A_1468 = tpu.vector_load %arg7[%get3A_1465, %get3A_1466, %get3A_1467] {strides = array<i32>} : memref<2x16x128xi32, #tpu.memory_space<vmem>>, vector<16xi32>,
    %eq3A_1469 = arith.constant 40480 : i32
    %eq3A_1470 = vector.broadcast %eq3A_1469 : i32 to vector<16xi32>
    %eq3A_1471 = arith.cmpi eq, %get3A_1468, %eq3A_1470 : vector<16xi32>
    %add3A_1472 = arith.constant 560 : i32
    %add3A_1473 = vector.broadcast %add3A_1472 : i32 to vector<16xi32>
    %add3A_1474 = arith.addi %iota3A, %add3A_1473 : vector<16xi32>
    %select_n3A_1475 = arith.select %eq3A_1471, %add3A_1474, %broadcast_in_dim3A_0 : vector<16xi1>, vector<16xi32>
    %add3A_1476 = arith.addi %add3A_1420, %select_n3A_1475 : vector<16xi32>
    %get3A_1477 = arith.constant 1 : i32
    %get3A_1478 = arith.constant 8 : i32
    %get3A_1479 = arith.index_cast %get3A_1477 : i32 to index
    %get3A_1480 = arith.index_cast %get3A_1478 : i32 to index
    %get3A_1481 = arith.constant 64 : index
    %get3A_1482 = tpu.vector_load %arg7[%get3A_1479, %get3A_1480, %get3A_1481] {strides = array<i32>} : memref<2x16x128xi32, #tpu.memory_space<vmem>>, vector<16xi32>,
    %eq3A_1483 = arith.constant 40480 : i32
    %eq3A_1484 = vector.broadcast %eq3A_1483 : i32 to vector<16xi32>
    %eq3A_1485 = arith.cmpi eq, %get3A_1482, %eq3A_1484 : vector<16xi32>
    %add3A_1486 = arith.constant 576 : i32
    %add3A_1487 = vector.broadcast %add3A_1486 : i32 to vector<16xi32>
    %add3A_1488 = arith.addi %iota3A, %add3A_1487 : vector<16xi32>
    %select_n3A_1489 = arith.select %eq3A_1485, %add3A_1488, %broadcast_in_dim3A_0 : vector<16xi1>, vector<16xi32>
    %add3A_1490 = arith.addi %add3A_1434, %select_n3A_1489 : vector<16xi32>
    %get3A_1491 = arith.constant 1 : i32
    %get3A_1492 = arith.constant 8 : i32
    %get3A_1493 = arith.index_cast %get3A_1491 : i32 to index
    %get3A_1494 = arith.index_cast %get3A_1492 : i32 to index
    %get3A_1495 = arith.constant 80 : index
    %get3A_1496 = tpu.vector_load %arg7[%get3A_1493, %get3A_1494, %get3A_1495] {strides = array<i32>} : memref<2x16x128xi32, #tpu.memory_space<vmem>>, vector<16xi32>,
    %eq3A_1497 = arith.constant 40480 : i32
    %eq3A_1498 = vector.broadcast %eq3A_1497 : i32 to vector<16xi32>
    %eq3A_1499 = arith.cmpi eq, %get3A_1496, %eq3A_1498 : vector<16xi32>
    %add3A_1500 = arith.constant 592 : i32
    %add3A_1501 = vector.broadcast %add3A_1500 : i32 to vector<16xi32>
    %add3A_1502 = arith.addi %iota3A, %add3A_1501 : vector<16xi32>
    %select_n3A_1503 = arith.select %eq3A_1499, %add3A_1502, %broadcast_in_dim3A_0 : vector<16xi1>, vector<16xi32>
    %add3A_1504 = arith.addi %add3A_1448, %select_n3A_1503 : vector<16xi32>
    %get3A_1505 = arith.constant 1 : i32
    %get3A_1506 = arith.constant 8 : i32
    %get3A_1507 = arith.index_cast %get3A_1505 : i32 to index
    %get3A_1508 = arith.index_cast %get3A_1506 : i32 to index
    %get3A_1509 = arith.constant 96 : index
    %get3A_1510 = tpu.vector_load %arg7[%get3A_1507, %get3A_1508, %get3A_1509] {strides = array<i32>} : memref<2x16x128xi32, #tpu.memory_space<vmem>>, vector<16xi32>,
    %eq3A_1511 = arith.constant 40480 : i32
    %eq3A_1512 = vector.broadcast %eq3A_1511 : i32 to vector<16xi32>
    %eq3A_1513 = arith.cmpi eq, %get3A_1510, %eq3A_1512 : vector<16xi32>
    %add3A_1514 = arith.constant 608 : i32
    %add3A_1515 = vector.broadcast %add3A_1514 : i32 to vector<16xi32>
    %add3A_1516 = arith.addi %iota3A, %add3A_1515 : vector<16xi32>
    %select_n3A_1517 = arith.select %eq3A_1513, %add3A_1516, %broadcast_in_dim3A_0 : vector<16xi1>, vector<16xi32>
    %add3A_1518 = arith.addi %add3A_1462, %select_n3A_1517 : vector<16xi32>
    %get3A_1519 = arith.constant 1 : i32
    %get3A_1520 = arith.constant 8 : i32
    %get3A_1521 = arith.index_cast %get3A_1519 : i32 to index
    %get3A_1522 = arith.index_cast %get3A_1520 : i32 to index
    %get3A_1523 = arith.constant 112 : index
    %get3A_1524 = tpu.vector_load %arg7[%get3A_1521, %get3A_1522, %get3A_1523] {strides = array<i32>} : memref<2x16x128xi32, #tpu.memory_space<vmem>>, vector<16xi32>,
    %eq3A_1525 = arith.constant 40480 : i32
    %eq3A_1526 = vector.broadcast %eq3A_1525 : i32 to vector<16xi32>
    %eq3A_1527 = arith.cmpi eq, %get3A_1524, %eq3A_1526 : vector<16xi32>
    %add3A_1528 = arith.constant 624 : i32
    %add3A_1529 = vector.broadcast %add3A_1528 : i32 to vector<16xi32>
    %add3A_1530 = arith.addi %iota3A, %add3A_1529 : vector<16xi32>
    %select_n3A_1531 = arith.select %eq3A_1527, %add3A_1530, %broadcast_in_dim3A_0 : vector<16xi1>, vector<16xi32>
    %add3A_1532 = arith.addi %add3A_1476, %select_n3A_1531 : vector<16xi32>
    %get3A_1533 = arith.constant 1 : i32
    %get3A_1534 = arith.constant 10 : i32
    %get3A_1535 = arith.index_cast %get3A_1533 : i32 to index
    %get3A_1536 = arith.index_cast %get3A_1534 : i32 to index
    %get3A_1537 = arith.constant 0 : index
    %get3A_1538 = tpu.vector_load %arg7[%get3A_1535, %get3A_1536, %get3A_1537] {strides = array<i32>} : memref<2x16x128xi32, #tpu.memory_space<vmem>>, vector<16xi32>,
    %eq3A_1539 = arith.constant 40480 : i32
    %eq3A_1540 = vector.broadcast %eq3A_1539 : i32 to vector<16xi32>
    %eq3A_1541 = arith.cmpi eq, %get3A_1538, %eq3A_1540 : vector<16xi32>
    %add3A_1542 = arith.constant 640 : i32
    %add3A_1543 = vector.broadcast %add3A_1542 : i32 to vector<16xi32>
    %add3A_1544 = arith.addi %iota3A, %add3A_1543 : vector<16xi32>
    %select_n3A_1545 = arith.select %eq3A_1541, %add3A_1544, %broadcast_in_dim3A_0 : vector<16xi1>, vector<16xi32>
    %add3A_1546 = arith.addi %add3A_1490, %select_n3A_1545 : vector<16xi32>
    %get3A_1547 = arith.constant 1 : i32
    %get3A_1548 = arith.constant 10 : i32
    %get3A_1549 = arith.index_cast %get3A_1547 : i32 to index
    %get3A_1550 = arith.index_cast %get3A_1548 : i32 to index
    %get3A_1551 = arith.constant 16 : index
    %get3A_1552 = tpu.vector_load %arg7[%get3A_1549, %get3A_1550, %get3A_1551] {strides = array<i32>} : memref<2x16x128xi32, #tpu.memory_space<vmem>>, vector<16xi32>,
    %eq3A_1553 = arith.constant 40480 : i32
    %eq3A_1554 = vector.broadcast %eq3A_1553 : i32 to vector<16xi32>
    %eq3A_1555 = arith.cmpi eq, %get3A_1552, %eq3A_1554 : vector<16xi32>
    %add3A_1556 = arith.constant 656 : i32
    %add3A_1557 = vector.broadcast %add3A_1556 : i32 to vector<16xi32>
    %add3A_1558 = arith.addi %iota3A, %add3A_1557 : vector<16xi32>
    %select_n3A_1559 = arith.select %eq3A_1555, %add3A_1558, %broadcast_in_dim3A_0 : vector<16xi1>, vector<16xi32>
    %add3A_1560 = arith.addi %add3A_1504, %select_n3A_1559 : vector<16xi32>
    %get3A_1561 = arith.constant 1 : i32
    %get3A_1562 = arith.constant 10 : i32
    %get3A_1563 = arith.index_cast %get3A_1561 : i32 to index
    %get3A_1564 = arith.index_cast %get3A_1562 : i32 to index
    %get3A_1565 = arith.constant 32 : index
    %get3A_1566 = tpu.vector_load %arg7[%get3A_1563, %get3A_1564, %get3A_1565] {strides = array<i32>} : memref<2x16x128xi32, #tpu.memory_space<vmem>>, vector<16xi32>,
    %eq3A_1567 = arith.constant 40480 : i32
    %eq3A_1568 = vector.broadcast %eq3A_1567 : i32 to vector<16xi32>
    %eq3A_1569 = arith.cmpi eq, %get3A_1566, %eq3A_1568 : vector<16xi32>
    %add3A_1570 = arith.constant 672 : i32
    %add3A_1571 = vector.broadcast %add3A_1570 : i32 to vector<16xi32>
    %add3A_1572 = arith.addi %iota3A, %add3A_1571 : vector<16xi32>
    %select_n3A_1573 = arith.select %eq3A_1569, %add3A_1572, %broadcast_in_dim3A_0 : vector<16xi1>, vector<16xi32>
    %add3A_1574 = arith.addi %add3A_1518, %select_n3A_1573 : vector<16xi32>
    %get3A_1575 = arith.constant 1 : i32
    %get3A_1576 = arith.constant 10 : i32
    %get3A_1577 = arith.index_cast %get3A_1575 : i32 to index
    %get3A_1578 = arith.index_cast %get3A_1576 : i32 to index
    %get3A_1579 = arith.constant 48 : index
    %get3A_1580 = tpu.vector_load %arg7[%get3A_1577, %get3A_1578, %get3A_1579] {strides = array<i32>} : memref<2x16x128xi32, #tpu.memory_space<vmem>>, vector<16xi32>,
    %eq3A_1581 = arith.constant 40480 : i32
    %eq3A_1582 = vector.broadcast %eq3A_1581 : i32 to vector<16xi32>
    %eq3A_1583 = arith.cmpi eq, %get3A_1580, %eq3A_1582 : vector<16xi32>
    %add3A_1584 = arith.constant 688 : i32
    %add3A_1585 = vector.broadcast %add3A_1584 : i32 to vector<16xi32>
    %add3A_1586 = arith.addi %iota3A, %add3A_1585 : vector<16xi32>
    %select_n3A_1587 = arith.select %eq3A_1583, %add3A_1586, %broadcast_in_dim3A_0 : vector<16xi1>, vector<16xi32>
    %add3A_1588 = arith.addi %add3A_1532, %select_n3A_1587 : vector<16xi32>
    %get3A_1589 = arith.constant 1 : i32
    %get3A_1590 = arith.constant 10 : i32
    %get3A_1591 = arith.index_cast %get3A_1589 : i32 to index
    %get3A_1592 = arith.index_cast %get3A_1590 : i32 to index
    %get3A_1593 = arith.constant 64 : index
    %get3A_1594 = tpu.vector_load %arg7[%get3A_1591, %get3A_1592, %get3A_1593] {strides = array<i32>} : memref<2x16x128xi32, #tpu.memory_space<vmem>>, vector<16xi32>,
    %eq3A_1595 = arith.constant 40480 : i32
    %eq3A_1596 = vector.broadcast %eq3A_1595 : i32 to vector<16xi32>
    %eq3A_1597 = arith.cmpi eq, %get3A_1594, %eq3A_1596 : vector<16xi32>
    %add3A_1598 = arith.constant 704 : i32
    %add3A_1599 = vector.broadcast %add3A_1598 : i32 to vector<16xi32>
    %add3A_1600 = arith.addi %iota3A, %add3A_1599 : vector<16xi32>
    %select_n3A_1601 = arith.select %eq3A_1597, %add3A_1600, %broadcast_in_dim3A_0 : vector<16xi1>, vector<16xi32>
    %add3A_1602 = arith.addi %add3A_1546, %select_n3A_1601 : vector<16xi32>
    %get3A_1603 = arith.constant 1 : i32
    %get3A_1604 = arith.constant 10 : i32
    %get3A_1605 = arith.index_cast %get3A_1603 : i32 to index
    %get3A_1606 = arith.index_cast %get3A_1604 : i32 to index
    %get3A_1607 = arith.constant 80 : index
    %get3A_1608 = tpu.vector_load %arg7[%get3A_1605, %get3A_1606, %get3A_1607] {strides = array<i32>} : memref<2x16x128xi32, #tpu.memory_space<vmem>>, vector<16xi32>,
    %eq3A_1609 = arith.constant 40480 : i32
    %eq3A_1610 = vector.broadcast %eq3A_1609 : i32 to vector<16xi32>
    %eq3A_1611 = arith.cmpi eq, %get3A_1608, %eq3A_1610 : vector<16xi32>
    %add3A_1612 = arith.constant 720 : i32
    %add3A_1613 = vector.broadcast %add3A_1612 : i32 to vector<16xi32>
    %add3A_1614 = arith.addi %iota3A, %add3A_1613 : vector<16xi32>
    %select_n3A_1615 = arith.select %eq3A_1611, %add3A_1614, %broadcast_in_dim3A_0 : vector<16xi1>, vector<16xi32>
    %add3A_1616 = arith.addi %add3A_1560, %select_n3A_1615 : vector<16xi32>
    %get3A_1617 = arith.constant 1 : i32
    %get3A_1618 = arith.constant 10 : i32
    %get3A_1619 = arith.index_cast %get3A_1617 : i32 to index
    %get3A_1620 = arith.index_cast %get3A_1618 : i32 to index
    %get3A_1621 = arith.constant 96 : index
    %get3A_1622 = tpu.vector_load %arg7[%get3A_1619, %get3A_1620, %get3A_1621] {strides = array<i32>} : memref<2x16x128xi32, #tpu.memory_space<vmem>>, vector<16xi32>,
    %eq3A_1623 = arith.constant 40480 : i32
    %eq3A_1624 = vector.broadcast %eq3A_1623 : i32 to vector<16xi32>
    %eq3A_1625 = arith.cmpi eq, %get3A_1622, %eq3A_1624 : vector<16xi32>
    %add3A_1626 = arith.constant 736 : i32
    %add3A_1627 = vector.broadcast %add3A_1626 : i32 to vector<16xi32>
    %add3A_1628 = arith.addi %iota3A, %add3A_1627 : vector<16xi32>
    %select_n3A_1629 = arith.select %eq3A_1625, %add3A_1628, %broadcast_in_dim3A_0 : vector<16xi1>, vector<16xi32>
    %add3A_1630 = arith.addi %add3A_1574, %select_n3A_1629 : vector<16xi32>
    %get3A_1631 = arith.constant 1 : i32
    %get3A_1632 = arith.constant 10 : i32
    %get3A_1633 = arith.index_cast %get3A_1631 : i32 to index
    %get3A_1634 = arith.index_cast %get3A_1632 : i32 to index
    %get3A_1635 = arith.constant 112 : index
    %get3A_1636 = tpu.vector_load %arg7[%get3A_1633, %get3A_1634, %get3A_1635] {strides = array<i32>} : memref<2x16x128xi32, #tpu.memory_space<vmem>>, vector<16xi32>,
    %eq3A_1637 = arith.constant 40480 : i32
    %eq3A_1638 = vector.broadcast %eq3A_1637 : i32 to vector<16xi32>
    %eq3A_1639 = arith.cmpi eq, %get3A_1636, %eq3A_1638 : vector<16xi32>
    %add3A_1640 = arith.constant 752 : i32
    %add3A_1641 = vector.broadcast %add3A_1640 : i32 to vector<16xi32>
    %add3A_1642 = arith.addi %iota3A, %add3A_1641 : vector<16xi32>
    %select_n3A_1643 = arith.select %eq3A_1639, %add3A_1642, %broadcast_in_dim3A_0 : vector<16xi1>, vector<16xi32>
    %add3A_1644 = arith.addi %add3A_1588, %select_n3A_1643 : vector<16xi32>
    %get3A_1645 = arith.constant 1 : i32
    %get3A_1646 = arith.constant 12 : i32
    %get3A_1647 = arith.index_cast %get3A_1645 : i32 to index
    %get3A_1648 = arith.index_cast %get3A_1646 : i32 to index
    %get3A_1649 = arith.constant 0 : index
    %get3A_1650 = tpu.vector_load %arg7[%get3A_1647, %get3A_1648, %get3A_1649] {strides = array<i32>} : memref<2x16x128xi32, #tpu.memory_space<vmem>>, vector<16xi32>,
    %eq3A_1651 = arith.constant 40480 : i32
    %eq3A_1652 = vector.broadcast %eq3A_1651 : i32 to vector<16xi32>
    %eq3A_1653 = arith.cmpi eq, %get3A_1650, %eq3A_1652 : vector<16xi32>
    %add3A_1654 = arith.constant 768 : i32
    %add3A_1655 = vector.broadcast %add3A_1654 : i32 to vector<16xi32>
    %add3A_1656 = arith.addi %iota3A, %add3A_1655 : vector<16xi32>
    %select_n3A_1657 = arith.select %eq3A_1653, %add3A_1656, %broadcast_in_dim3A_0 : vector<16xi1>, vector<16xi32>
    %add3A_1658 = arith.addi %add3A_1602, %select_n3A_1657 : vector<16xi32>
    %get3A_1659 = arith.constant 1 : i32
    %get3A_1660 = arith.constant 12 : i32
    %get3A_1661 = arith.index_cast %get3A_1659 : i32 to index
    %get3A_1662 = arith.index_cast %get3A_1660 : i32 to index
    %get3A_1663 = arith.constant 16 : index
    %get3A_1664 = tpu.vector_load %arg7[%get3A_1661, %get3A_1662, %get3A_1663] {strides = array<i32>} : memref<2x16x128xi32, #tpu.memory_space<vmem>>, vector<16xi32>,
    %eq3A_1665 = arith.constant 40480 : i32
    %eq3A_1666 = vector.broadcast %eq3A_1665 : i32 to vector<16xi32>
    %eq3A_1667 = arith.cmpi eq, %get3A_1664, %eq3A_1666 : vector<16xi32>
    %add3A_1668 = arith.constant 784 : i32
    %add3A_1669 = vector.broadcast %add3A_1668 : i32 to vector<16xi32>
    %add3A_1670 = arith.addi %iota3A, %add3A_1669 : vector<16xi32>
    %select_n3A_1671 = arith.select %eq3A_1667, %add3A_1670, %broadcast_in_dim3A_0 : vector<16xi1>, vector<16xi32>
    %add3A_1672 = arith.addi %add3A_1616, %select_n3A_1671 : vector<16xi32>
    %get3A_1673 = arith.constant 1 : i32
    %get3A_1674 = arith.constant 12 : i32
    %get3A_1675 = arith.index_cast %get3A_1673 : i32 to index
    %get3A_1676 = arith.index_cast %get3A_1674 : i32 to index
    %get3A_1677 = arith.constant 32 : index
    %get3A_1678 = tpu.vector_load %arg7[%get3A_1675, %get3A_1676, %get3A_1677] {strides = array<i32>} : memref<2x16x128xi32, #tpu.memory_space<vmem>>, vector<16xi32>,
    %eq3A_1679 = arith.constant 40480 : i32
    %eq3A_1680 = vector.broadcast %eq3A_1679 : i32 to vector<16xi32>
    %eq3A_1681 = arith.cmpi eq, %get3A_1678, %eq3A_1680 : vector<16xi32>
    %add3A_1682 = arith.constant 800 : i32
    %add3A_1683 = vector.broadcast %add3A_1682 : i32 to vector<16xi32>
    %add3A_1684 = arith.addi %iota3A, %add3A_1683 : vector<16xi32>
    %select_n3A_1685 = arith.select %eq3A_1681, %add3A_1684, %broadcast_in_dim3A_0 : vector<16xi1>, vector<16xi32>
    %add3A_1686 = arith.addi %add3A_1630, %select_n3A_1685 : vector<16xi32>
    %get3A_1687 = arith.constant 1 : i32
    %get3A_1688 = arith.constant 12 : i32
    %get3A_1689 = arith.index_cast %get3A_1687 : i32 to index
    %get3A_1690 = arith.index_cast %get3A_1688 : i32 to index
    %get3A_1691 = arith.constant 48 : index
    %get3A_1692 = tpu.vector_load %arg7[%get3A_1689, %get3A_1690, %get3A_1691] {strides = array<i32>} : memref<2x16x128xi32, #tpu.memory_space<vmem>>, vector<16xi32>,
    %eq3A_1693 = arith.constant 40480 : i32
    %eq3A_1694 = vector.broadcast %eq3A_1693 : i32 to vector<16xi32>
    %eq3A_1695 = arith.cmpi eq, %get3A_1692, %eq3A_1694 : vector<16xi32>
    %add3A_1696 = arith.constant 816 : i32
    %add3A_1697 = vector.broadcast %add3A_1696 : i32 to vector<16xi32>
    %add3A_1698 = arith.addi %iota3A, %add3A_1697 : vector<16xi32>
    %select_n3A_1699 = arith.select %eq3A_1695, %add3A_1698, %broadcast_in_dim3A_0 : vector<16xi1>, vector<16xi32>
    %add3A_1700 = arith.addi %add3A_1644, %select_n3A_1699 : vector<16xi32>
    %get3A_1701 = arith.constant 1 : i32
    %get3A_1702 = arith.constant 12 : i32
    %get3A_1703 = arith.index_cast %get3A_1701 : i32 to index
    %get3A_1704 = arith.index_cast %get3A_1702 : i32 to index
    %get3A_1705 = arith.constant 64 : index
    %get3A_1706 = tpu.vector_load %arg7[%get3A_1703, %get3A_1704, %get3A_1705] {strides = array<i32>} : memref<2x16x128xi32, #tpu.memory_space<vmem>>, vector<16xi32>,
    %eq3A_1707 = arith.constant 40480 : i32
    %eq3A_1708 = vector.broadcast %eq3A_1707 : i32 to vector<16xi32>
    %eq3A_1709 = arith.cmpi eq, %get3A_1706, %eq3A_1708 : vector<16xi32>
    %add3A_1710 = arith.constant 832 : i32
    %add3A_1711 = vector.broadcast %add3A_1710 : i32 to vector<16xi32>
    %add3A_1712 = arith.addi %iota3A, %add3A_1711 : vector<16xi32>
    %select_n3A_1713 = arith.select %eq3A_1709, %add3A_1712, %broadcast_in_dim3A_0 : vector<16xi1>, vector<16xi32>
    %add3A_1714 = arith.addi %add3A_1658, %select_n3A_1713 : vector<16xi32>
    %get3A_1715 = arith.constant 1 : i32
    %get3A_1716 = arith.constant 12 : i32
    %get3A_1717 = arith.index_cast %get3A_1715 : i32 to index
    %get3A_1718 = arith.index_cast %get3A_1716 : i32 to index
    %get3A_1719 = arith.constant 80 : index
    %get3A_1720 = tpu.vector_load %arg7[%get3A_1717, %get3A_1718, %get3A_1719] {strides = array<i32>} : memref<2x16x128xi32, #tpu.memory_space<vmem>>, vector<16xi32>,
    %eq3A_1721 = arith.constant 40480 : i32
    %eq3A_1722 = vector.broadcast %eq3A_1721 : i32 to vector<16xi32>
    %eq3A_1723 = arith.cmpi eq, %get3A_1720, %eq3A_1722 : vector<16xi32>
    %add3A_1724 = arith.constant 848 : i32
    %add3A_1725 = vector.broadcast %add3A_1724 : i32 to vector<16xi32>
    %add3A_1726 = arith.addi %iota3A, %add3A_1725 : vector<16xi32>
    %select_n3A_1727 = arith.select %eq3A_1723, %add3A_1726, %broadcast_in_dim3A_0 : vector<16xi1>, vector<16xi32>
    %add3A_1728 = arith.addi %add3A_1672, %select_n3A_1727 : vector<16xi32>
    %get3A_1729 = arith.constant 1 : i32
    %get3A_1730 = arith.constant 12 : i32
    %get3A_1731 = arith.index_cast %get3A_1729 : i32 to index
    %get3A_1732 = arith.index_cast %get3A_1730 : i32 to index
    %get3A_1733 = arith.constant 96 : index
    %get3A_1734 = tpu.vector_load %arg7[%get3A_1731, %get3A_1732, %get3A_1733] {strides = array<i32>} : memref<2x16x128xi32, #tpu.memory_space<vmem>>, vector<16xi32>,
    %eq3A_1735 = arith.constant 40480 : i32
    %eq3A_1736 = vector.broadcast %eq3A_1735 : i32 to vector<16xi32>
    %eq3A_1737 = arith.cmpi eq, %get3A_1734, %eq3A_1736 : vector<16xi32>
    %add3A_1738 = arith.constant 864 : i32
    %add3A_1739 = vector.broadcast %add3A_1738 : i32 to vector<16xi32>
    %add3A_1740 = arith.addi %iota3A, %add3A_1739 : vector<16xi32>
    %select_n3A_1741 = arith.select %eq3A_1737, %add3A_1740, %broadcast_in_dim3A_0 : vector<16xi1>, vector<16xi32>
    %add3A_1742 = arith.addi %add3A_1686, %select_n3A_1741 : vector<16xi32>
    %get3A_1743 = arith.constant 1 : i32
    %get3A_1744 = arith.constant 12 : i32
    %get3A_1745 = arith.index_cast %get3A_1743 : i32 to index
    %get3A_1746 = arith.index_cast %get3A_1744 : i32 to index
    %get3A_1747 = arith.constant 112 : index
    %get3A_1748 = tpu.vector_load %arg7[%get3A_1745, %get3A_1746, %get3A_1747] {strides = array<i32>} : memref<2x16x128xi32, #tpu.memory_space<vmem>>, vector<16xi32>,
    %eq3A_1749 = arith.constant 40480 : i32
    %eq3A_1750 = vector.broadcast %eq3A_1749 : i32 to vector<16xi32>
    %eq3A_1751 = arith.cmpi eq, %get3A_1748, %eq3A_1750 : vector<16xi32>
    %add3A_1752 = arith.constant 880 : i32
    %add3A_1753 = vector.broadcast %add3A_1752 : i32 to vector<16xi32>
    %add3A_1754 = arith.addi %iota3A, %add3A_1753 : vector<16xi32>
    %select_n3A_1755 = arith.select %eq3A_1751, %add3A_1754, %broadcast_in_dim3A_0 : vector<16xi1>, vector<16xi32>
    %add3A_1756 = arith.addi %add3A_1700, %select_n3A_1755 : vector<16xi32>
    %get3A_1757 = arith.constant 1 : i32
    %get3A_1758 = arith.constant 14 : i32
    %get3A_1759 = arith.index_cast %get3A_1757 : i32 to index
    %get3A_1760 = arith.index_cast %get3A_1758 : i32 to index
    %get3A_1761 = arith.constant 0 : index
    %get3A_1762 = tpu.vector_load %arg7[%get3A_1759, %get3A_1760, %get3A_1761] {strides = array<i32>} : memref<2x16x128xi32, #tpu.memory_space<vmem>>, vector<16xi32>,
    %eq3A_1763 = arith.constant 40480 : i32
    %eq3A_1764 = vector.broadcast %eq3A_1763 : i32 to vector<16xi32>
    %eq3A_1765 = arith.cmpi eq, %get3A_1762, %eq3A_1764 : vector<16xi32>
    %add3A_1766 = arith.constant 896 : i32
    %add3A_1767 = vector.broadcast %add3A_1766 : i32 to vector<16xi32>
    %add3A_1768 = arith.addi %iota3A, %add3A_1767 : vector<16xi32>
    %select_n3A_1769 = arith.select %eq3A_1765, %add3A_1768, %broadcast_in_dim3A_0 : vector<16xi1>, vector<16xi32>
    %add3A_1770 = arith.addi %add3A_1714, %select_n3A_1769 : vector<16xi32>
    %get3A_1771 = arith.constant 1 : i32
    %get3A_1772 = arith.constant 14 : i32
    %get3A_1773 = arith.index_cast %get3A_1771 : i32 to index
    %get3A_1774 = arith.index_cast %get3A_1772 : i32 to index
    %get3A_1775 = arith.constant 16 : index
    %get3A_1776 = tpu.vector_load %arg7[%get3A_1773, %get3A_1774, %get3A_1775] {strides = array<i32>} : memref<2x16x128xi32, #tpu.memory_space<vmem>>, vector<16xi32>,
    %eq3A_1777 = arith.constant 40480 : i32
    %eq3A_1778 = vector.broadcast %eq3A_1777 : i32 to vector<16xi32>
    %eq3A_1779 = arith.cmpi eq, %get3A_1776, %eq3A_1778 : vector<16xi32>
    %add3A_1780 = arith.constant 912 : i32
    %add3A_1781 = vector.broadcast %add3A_1780 : i32 to vector<16xi32>
    %add3A_1782 = arith.addi %iota3A, %add3A_1781 : vector<16xi32>
    %select_n3A_1783 = arith.select %eq3A_1779, %add3A_1782, %broadcast_in_dim3A_0 : vector<16xi1>, vector<16xi32>
    %add3A_1784 = arith.addi %add3A_1728, %select_n3A_1783 : vector<16xi32>
    %get3A_1785 = arith.constant 1 : i32
    %get3A_1786 = arith.constant 14 : i32
    %get3A_1787 = arith.index_cast %get3A_1785 : i32 to index
    %get3A_1788 = arith.index_cast %get3A_1786 : i32 to index
    %get3A_1789 = arith.constant 32 : index
    %get3A_1790 = tpu.vector_load %arg7[%get3A_1787, %get3A_1788, %get3A_1789] {strides = array<i32>} : memref<2x16x128xi32, #tpu.memory_space<vmem>>, vector<16xi32>,
    %eq3A_1791 = arith.constant 40480 : i32
    %eq3A_1792 = vector.broadcast %eq3A_1791 : i32 to vector<16xi32>
    %eq3A_1793 = arith.cmpi eq, %get3A_1790, %eq3A_1792 : vector<16xi32>
    %add3A_1794 = arith.constant 928 : i32
    %add3A_1795 = vector.broadcast %add3A_1794 : i32 to vector<16xi32>
    %add3A_1796 = arith.addi %iota3A, %add3A_1795 : vector<16xi32>
    %select_n3A_1797 = arith.select %eq3A_1793, %add3A_1796, %broadcast_in_dim3A_0 : vector<16xi1>, vector<16xi32>
    %add3A_1798 = arith.addi %add3A_1742, %select_n3A_1797 : vector<16xi32>
    %get3A_1799 = arith.constant 1 : i32
    %get3A_1800 = arith.constant 14 : i32
    %get3A_1801 = arith.index_cast %get3A_1799 : i32 to index
    %get3A_1802 = arith.index_cast %get3A_1800 : i32 to index
    %get3A_1803 = arith.constant 48 : index
    %get3A_1804 = tpu.vector_load %arg7[%get3A_1801, %get3A_1802, %get3A_1803] {strides = array<i32>} : memref<2x16x128xi32, #tpu.memory_space<vmem>>, vector<16xi32>,
    %eq3A_1805 = arith.constant 40480 : i32
    %eq3A_1806 = vector.broadcast %eq3A_1805 : i32 to vector<16xi32>
    %eq3A_1807 = arith.cmpi eq, %get3A_1804, %eq3A_1806 : vector<16xi32>
    %add3A_1808 = arith.constant 944 : i32
    %add3A_1809 = vector.broadcast %add3A_1808 : i32 to vector<16xi32>
    %add3A_1810 = arith.addi %iota3A, %add3A_1809 : vector<16xi32>
    %select_n3A_1811 = arith.select %eq3A_1807, %add3A_1810, %broadcast_in_dim3A_0 : vector<16xi1>, vector<16xi32>
    %add3A_1812 = arith.addi %add3A_1756, %select_n3A_1811 : vector<16xi32>
    %get3A_1813 = arith.constant 1 : i32
    %get3A_1814 = arith.constant 14 : i32
    %get3A_1815 = arith.index_cast %get3A_1813 : i32 to index
    %get3A_1816 = arith.index_cast %get3A_1814 : i32 to index
    %get3A_1817 = arith.constant 64 : index
    %get3A_1818 = tpu.vector_load %arg7[%get3A_1815, %get3A_1816, %get3A_1817] {strides = array<i32>} : memref<2x16x128xi32, #tpu.memory_space<vmem>>, vector<16xi32>,
    %eq3A_1819 = arith.constant 40480 : i32
    %eq3A_1820 = vector.broadcast %eq3A_1819 : i32 to vector<16xi32>
    %eq3A_1821 = arith.cmpi eq, %get3A_1818, %eq3A_1820 : vector<16xi32>
    %add3A_1822 = arith.constant 960 : i32
    %add3A_1823 = vector.broadcast %add3A_1822 : i32 to vector<16xi32>
    %add3A_1824 = arith.addi %iota3A, %add3A_1823 : vector<16xi32>
    %select_n3A_1825 = arith.select %eq3A_1821, %add3A_1824, %broadcast_in_dim3A_0 : vector<16xi1>, vector<16xi32>
    %add3A_1826 = arith.addi %add3A_1770, %select_n3A_1825 : vector<16xi32>
    %get3A_1827 = arith.constant 1 : i32
    %get3A_1828 = arith.constant 14 : i32
    %get3A_1829 = arith.index_cast %get3A_1827 : i32 to index
    %get3A_1830 = arith.index_cast %get3A_1828 : i32 to index
    %get3A_1831 = arith.constant 80 : index
    %get3A_1832 = tpu.vector_load %arg7[%get3A_1829, %get3A_1830, %get3A_1831] {strides = array<i32>} : memref<2x16x128xi32, #tpu.memory_space<vmem>>, vector<16xi32>,
    %eq3A_1833 = arith.constant 40480 : i32
    %eq3A_1834 = vector.broadcast %eq3A_1833 : i32 to vector<16xi32>
    %eq3A_1835 = arith.cmpi eq, %get3A_1832, %eq3A_1834 : vector<16xi32>
    %add3A_1836 = arith.constant 976 : i32
    %add3A_1837 = vector.broadcast %add3A_1836 : i32 to vector<16xi32>
    %add3A_1838 = arith.addi %iota3A, %add3A_1837 : vector<16xi32>
    %select_n3A_1839 = arith.select %eq3A_1835, %add3A_1838, %broadcast_in_dim3A_0 : vector<16xi1>, vector<16xi32>
    %add3A_1840 = arith.addi %add3A_1784, %select_n3A_1839 : vector<16xi32>
    %get3A_1841 = arith.constant 1 : i32
    %get3A_1842 = arith.constant 14 : i32
    %get3A_1843 = arith.index_cast %get3A_1841 : i32 to index
    %get3A_1844 = arith.index_cast %get3A_1842 : i32 to index
    %get3A_1845 = arith.constant 96 : index
    %get3A_1846 = tpu.vector_load %arg7[%get3A_1843, %get3A_1844, %get3A_1845] {strides = array<i32>} : memref<2x16x128xi32, #tpu.memory_space<vmem>>, vector<16xi32>,
    %eq3A_1847 = arith.constant 40480 : i32
    %eq3A_1848 = vector.broadcast %eq3A_1847 : i32 to vector<16xi32>
    %eq3A_1849 = arith.cmpi eq, %get3A_1846, %eq3A_1848 : vector<16xi32>
    %add3A_1850 = arith.constant 992 : i32
    %add3A_1851 = vector.broadcast %add3A_1850 : i32 to vector<16xi32>
    %add3A_1852 = arith.addi %iota3A, %add3A_1851 : vector<16xi32>
    %select_n3A_1853 = arith.select %eq3A_1849, %add3A_1852, %broadcast_in_dim3A_0 : vector<16xi1>, vector<16xi32>
    %add3A_1854 = arith.addi %add3A_1798, %select_n3A_1853 : vector<16xi32>
    %get3A_1855 = arith.constant 1 : i32
    %get3A_1856 = arith.constant 14 : i32
    %get3A_1857 = arith.index_cast %get3A_1855 : i32 to index
    %get3A_1858 = arith.index_cast %get3A_1856 : i32 to index
    %get3A_1859 = arith.constant 112 : index
    %get3A_1860 = tpu.vector_load %arg7[%get3A_1857, %get3A_1858, %get3A_1859] {strides = array<i32>} : memref<2x16x128xi32, #tpu.memory_space<vmem>>, vector<16xi32>,
    %eq3A_1861 = arith.constant 40480 : i32
    %eq3A_1862 = vector.broadcast %eq3A_1861 : i32 to vector<16xi32>
    %eq3A_1863 = arith.cmpi eq, %get3A_1860, %eq3A_1862 : vector<16xi32>
    %add3A_1864 = arith.constant 1008 : i32
    %add3A_1865 = vector.broadcast %add3A_1864 : i32 to vector<16xi32>
    %add3A_1866 = arith.addi %iota3A, %add3A_1865 : vector<16xi32>
    %select_n3A_1867 = arith.select %eq3A_1863, %add3A_1866, %broadcast_in_dim3A_0 : vector<16xi1>, vector<16xi32>
    %add3A_1868 = arith.addi %add3A_1812, %select_n3A_1867 : vector<16xi32>
    %add3A_1869 = arith.addi %add3A_1826, %add3A_1840 : vector<16xi32>
    %add3A_1870 = arith.addi %add3A_1869, %add3A_1854 : vector<16xi32>
    %add3A_1871 = arith.addi %add3A_1870, %add3A_1868 : vector<16xi32>
    %reduce_sum3A_1872 = arith.constant true
    %reduce_sum3A_1873 = vector.broadcast %reduce_sum3A_1872 : i1 to vector<16xi1>
    %reduce_sum3A_1874 = tpu.scan <sum>, %add3A_1871 masked %reduce_sum3A_1873 : vector<16xi32>, vector<16xi1> -> vector<16xi32>
    %reduce_sum3A_1875 = vector.extract %reduce_sum3A_1874[15] : i32 from vector<16xi32>
    %add3A_1876 = arith.constant 1024 : i32
    %add3A_1877 = arith.addi %add3A_1876, %reduce_sum3A_1875 : i32
    %mul3A_1878 = arith.constant 2 : i32
    %mul3A_1879 = arith.muli %arg1, %mul3A_1878 : i32
    %add3A_1880 = arith.constant 1 : i32
    %add3A_1881 = arith.addi %mul3A_1879, %add3A_1880 : i32
    %mul3A_1882 = arith.constant 2048 : i32
    %mul3A_1883 = arith.muli %add3A_1881, %mul3A_1882 : i32
    %add3A_1884 = arith.addi %mul3A_1883, %add3A_1877 : i32
    %dma_start3A_1885 = arith.constant 0 : i32
    %dma_start3A_1886 = arith.constant 0 : i32
    %dma_start3A_1887 = tpu.memref_slice %arg9[%dma_start3A_1885, %dma_start3A_1886] : memref<2x768xf32, #tpu.memory_space<vmem>> -> memref<1x768xf32, #tpu.memory_space<vmem>>
    %dma_start3A_1888 = tpu.memref_squeeze %dma_start3A_1887 : memref<1x768xf32, #tpu.memory_space<vmem>> -> memref<768xf32, #tpu.memory_space<vmem>>
    %dma_start3A_1889 = arith.constant 0 : i32
    %dma_start3A_1890 = tpu.memref_slice %arg3[%add3A_959, %dma_start3A_1889] : memref<65536x768xf32, #tpu.memory_space<hbm>> -> memref<1x768xf32, #tpu.memory_space<hbm>>
    %dma_start3A_1891 = tpu.memref_squeeze %dma_start3A_1890 : memref<1x768xf32, #tpu.memory_space<hbm>> -> memref<768xf32, #tpu.memory_space<hbm>>
    %dma_start3A_1892 = arith.constant 0 : i32
    %dma_start3A_1893 = tpu.memref_slice %arg9[%dma_start3A_1885, %dma_start3A_1892] : memref<2x768xf32, #tpu.memory_space<vmem>> -> memref<1x768xf32, #tpu.memory_space<vmem>>
    %dma_start3A_1894 = tpu.memref_squeeze %dma_start3A_1893 : memref<1x768xf32, #tpu.memory_space<vmem>> -> memref<768xf32, #tpu.memory_space<vmem>>
    %dma_start3A_1895 = arith.constant 0 : i32
    %dma_start3A_1896 = tpu.memref_slice %arg3[%add3A_959, %dma_start3A_1895] : memref<65536x768xf32, #tpu.memory_space<hbm>> -> memref<1x768xf32, #tpu.memory_space<hbm>>
    %dma_start3A_1897 = tpu.memref_squeeze %dma_start3A_1896 : memref<1x768xf32, #tpu.memory_space<hbm>> -> memref<768xf32, #tpu.memory_space<hbm>>
    tpu.enqueue_dma source(%dma_start3A_1897 : memref<768xf32, #tpu.memory_space<hbm>>) target(%dma_start3A_1894 : memref<768xf32, #tpu.memory_space<vmem>>) target_semaphore(%arg15 : memref<!tpu.dma_semaphore, #tpu.memory_space<semaphore_mem>>)
    %dma_start3A_1898 = arith.constant 1 : i32
    %dma_start3A_1899 = arith.constant 0 : i32
    %dma_start3A_1900 = tpu.memref_slice %arg9[%dma_start3A_1898, %dma_start3A_1899] : memref<2x768xf32, #tpu.memory_space<vmem>> -> memref<1x768xf32, #tpu.memory_space<vmem>>
    %dma_start3A_1901 = tpu.memref_squeeze %dma_start3A_1900 : memref<1x768xf32, #tpu.memory_space<vmem>> -> memref<768xf32, #tpu.memory_space<vmem>>
    %dma_start3A_1902 = arith.constant 0 : i32
    %dma_start3A_1903 = tpu.memref_slice %arg3[%add3A_1884, %dma_start3A_1902] : memref<65536x768xf32, #tpu.memory_space<hbm>> -> memref<1x768xf32, #tpu.memory_space<hbm>>
    %dma_start3A_1904 = tpu.memref_squeeze %dma_start3A_1903 : memref<1x768xf32, #tpu.memory_space<hbm>> -> memref<768xf32, #tpu.memory_space<hbm>>
    %dma_start3A_1905 = arith.constant 0 : i32
    %dma_start3A_1906 = tpu.memref_slice %arg9[%dma_start3A_1898, %dma_start3A_1905] : memref<2x768xf32, #tpu.memory_space<vmem>> -> memref<1x768xf32, #tpu.memory_space<vmem>>
    %dma_start3A_1907 = tpu.memref_squeeze %dma_start3A_1906 : memref<1x768xf32, #tpu.memory_space<vmem>> -> memref<768xf32, #tpu.memory_space<vmem>>
    %dma_start3A_1908 = arith.constant 0 : i32
    %dma_start3A_1909 = tpu.memref_slice %arg3[%add3A_1884, %dma_start3A_1908] : memref<65536x768xf32, #tpu.memory_space<hbm>> -> memref<1x768xf32, #tpu.memory_space<hbm>>
    %dma_start3A_1910 = tpu.memref_squeeze %dma_start3A_1909 : memref<1x768xf32, #tpu.memory_space<hbm>> -> memref<768xf32, #tpu.memory_space<hbm>>
    tpu.enqueue_dma source(%dma_start3A_1910 : memref<768xf32, #tpu.memory_space<hbm>>) target(%dma_start3A_1907 : memref<768xf32, #tpu.memory_space<vmem>>) target_semaphore(%arg16 : memref<!tpu.dma_semaphore, #tpu.memory_space<semaphore_mem>>)
    tpu.wait_dma2 semaphore(%arg14 : memref<!tpu.dma_semaphore, #tpu.memory_space<semaphore_mem>>) src(%arg4 : memref<8x128xf32, #tpu.memory_space<hbm>>) dst(%arg8 : memref<8x128xf32, #tpu.memory_space<vmem>>)
    tpu.wait_dma2 semaphore(%arg14 : memref<!tpu.dma_semaphore, #tpu.memory_space<semaphore_mem>>) src(%arg5 : memref<1xf32, #tpu.memory_space<hbm>>) dst(%arg10 : memref<1xf32, #tpu.memory_space<vmem>>)
    %broadcast_in_dim3A_1911 = arith.constant 0 : i32
    %broadcast_in_dim3A_1912 = vector.broadcast %broadcast_in_dim3A_1911 : i32 to vector<16xi32>
    %gather3A = tpu.vector_load_idx %arg10[%broadcast_in_dim3A_1912] : memref<1xf32, #tpu.memory_space<vmem>>[vector<16xi32>], vector<16xf32>,
    %dma_wait3A_1913 = arith.constant 0 : i32
    %dma_wait3A_1914 = arith.constant 0 : i32
    %dma_wait3A_1915 = tpu.memref_slice %arg9[%dma_wait3A_1913, %dma_wait3A_1914] : memref<2x768xf32, #tpu.memory_space<vmem>> -> memref<1x768xf32, #tpu.memory_space<vmem>>
    %dma_wait3A_1916 = tpu.memref_squeeze %dma_wait3A_1915 : memref<1x768xf32, #tpu.memory_space<vmem>> -> memref<768xf32, #tpu.memory_space<vmem>>
    %dma_wait3A_1917 = arith.constant 0 : i32
    %dma_wait3A_1918 = tpu.memref_slice %arg3[%add3A_959, %dma_wait3A_1917] : memref<65536x768xf32, #tpu.memory_space<hbm>> -> memref<1x768xf32, #tpu.memory_space<hbm>>
    %dma_wait3A_1919 = tpu.memref_squeeze %dma_wait3A_1918 : memref<1x768xf32, #tpu.memory_space<hbm>> -> memref<768xf32, #tpu.memory_space<hbm>>
    %dma_wait3A_1920 = arith.constant 0 : i32
    %dma_wait3A_1921 = tpu.memref_slice %arg9[%dma_wait3A_1913, %dma_wait3A_1920] : memref<2x768xf32, #tpu.memory_space<vmem>> -> memref<1x768xf32, #tpu.memory_space<vmem>>
    %dma_wait3A_1922 = tpu.memref_squeeze %dma_wait3A_1921 : memref<1x768xf32, #tpu.memory_space<vmem>> -> memref<768xf32, #tpu.memory_space<vmem>>
    %dma_wait3A_1923 = arith.constant 0 : i32
    %dma_wait3A_1924 = tpu.memref_slice %arg3[%add3A_959, %dma_wait3A_1923] : memref<65536x768xf32, #tpu.memory_space<hbm>> -> memref<1x768xf32, #tpu.memory_space<hbm>>
    %dma_wait3A_1925 = tpu.memref_squeeze %dma_wait3A_1924 : memref<1x768xf32, #tpu.memory_space<hbm>> -> memref<768xf32, #tpu.memory_space<hbm>>
    tpu.wait_dma2 semaphore(%arg15 : memref<!tpu.dma_semaphore, #tpu.memory_space<semaphore_mem>>) src(%dma_wait3A_1925 : memref<768xf32, #tpu.memory_space<hbm>>) dst(%dma_wait3A_1922 : memref<768xf32, #tpu.memory_space<vmem>>)
    %broadcast_in_dim3A_1926 = arith.constant 0.000000e+00 : f32
    %broadcast_in_dim3A_1927 = vector.broadcast %broadcast_in_dim3A_1926 : f32 to vector<16xf32>
    %get3A_1928 = arith.constant 0 : i32
    %get3A_1929 = arith.index_cast %get3A_1928 : i32 to index
    %get3A_1930 = arith.constant 0 : index
    %get3A_1931 = tpu.vector_load %arg9[%get3A_1929, %get3A_1930] {strides = array<i32>} : memref<2x768xf32, #tpu.memory_space<vmem>>, vector<16xf32>,
    %get3A_1932 = arith.constant 0 : i32
    %get3A_1933 = arith.index_cast %get3A_1932 : i32 to index
    %get3A_1934 = arith.constant 0 : index
    %get3A_1935 = tpu.vector_load %arg8[%get3A_1933, %get3A_1934] {strides = array<i32>} : memref<8x128xf32, #tpu.memory_space<vmem>>, vector<16xf32>,
    %mul3A_1936 = arith.mulf %get3A_1931, %get3A_1935 : vector<16xf32>
    %add3A_1937 = arith.addf %broadcast_in_dim3A_1927, %mul3A_1936 : vector<16xf32>
    %get3A_1938 = arith.constant 0 : i32
    %get3A_1939 = arith.index_cast %get3A_1938 : i32 to index
    %get3A_1940 = arith.constant 16 : index
    %get3A_1941 = tpu.vector_load %arg9[%get3A_1939, %get3A_1940] {strides = array<i32>} : memref<2x768xf32, #tpu.memory_space<vmem>>, vector<16xf32>,
    %get3A_1942 = arith.constant 0 : i32
    %get3A_1943 = arith.index_cast %get3A_1942 : i32 to index
    %get3A_1944 = arith.constant 16 : index
    %get3A_1945 = tpu.vector_load %arg8[%get3A_1943, %get3A_1944] {strides = array<i32>} : memref<8x128xf32, #tpu.memory_space<vmem>>, vector<16xf32>,
    %mul3A_1946 = arith.mulf %get3A_1941, %get3A_1945 : vector<16xf32>
    %add3A_1947 = arith.addf %broadcast_in_dim3A_1927, %mul3A_1946 : vector<16xf32>
    %get3A_1948 = arith.constant 0 : i32
    %get3A_1949 = arith.index_cast %get3A_1948 : i32 to index
    %get3A_1950 = arith.constant 32 : index
    %get3A_1951 = tpu.vector_load %arg9[%get3A_1949, %get3A_1950] {strides = array<i32>} : memref<2x768xf32, #tpu.memory_space<vmem>>, vector<16xf32>,
    %get3A_1952 = arith.constant 0 : i32
    %get3A_1953 = arith.index_cast %get3A_1952 : i32 to index
    %get3A_1954 = arith.constant 32 : index
    %get3A_1955 = tpu.vector_load %arg8[%get3A_1953, %get3A_1954] {strides = array<i32>} : memref<8x128xf32, #tpu.memory_space<vmem>>, vector<16xf32>,
    %mul3A_1956 = arith.mulf %get3A_1951, %get3A_1955 : vector<16xf32>
    %add3A_1957 = arith.addf %broadcast_in_dim3A_1927, %mul3A_1956 : vector<16xf32>
    %get3A_1958 = arith.constant 0 : i32
    %get3A_1959 = arith.index_cast %get3A_1958 : i32 to index
    %get3A_1960 = arith.constant 48 : index
    %get3A_1961 = tpu.vector_load %arg9[%get3A_1959, %get3A_1960] {strides = array<i32>} : memref<2x768xf32, #tpu.memory_space<vmem>>, vector<16xf32>,
    %get3A_1962 = arith.constant 0 : i32
    %get3A_1963 = arith.index_cast %get3A_1962 : i32 to index
    %get3A_1964 = arith.constant 48 : index
    %get3A_1965 = tpu.vector_load %arg8[%get3A_1963, %get3A_1964] {strides = array<i32>} : memref<8x128xf32, #tpu.memory_space<vmem>>, vector<16xf32>,
    %mul3A_1966 = arith.mulf %get3A_1961, %get3A_1965 : vector<16xf32>
    %add3A_1967 = arith.addf %broadcast_in_dim3A_1927, %mul3A_1966 : vector<16xf32>
    %get3A_1968 = arith.constant 0 : i32
    %get3A_1969 = arith.index_cast %get3A_1968 : i32 to index
    %get3A_1970 = arith.constant 64 : index
    %get3A_1971 = tpu.vector_load %arg9[%get3A_1969, %get3A_1970] {strides = array<i32>} : memref<2x768xf32, #tpu.memory_space<vmem>>, vector<16xf32>,
    %get3A_1972 = arith.constant 0 : i32
    %get3A_1973 = arith.index_cast %get3A_1972 : i32 to index
    %get3A_1974 = arith.constant 64 : index
    %get3A_1975 = tpu.vector_load %arg8[%get3A_1973, %get3A_1974] {strides = array<i32>} : memref<8x128xf32, #tpu.memory_space<vmem>>, vector<16xf32>,
    %mul3A_1976 = arith.mulf %get3A_1971, %get3A_1975 : vector<16xf32>
    %add3A_1977 = arith.addf %add3A_1937, %mul3A_1976 : vector<16xf32>
    %get3A_1978 = arith.constant 0 : i32
    %get3A_1979 = arith.index_cast %get3A_1978 : i32 to index
    %get3A_1980 = arith.constant 80 : index
    %get3A_1981 = tpu.vector_load %arg9[%get3A_1979, %get3A_1980] {strides = array<i32>} : memref<2x768xf32, #tpu.memory_space<vmem>>, vector<16xf32>,
    %get3A_1982 = arith.constant 0 : i32
    %get3A_1983 = arith.index_cast %get3A_1982 : i32 to index
    %get3A_1984 = arith.constant 80 : index
    %get3A_1985 = tpu.vector_load %arg8[%get3A_1983, %get3A_1984] {strides = array<i32>} : memref<8x128xf32, #tpu.memory_space<vmem>>, vector<16xf32>,
    %mul3A_1986 = arith.mulf %get3A_1981, %get3A_1985 : vector<16xf32>
    %add3A_1987 = arith.addf %add3A_1947, %mul3A_1986 : vector<16xf32>
    %get3A_1988 = arith.constant 0 : i32
    %get3A_1989 = arith.index_cast %get3A_1988 : i32 to index
    %get3A_1990 = arith.constant 96 : index
    %get3A_1991 = tpu.vector_load %arg9[%get3A_1989, %get3A_1990] {strides = array<i32>} : memref<2x768xf32, #tpu.memory_space<vmem>>, vector<16xf32>,
    %get3A_1992 = arith.constant 0 : i32
    %get3A_1993 = arith.index_cast %get3A_1992 : i32 to index
    %get3A_1994 = arith.constant 96 : index
    %get3A_1995 = tpu.vector_load %arg8[%get3A_1993, %get3A_1994] {strides = array<i32>} : memref<8x128xf32, #tpu.memory_space<vmem>>, vector<16xf32>,
    %mul3A_1996 = arith.mulf %get3A_1991, %get3A_1995 : vector<16xf32>
    %add3A_1997 = arith.addf %add3A_1957, %mul3A_1996 : vector<16xf32>
    %get3A_1998 = arith.constant 0 : i32
    %get3A_1999 = arith.index_cast %get3A_1998 : i32 to index
    %get3A_2000 = arith.constant 112 : index
    %get3A_2001 = tpu.vector_load %arg9[%get3A_1999, %get3A_2000] {strides = array<i32>} : memref<2x768xf32, #tpu.memory_space<vmem>>, vector<16xf32>,
    %get3A_2002 = arith.constant 0 : i32
    %get3A_2003 = arith.index_cast %get3A_2002 : i32 to index
    %get3A_2004 = arith.constant 112 : index
    %get3A_2005 = tpu.vector_load %arg8[%get3A_2003, %get3A_2004] {strides = array<i32>} : memref<8x128xf32, #tpu.memory_space<vmem>>, vector<16xf32>,
    %mul3A_2006 = arith.mulf %get3A_2001, %get3A_2005 : vector<16xf32>
    %add3A_2007 = arith.addf %add3A_1967, %mul3A_2006 : vector<16xf32>
    %get3A_2008 = arith.constant 0 : i32
    %get3A_2009 = arith.index_cast %get3A_2008 : i32 to index
    %get3A_2010 = arith.constant 128 : index
    %get3A_2011 = tpu.vector_load %arg9[%get3A_2009, %get3A_2010] {strides = array<i32>} : memref<2x768xf32, #tpu.memory_space<vmem>>, vector<16xf32>,
    %get3A_2012 = arith.constant 1 : i32
    %get3A_2013 = arith.index_cast %get3A_2012 : i32 to index
    %get3A_2014 = arith.constant 0 : index
    %get3A_2015 = tpu.vector_load %arg8[%get3A_2013, %get3A_2014] {strides = array<i32>} : memref<8x128xf32, #tpu.memory_space<vmem>>, vector<16xf32>,
    %mul3A_2016 = arith.mulf %get3A_2011, %get3A_2015 : vector<16xf32>
    %add3A_2017 = arith.addf %add3A_1977, %mul3A_2016 : vector<16xf32>
    %get3A_2018 = arith.constant 0 : i32
    %get3A_2019 = arith.index_cast %get3A_2018 : i32 to index
    %get3A_2020 = arith.constant 144 : index
    %get3A_2021 = tpu.vector_load %arg9[%get3A_2019, %get3A_2020] {strides = array<i32>} : memref<2x768xf32, #tpu.memory_space<vmem>>, vector<16xf32>,
    %get3A_2022 = arith.constant 1 : i32
    %get3A_2023 = arith.index_cast %get3A_2022 : i32 to index
    %get3A_2024 = arith.constant 16 : index
    %get3A_2025 = tpu.vector_load %arg8[%get3A_2023, %get3A_2024] {strides = array<i32>} : memref<8x128xf32, #tpu.memory_space<vmem>>, vector<16xf32>,
    %mul3A_2026 = arith.mulf %get3A_2021, %get3A_2025 : vector<16xf32>
    %add3A_2027 = arith.addf %add3A_1987, %mul3A_2026 : vector<16xf32>
    %get3A_2028 = arith.constant 0 : i32
    %get3A_2029 = arith.index_cast %get3A_2028 : i32 to index
    %get3A_2030 = arith.constant 160 : index
    %get3A_2031 = tpu.vector_load %arg9[%get3A_2029, %get3A_2030] {strides = array<i32>} : memref<2x768xf32, #tpu.memory_space<vmem>>, vector<16xf32>,
    %get3A_2032 = arith.constant 1 : i32
    %get3A_2033 = arith.index_cast %get3A_2032 : i32 to index
    %get3A_2034 = arith.constant 32 : index
    %get3A_2035 = tpu.vector_load %arg8[%get3A_2033, %get3A_2034] {strides = array<i32>} : memref<8x128xf32, #tpu.memory_space<vmem>>, vector<16xf32>,
    %mul3A_2036 = arith.mulf %get3A_2031, %get3A_2035 : vector<16xf32>
    %add3A_2037 = arith.addf %add3A_1997, %mul3A_2036 : vector<16xf32>
    %get3A_2038 = arith.constant 0 : i32
    %get3A_2039 = arith.index_cast %get3A_2038 : i32 to index
    %get3A_2040 = arith.constant 176 : index
    %get3A_2041 = tpu.vector_load %arg9[%get3A_2039, %get3A_2040] {strides = array<i32>} : memref<2x768xf32, #tpu.memory_space<vmem>>, vector<16xf32>,
    %get3A_2042 = arith.constant 1 : i32
    %get3A_2043 = arith.index_cast %get3A_2042 : i32 to index
    %get3A_2044 = arith.constant 48 : index
    %get3A_2045 = tpu.vector_load %arg8[%get3A_2043, %get3A_2044] {strides = array<i32>} : memref<8x128xf32, #tpu.memory_space<vmem>>, vector<16xf32>,
    %mul3A_2046 = arith.mulf %get3A_2041, %get3A_2045 : vector<16xf32>
    %add3A_2047 = arith.addf %add3A_2007, %mul3A_2046 : vector<16xf32>
    %get3A_2048 = arith.constant 0 : i32
    %get3A_2049 = arith.index_cast %get3A_2048 : i32 to index
    %get3A_2050 = arith.constant 192 : index
    %get3A_2051 = tpu.vector_load %arg9[%get3A_2049, %get3A_2050] {strides = array<i32>} : memref<2x768xf32, #tpu.memory_space<vmem>>, vector<16xf32>,
    %get3A_2052 = arith.constant 1 : i32
    %get3A_2053 = arith.index_cast %get3A_2052 : i32 to index
    %get3A_2054 = arith.constant 64 : index
    %get3A_2055 = tpu.vector_load %arg8[%get3A_2053, %get3A_2054] {strides = array<i32>} : memref<8x128xf32, #tpu.memory_space<vmem>>, vector<16xf32>,
    %mul3A_2056 = arith.mulf %get3A_2051, %get3A_2055 : vector<16xf32>
    %add3A_2057 = arith.addf %add3A_2017, %mul3A_2056 : vector<16xf32>
    %get3A_2058 = arith.constant 0 : i32
    %get3A_2059 = arith.index_cast %get3A_2058 : i32 to index
    %get3A_2060 = arith.constant 208 : index
    %get3A_2061 = tpu.vector_load %arg9[%get3A_2059, %get3A_2060] {strides = array<i32>} : memref<2x768xf32, #tpu.memory_space<vmem>>, vector<16xf32>,
    %get3A_2062 = arith.constant 1 : i32
    %get3A_2063 = arith.index_cast %get3A_2062 : i32 to index
    %get3A_2064 = arith.constant 80 : index
    %get3A_2065 = tpu.vector_load %arg8[%get3A_2063, %get3A_2064] {strides = array<i32>} : memref<8x128xf32, #tpu.memory_space<vmem>>, vector<16xf32>,
    %mul3A_2066 = arith.mulf %get3A_2061, %get3A_2065 : vector<16xf32>
    %add3A_2067 = arith.addf %add3A_2027, %mul3A_2066 : vector<16xf32>
    %get3A_2068 = arith.constant 0 : i32
    %get3A_2069 = arith.index_cast %get3A_2068 : i32 to index
    %get3A_2070 = arith.constant 224 : index
    %get3A_2071 = tpu.vector_load %arg9[%get3A_2069, %get3A_2070] {strides = array<i32>} : memref<2x768xf32, #tpu.memory_space<vmem>>, vector<16xf32>,
    %get3A_2072 = arith.constant 1 : i32
    %get3A_2073 = arith.index_cast %get3A_2072 : i32 to index
    %get3A_2074 = arith.constant 96 : index
    %get3A_2075 = tpu.vector_load %arg8[%get3A_2073, %get3A_2074] {strides = array<i32>} : memref<8x128xf32, #tpu.memory_space<vmem>>, vector<16xf32>,
    %mul3A_2076 = arith.mulf %get3A_2071, %get3A_2075 : vector<16xf32>
    %add3A_2077 = arith.addf %add3A_2037, %mul3A_2076 : vector<16xf32>
    %get3A_2078 = arith.constant 0 : i32
    %get3A_2079 = arith.index_cast %get3A_2078 : i32 to index
    %get3A_2080 = arith.constant 240 : index
    %get3A_2081 = tpu.vector_load %arg9[%get3A_2079, %get3A_2080] {strides = array<i32>} : memref<2x768xf32, #tpu.memory_space<vmem>>, vector<16xf32>,
    %get3A_2082 = arith.constant 1 : i32
    %get3A_2083 = arith.index_cast %get3A_2082 : i32 to index
    %get3A_2084 = arith.constant 112 : index
    %get3A_2085 = tpu.vector_load %arg8[%get3A_2083, %get3A_2084] {strides = array<i32>} : memref<8x128xf32, #tpu.memory_space<vmem>>, vector<16xf32>,
    %mul3A_2086 = arith.mulf %get3A_2081, %get3A_2085 : vector<16xf32>
    %add3A_2087 = arith.addf %add3A_2047, %mul3A_2086 : vector<16xf32>
    %get3A_2088 = arith.constant 0 : i32
    %get3A_2089 = arith.index_cast %get3A_2088 : i32 to index
    %get3A_2090 = arith.constant 256 : index
    %get3A_2091 = tpu.vector_load %arg9[%get3A_2089, %get3A_2090] {strides = array<i32>} : memref<2x768xf32, #tpu.memory_space<vmem>>, vector<16xf32>,
    %get3A_2092 = arith.constant 2 : i32
    %get3A_2093 = arith.index_cast %get3A_2092 : i32 to index
    %get3A_2094 = arith.constant 0 : index
    %get3A_2095 = tpu.vector_load %arg8[%get3A_2093, %get3A_2094] {strides = array<i32>} : memref<8x128xf32, #tpu.memory_space<vmem>>, vector<16xf32>,
    %mul3A_2096 = arith.mulf %get3A_2091, %get3A_2095 : vector<16xf32>
    %add3A_2097 = arith.addf %add3A_2057, %mul3A_2096 : vector<16xf32>
    %get3A_2098 = arith.constant 0 : i32
    %get3A_2099 = arith.index_cast %get3A_2098 : i32 to index
    %get3A_2100 = arith.constant 272 : index
    %get3A_2101 = tpu.vector_load %arg9[%get3A_2099, %get3A_2100] {strides = array<i32>} : memref<2x768xf32, #tpu.memory_space<vmem>>, vector<16xf32>,
    %get3A_2102 = arith.constant 2 : i32
    %get3A_2103 = arith.index_cast %get3A_2102 : i32 to index
    %get3A_2104 = arith.constant 16 : index
    %get3A_2105 = tpu.vector_load %arg8[%get3A_2103, %get3A_2104] {strides = array<i32>} : memref<8x128xf32, #tpu.memory_space<vmem>>, vector<16xf32>,
    %mul3A_2106 = arith.mulf %get3A_2101, %get3A_2105 : vector<16xf32>
    %add3A_2107 = arith.addf %add3A_2067, %mul3A_2106 : vector<16xf32>
    %get3A_2108 = arith.constant 0 : i32
    %get3A_2109 = arith.index_cast %get3A_2108 : i32 to index
    %get3A_2110 = arith.constant 288 : index
    %get3A_2111 = tpu.vector_load %arg9[%get3A_2109, %get3A_2110] {strides = array<i32>} : memref<2x768xf32, #tpu.memory_space<vmem>>, vector<16xf32>,
    %get3A_2112 = arith.constant 2 : i32
    %get3A_2113 = arith.index_cast %get3A_2112 : i32 to index
    %get3A_2114 = arith.constant 32 : index
    %get3A_2115 = tpu.vector_load %arg8[%get3A_2113, %get3A_2114] {strides = array<i32>} : memref<8x128xf32, #tpu.memory_space<vmem>>, vector<16xf32>,
    %mul3A_2116 = arith.mulf %get3A_2111, %get3A_2115 : vector<16xf32>
    %add3A_2117 = arith.addf %add3A_2077, %mul3A_2116 : vector<16xf32>
    %get3A_2118 = arith.constant 0 : i32
    %get3A_2119 = arith.index_cast %get3A_2118 : i32 to index
    %get3A_2120 = arith.constant 304 : index
    %get3A_2121 = tpu.vector_load %arg9[%get3A_2119, %get3A_2120] {strides = array<i32>} : memref<2x768xf32, #tpu.memory_space<vmem>>, vector<16xf32>,
    %get3A_2122 = arith.constant 2 : i32
    %get3A_2123 = arith.index_cast %get3A_2122 : i32 to index
    %get3A_2124 = arith.constant 48 : index
    %get3A_2125 = tpu.vector_load %arg8[%get3A_2123, %get3A_2124] {strides = array<i32>} : memref<8x128xf32, #tpu.memory_space<vmem>>, vector<16xf32>,
    %mul3A_2126 = arith.mulf %get3A_2121, %get3A_2125 : vector<16xf32>
    %add3A_2127 = arith.addf %add3A_2087, %mul3A_2126 : vector<16xf32>
    %get3A_2128 = arith.constant 0 : i32
    %get3A_2129 = arith.index_cast %get3A_2128 : i32 to index
    %get3A_2130 = arith.constant 320 : index
    %get3A_2131 = tpu.vector_load %arg9[%get3A_2129, %get3A_2130] {strides = array<i32>} : memref<2x768xf32, #tpu.memory_space<vmem>>, vector<16xf32>,
    %get3A_2132 = arith.constant 2 : i32
    %get3A_2133 = arith.index_cast %get3A_2132 : i32 to index
    %get3A_2134 = arith.constant 64 : index
    %get3A_2135 = tpu.vector_load %arg8[%get3A_2133, %get3A_2134] {strides = array<i32>} : memref<8x128xf32, #tpu.memory_space<vmem>>, vector<16xf32>,
    %mul3A_2136 = arith.mulf %get3A_2131, %get3A_2135 : vector<16xf32>
    %add3A_2137 = arith.addf %add3A_2097, %mul3A_2136 : vector<16xf32>
    %get3A_2138 = arith.constant 0 : i32
    %get3A_2139 = arith.index_cast %get3A_2138 : i32 to index
    %get3A_2140 = arith.constant 336 : index
    %get3A_2141 = tpu.vector_load %arg9[%get3A_2139, %get3A_2140] {strides = array<i32>} : memref<2x768xf32, #tpu.memory_space<vmem>>, vector<16xf32>,
    %get3A_2142 = arith.constant 2 : i32
    %get3A_2143 = arith.index_cast %get3A_2142 : i32 to index
    %get3A_2144 = arith.constant 80 : index
    %get3A_2145 = tpu.vector_load %arg8[%get3A_2143, %get3A_2144] {strides = array<i32>} : memref<8x128xf32, #tpu.memory_space<vmem>>, vector<16xf32>,
    %mul3A_2146 = arith.mulf %get3A_2141, %get3A_2145 : vector<16xf32>
    %add3A_2147 = arith.addf %add3A_2107, %mul3A_2146 : vector<16xf32>
    %get3A_2148 = arith.constant 0 : i32
    %get3A_2149 = arith.index_cast %get3A_2148 : i32 to index
    %get3A_2150 = arith.constant 352 : index
    %get3A_2151 = tpu.vector_load %arg9[%get3A_2149, %get3A_2150] {strides = array<i32>} : memref<2x768xf32, #tpu.memory_space<vmem>>, vector<16xf32>,
    %get3A_2152 = arith.constant 2 : i32
    %get3A_2153 = arith.index_cast %get3A_2152 : i32 to index
    %get3A_2154 = arith.constant 96 : index
    %get3A_2155 = tpu.vector_load %arg8[%get3A_2153, %get3A_2154] {strides = array<i32>} : memref<8x128xf32, #tpu.memory_space<vmem>>, vector<16xf32>,
    %mul3A_2156 = arith.mulf %get3A_2151, %get3A_2155 : vector<16xf32>
    %add3A_2157 = arith.addf %add3A_2117, %mul3A_2156 : vector<16xf32>
    %get3A_2158 = arith.constant 0 : i32
    %get3A_2159 = arith.index_cast %get3A_2158 : i32 to index
    %get3A_2160 = arith.constant 368 : index
    %get3A_2161 = tpu.vector_load %arg9[%get3A_2159, %get3A_2160] {strides = array<i32>} : memref<2x768xf32, #tpu.memory_space<vmem>>, vector<16xf32>,
    %get3A_2162 = arith.constant 2 : i32
    %get3A_2163 = arith.index_cast %get3A_2162 : i32 to index
    %get3A_2164 = arith.constant 112 : index
    %get3A_2165 = tpu.vector_load %arg8[%get3A_2163, %get3A_2164] {strides = array<i32>} : memref<8x128xf32, #tpu.memory_space<vmem>>, vector<16xf32>,
    %mul3A_2166 = arith.mulf %get3A_2161, %get3A_2165 : vector<16xf32>
    %add3A_2167 = arith.addf %add3A_2127, %mul3A_2166 : vector<16xf32>
    %get3A_2168 = arith.constant 0 : i32
    %get3A_2169 = arith.index_cast %get3A_2168 : i32 to index
    %get3A_2170 = arith.constant 384 : index
    %get3A_2171 = tpu.vector_load %arg9[%get3A_2169, %get3A_2170] {strides = array<i32>} : memref<2x768xf32, #tpu.memory_space<vmem>>, vector<16xf32>,
    %get3A_2172 = arith.constant 3 : i32
    %get3A_2173 = arith.index_cast %get3A_2172 : i32 to index
    %get3A_2174 = arith.constant 0 : index
    %get3A_2175 = tpu.vector_load %arg8[%get3A_2173, %get3A_2174] {strides = array<i32>} : memref<8x128xf32, #tpu.memory_space<vmem>>, vector<16xf32>,
    %mul3A_2176 = arith.mulf %get3A_2171, %get3A_2175 : vector<16xf32>
    %add3A_2177 = arith.addf %add3A_2137, %mul3A_2176 : vector<16xf32>
    %get3A_2178 = arith.constant 0 : i32
    %get3A_2179 = arith.index_cast %get3A_2178 : i32 to index
    %get3A_2180 = arith.constant 400 : index
    %get3A_2181 = tpu.vector_load %arg9[%get3A_2179, %get3A_2180] {strides = array<i32>} : memref<2x768xf32, #tpu.memory_space<vmem>>, vector<16xf32>,
    %get3A_2182 = arith.constant 3 : i32
    %get3A_2183 = arith.index_cast %get3A_2182 : i32 to index
    %get3A_2184 = arith.constant 16 : index
    %get3A_2185 = tpu.vector_load %arg8[%get3A_2183, %get3A_2184] {strides = array<i32>} : memref<8x128xf32, #tpu.memory_space<vmem>>, vector<16xf32>,
    %mul3A_2186 = arith.mulf %get3A_2181, %get3A_2185 : vector<16xf32>
    %add3A_2187 = arith.addf %add3A_2147, %mul3A_2186 : vector<16xf32>
    %get3A_2188 = arith.constant 0 : i32
    %get3A_2189 = arith.index_cast %get3A_2188 : i32 to index
    %get3A_2190 = arith.constant 416 : index
    %get3A_2191 = tpu.vector_load %arg9[%get3A_2189, %get3A_2190] {strides = array<i32>} : memref<2x768xf32, #tpu.memory_space<vmem>>, vector<16xf32>,
    %get3A_2192 = arith.constant 3 : i32
    %get3A_2193 = arith.index_cast %get3A_2192 : i32 to index
    %get3A_2194 = arith.constant 32 : index
    %get3A_2195 = tpu.vector_load %arg8[%get3A_2193, %get3A_2194] {strides = array<i32>} : memref<8x128xf32, #tpu.memory_space<vmem>>, vector<16xf32>,
    %mul3A_2196 = arith.mulf %get3A_2191, %get3A_2195 : vector<16xf32>
    %add3A_2197 = arith.addf %add3A_2157, %mul3A_2196 : vector<16xf32>
    %get3A_2198 = arith.constant 0 : i32
    %get3A_2199 = arith.index_cast %get3A_2198 : i32 to index
    %get3A_2200 = arith.constant 432 : index
    %get3A_2201 = tpu.vector_load %arg9[%get3A_2199, %get3A_2200] {strides = array<i32>} : memref<2x768xf32, #tpu.memory_space<vmem>>, vector<16xf32>,
    %get3A_2202 = arith.constant 3 : i32
    %get3A_2203 = arith.index_cast %get3A_2202 : i32 to index
    %get3A_2204 = arith.constant 48 : index
    %get3A_2205 = tpu.vector_load %arg8[%get3A_2203, %get3A_2204] {strides = array<i32>} : memref<8x128xf32, #tpu.memory_space<vmem>>, vector<16xf32>,
    %mul3A_2206 = arith.mulf %get3A_2201, %get3A_2205 : vector<16xf32>
    %add3A_2207 = arith.addf %add3A_2167, %mul3A_2206 : vector<16xf32>
    %get3A_2208 = arith.constant 0 : i32
    %get3A_2209 = arith.index_cast %get3A_2208 : i32 to index
    %get3A_2210 = arith.constant 448 : index
    %get3A_2211 = tpu.vector_load %arg9[%get3A_2209, %get3A_2210] {strides = array<i32>} : memref<2x768xf32, #tpu.memory_space<vmem>>, vector<16xf32>,
    %get3A_2212 = arith.constant 3 : i32
    %get3A_2213 = arith.index_cast %get3A_2212 : i32 to index
    %get3A_2214 = arith.constant 64 : index
    %get3A_2215 = tpu.vector_load %arg8[%get3A_2213, %get3A_2214] {strides = array<i32>} : memref<8x128xf32, #tpu.memory_space<vmem>>, vector<16xf32>,
    %mul3A_2216 = arith.mulf %get3A_2211, %get3A_2215 : vector<16xf32>
    %add3A_2217 = arith.addf %add3A_2177, %mul3A_2216 : vector<16xf32>
    %get3A_2218 = arith.constant 0 : i32
    %get3A_2219 = arith.index_cast %get3A_2218 : i32 to index
    %get3A_2220 = arith.constant 464 : index
    %get3A_2221 = tpu.vector_load %arg9[%get3A_2219, %get3A_2220] {strides = array<i32>} : memref<2x768xf32, #tpu.memory_space<vmem>>, vector<16xf32>,
    %get3A_2222 = arith.constant 3 : i32
    %get3A_2223 = arith.index_cast %get3A_2222 : i32 to index
    %get3A_2224 = arith.constant 80 : index
    %get3A_2225 = tpu.vector_load %arg8[%get3A_2223, %get3A_2224] {strides = array<i32>} : memref<8x128xf32, #tpu.memory_space<vmem>>, vector<16xf32>,
    %mul3A_2226 = arith.mulf %get3A_2221, %get3A_2225 : vector<16xf32>
    %add3A_2227 = arith.addf %add3A_2187, %mul3A_2226 : vector<16xf32>
    %get3A_2228 = arith.constant 0 : i32
    %get3A_2229 = arith.index_cast %get3A_2228 : i32 to index
    %get3A_2230 = arith.constant 480 : index
    %get3A_2231 = tpu.vector_load %arg9[%get3A_2229, %get3A_2230] {strides = array<i32>} : memref<2x768xf32, #tpu.memory_space<vmem>>, vector<16xf32>,
    %get3A_2232 = arith.constant 3 : i32
    %get3A_2233 = arith.index_cast %get3A_2232 : i32 to index
    %get3A_2234 = arith.constant 96 : index
    %get3A_2235 = tpu.vector_load %arg8[%get3A_2233, %get3A_2234] {strides = array<i32>} : memref<8x128xf32, #tpu.memory_space<vmem>>, vector<16xf32>,
    %mul3A_2236 = arith.mulf %get3A_2231, %get3A_2235 : vector<16xf32>
    %add3A_2237 = arith.addf %add3A_2197, %mul3A_2236 : vector<16xf32>
    %get3A_2238 = arith.constant 0 : i32
    %get3A_2239 = arith.index_cast %get3A_2238 : i32 to index
    %get3A_2240 = arith.constant 496 : index
    %get3A_2241 = tpu.vector_load %arg9[%get3A_2239, %get3A_2240] {strides = array<i32>} : memref<2x768xf32, #tpu.memory_space<vmem>>, vector<16xf32>,
    %get3A_2242 = arith.constant 3 : i32
    %get3A_2243 = arith.index_cast %get3A_2242 : i32 to index
    %get3A_2244 = arith.constant 112 : index
    %get3A_2245 = tpu.vector_load %arg8[%get3A_2243, %get3A_2244] {strides = array<i32>} : memref<8x128xf32, #tpu.memory_space<vmem>>, vector<16xf32>,
    %mul3A_2246 = arith.mulf %get3A_2241, %get3A_2245 : vector<16xf32>
    %add3A_2247 = arith.addf %add3A_2207, %mul3A_2246 : vector<16xf32>
    %get3A_2248 = arith.constant 0 : i32
    %get3A_2249 = arith.index_cast %get3A_2248 : i32 to index
    %get3A_2250 = arith.constant 512 : index
    %get3A_2251 = tpu.vector_load %arg9[%get3A_2249, %get3A_2250] {strides = array<i32>} : memref<2x768xf32, #tpu.memory_space<vmem>>, vector<16xf32>,
    %get3A_2252 = arith.constant 4 : i32
    %get3A_2253 = arith.index_cast %get3A_2252 : i32 to index
    %get3A_2254 = arith.constant 0 : index
    %get3A_2255 = tpu.vector_load %arg8[%get3A_2253, %get3A_2254] {strides = array<i32>} : memref<8x128xf32, #tpu.memory_space<vmem>>, vector<16xf32>,
    %mul3A_2256 = arith.mulf %get3A_2251, %get3A_2255 : vector<16xf32>
    %add3A_2257 = arith.addf %add3A_2217, %mul3A_2256 : vector<16xf32>
    %get3A_2258 = arith.constant 0 : i32
    %get3A_2259 = arith.index_cast %get3A_2258 : i32 to index
    %get3A_2260 = arith.constant 528 : index
    %get3A_2261 = tpu.vector_load %arg9[%get3A_2259, %get3A_2260] {strides = array<i32>} : memref<2x768xf32, #tpu.memory_space<vmem>>, vector<16xf32>,
    %get3A_2262 = arith.constant 4 : i32
    %get3A_2263 = arith.index_cast %get3A_2262 : i32 to index
    %get3A_2264 = arith.constant 16 : index
    %get3A_2265 = tpu.vector_load %arg8[%get3A_2263, %get3A_2264] {strides = array<i32>} : memref<8x128xf32, #tpu.memory_space<vmem>>, vector<16xf32>,
    %mul3A_2266 = arith.mulf %get3A_2261, %get3A_2265 : vector<16xf32>
    %add3A_2267 = arith.addf %add3A_2227, %mul3A_2266 : vector<16xf32>
    %get3A_2268 = arith.constant 0 : i32
    %get3A_2269 = arith.index_cast %get3A_2268 : i32 to index
    %get3A_2270 = arith.constant 544 : index
    %get3A_2271 = tpu.vector_load %arg9[%get3A_2269, %get3A_2270] {strides = array<i32>} : memref<2x768xf32, #tpu.memory_space<vmem>>, vector<16xf32>,
    %get3A_2272 = arith.constant 4 : i32
    %get3A_2273 = arith.index_cast %get3A_2272 : i32 to index
    %get3A_2274 = arith.constant 32 : index
    %get3A_2275 = tpu.vector_load %arg8[%get3A_2273, %get3A_2274] {strides = array<i32>} : memref<8x128xf32, #tpu.memory_space<vmem>>, vector<16xf32>,
    %mul3A_2276 = arith.mulf %get3A_2271, %get3A_2275 : vector<16xf32>
    %add3A_2277 = arith.addf %add3A_2237, %mul3A_2276 : vector<16xf32>
    %get3A_2278 = arith.constant 0 : i32
    %get3A_2279 = arith.index_cast %get3A_2278 : i32 to index
    %get3A_2280 = arith.constant 560 : index
    %get3A_2281 = tpu.vector_load %arg9[%get3A_2279, %get3A_2280] {strides = array<i32>} : memref<2x768xf32, #tpu.memory_space<vmem>>, vector<16xf32>,
    %get3A_2282 = arith.constant 4 : i32
    %get3A_2283 = arith.index_cast %get3A_2282 : i32 to index
    %get3A_2284 = arith.constant 48 : index
    %get3A_2285 = tpu.vector_load %arg8[%get3A_2283, %get3A_2284] {strides = array<i32>} : memref<8x128xf32, #tpu.memory_space<vmem>>, vector<16xf32>,
    %mul3A_2286 = arith.mulf %get3A_2281, %get3A_2285 : vector<16xf32>
    %add3A_2287 = arith.addf %add3A_2247, %mul3A_2286 : vector<16xf32>
    %get3A_2288 = arith.constant 0 : i32
    %get3A_2289 = arith.index_cast %get3A_2288 : i32 to index
    %get3A_2290 = arith.constant 576 : index
    %get3A_2291 = tpu.vector_load %arg9[%get3A_2289, %get3A_2290] {strides = array<i32>} : memref<2x768xf32, #tpu.memory_space<vmem>>, vector<16xf32>,
    %get3A_2292 = arith.constant 4 : i32
    %get3A_2293 = arith.index_cast %get3A_2292 : i32 to index
    %get3A_2294 = arith.constant 64 : index
    %get3A_2295 = tpu.vector_load %arg8[%get3A_2293, %get3A_2294] {strides = array<i32>} : memref<8x128xf32, #tpu.memory_space<vmem>>, vector<16xf32>,
    %mul3A_2296 = arith.mulf %get3A_2291, %get3A_2295 : vector<16xf32>
    %add3A_2297 = arith.addf %add3A_2257, %mul3A_2296 : vector<16xf32>
    %get3A_2298 = arith.constant 0 : i32
    %get3A_2299 = arith.index_cast %get3A_2298 : i32 to index
    %get3A_2300 = arith.constant 592 : index
    %get3A_2301 = tpu.vector_load %arg9[%get3A_2299, %get3A_2300] {strides = array<i32>} : memref<2x768xf32, #tpu.memory_space<vmem>>, vector<16xf32>,
    %get3A_2302 = arith.constant 4 : i32
    %get3A_2303 = arith.index_cast %get3A_2302 : i32 to index
    %get3A_2304 = arith.constant 80 : index
    %get3A_2305 = tpu.vector_load %arg8[%get3A_2303, %get3A_2304] {strides = array<i32>} : memref<8x128xf32, #tpu.memory_space<vmem>>, vector<16xf32>,
    %mul3A_2306 = arith.mulf %get3A_2301, %get3A_2305 : vector<16xf32>
    %add3A_2307 = arith.addf %add3A_2267, %mul3A_2306 : vector<16xf32>
    %get3A_2308 = arith.constant 0 : i32
    %get3A_2309 = arith.index_cast %get3A_2308 : i32 to index
    %get3A_2310 = arith.constant 608 : index
    %get3A_2311 = tpu.vector_load %arg9[%get3A_2309, %get3A_2310] {strides = array<i32>} : memref<2x768xf32, #tpu.memory_space<vmem>>, vector<16xf32>,
    %get3A_2312 = arith.constant 4 : i32
    %get3A_2313 = arith.index_cast %get3A_2312 : i32 to index
    %get3A_2314 = arith.constant 96 : index
    %get3A_2315 = tpu.vector_load %arg8[%get3A_2313, %get3A_2314] {strides = array<i32>} : memref<8x128xf32, #tpu.memory_space<vmem>>, vector<16xf32>,
    %mul3A_2316 = arith.mulf %get3A_2311, %get3A_2315 : vector<16xf32>
    %add3A_2317 = arith.addf %add3A_2277, %mul3A_2316 : vector<16xf32>
    %get3A_2318 = arith.constant 0 : i32
    %get3A_2319 = arith.index_cast %get3A_2318 : i32 to index
    %get3A_2320 = arith.constant 624 : index
    %get3A_2321 = tpu.vector_load %arg9[%get3A_2319, %get3A_2320] {strides = array<i32>} : memref<2x768xf32, #tpu.memory_space<vmem>>, vector<16xf32>,
    %get3A_2322 = arith.constant 4 : i32
    %get3A_2323 = arith.index_cast %get3A_2322 : i32 to index
    %get3A_2324 = arith.constant 112 : index
    %get3A_2325 = tpu.vector_load %arg8[%get3A_2323, %get3A_2324] {strides = array<i32>} : memref<8x128xf32, #tpu.memory_space<vmem>>, vector<16xf32>,
    %mul3A_2326 = arith.mulf %get3A_2321, %get3A_2325 : vector<16xf32>
    %add3A_2327 = arith.addf %add3A_2287, %mul3A_2326 : vector<16xf32>
    %get3A_2328 = arith.constant 0 : i32
    %get3A_2329 = arith.index_cast %get3A_2328 : i32 to index
    %get3A_2330 = arith.constant 640 : index
    %get3A_2331 = tpu.vector_load %arg9[%get3A_2329, %get3A_2330] {strides = array<i32>} : memref<2x768xf32, #tpu.memory_space<vmem>>, vector<16xf32>,
    %get3A_2332 = arith.constant 5 : i32
    %get3A_2333 = arith.index_cast %get3A_2332 : i32 to index
    %get3A_2334 = arith.constant 0 : index
    %get3A_2335 = tpu.vector_load %arg8[%get3A_2333, %get3A_2334] {strides = array<i32>} : memref<8x128xf32, #tpu.memory_space<vmem>>, vector<16xf32>,
    %mul3A_2336 = arith.mulf %get3A_2331, %get3A_2335 : vector<16xf32>
    %add3A_2337 = arith.addf %add3A_2297, %mul3A_2336 : vector<16xf32>
    %get3A_2338 = arith.constant 0 : i32
    %get3A_2339 = arith.index_cast %get3A_2338 : i32 to index
    %get3A_2340 = arith.constant 656 : index
    %get3A_2341 = tpu.vector_load %arg9[%get3A_2339, %get3A_2340] {strides = array<i32>} : memref<2x768xf32, #tpu.memory_space<vmem>>, vector<16xf32>,
    %get3A_2342 = arith.constant 5 : i32
    %get3A_2343 = arith.index_cast %get3A_2342 : i32 to index
    %get3A_2344 = arith.constant 16 : index
    %get3A_2345 = tpu.vector_load %arg8[%get3A_2343, %get3A_2344] {strides = array<i32>} : memref<8x128xf32, #tpu.memory_space<vmem>>, vector<16xf32>,
    %mul3A_2346 = arith.mulf %get3A_2341, %get3A_2345 : vector<16xf32>
    %add3A_2347 = arith.addf %add3A_2307, %mul3A_2346 : vector<16xf32>
    %get3A_2348 = arith.constant 0 : i32
    %get3A_2349 = arith.index_cast %get3A_2348 : i32 to index
    %get3A_2350 = arith.constant 672 : index
    %get3A_2351 = tpu.vector_load %arg9[%get3A_2349, %get3A_2350] {strides = array<i32>} : memref<2x768xf32, #tpu.memory_space<vmem>>, vector<16xf32>,
    %get3A_2352 = arith.constant 5 : i32
    %get3A_2353 = arith.index_cast %get3A_2352 : i32 to index
    %get3A_2354 = arith.constant 32 : index
    %get3A_2355 = tpu.vector_load %arg8[%get3A_2353, %get3A_2354] {strides = array<i32>} : memref<8x128xf32, #tpu.memory_space<vmem>>, vector<16xf32>,
    %mul3A_2356 = arith.mulf %get3A_2351, %get3A_2355 : vector<16xf32>
    %add3A_2357 = arith.addf %add3A_2317, %mul3A_2356 : vector<16xf32>
    %get3A_2358 = arith.constant 0 : i32
    %get3A_2359 = arith.index_cast %get3A_2358 : i32 to index
    %get3A_2360 = arith.constant 688 : index
    %get3A_2361 = tpu.vector_load %arg9[%get3A_2359, %get3A_2360] {strides = array<i32>} : memref<2x768xf32, #tpu.memory_space<vmem>>, vector<16xf32>,
    %get3A_2362 = arith.constant 5 : i32
    %get3A_2363 = arith.index_cast %get3A_2362 : i32 to index
    %get3A_2364 = arith.constant 48 : index
    %get3A_2365 = tpu.vector_load %arg8[%get3A_2363, %get3A_2364] {strides = array<i32>} : memref<8x128xf32, #tpu.memory_space<vmem>>, vector<16xf32>,
    %mul3A_2366 = arith.mulf %get3A_2361, %get3A_2365 : vector<16xf32>
    %add3A_2367 = arith.addf %add3A_2327, %mul3A_2366 : vector<16xf32>
    %get3A_2368 = arith.constant 0 : i32
    %get3A_2369 = arith.index_cast %get3A_2368 : i32 to index
    %get3A_2370 = arith.constant 704 : index
    %get3A_2371 = tpu.vector_load %arg9[%get3A_2369, %get3A_2370] {strides = array<i32>} : memref<2x768xf32, #tpu.memory_space<vmem>>, vector<16xf32>,
    %get3A_2372 = arith.constant 5 : i32
    %get3A_2373 = arith.index_cast %get3A_2372 : i32 to index
    %get3A_2374 = arith.constant 64 : index
    %get3A_2375 = tpu.vector_load %arg8[%get3A_2373, %get3A_2374] {strides = array<i32>} : memref<8x128xf32, #tpu.memory_space<vmem>>, vector<16xf32>,
    %mul3A_2376 = arith.mulf %get3A_2371, %get3A_2375 : vector<16xf32>
    %add3A_2377 = arith.addf %add3A_2337, %mul3A_2376 : vector<16xf32>
    %get3A_2378 = arith.constant 0 : i32
    %get3A_2379 = arith.index_cast %get3A_2378 : i32 to index
    %get3A_2380 = arith.constant 720 : index
    %get3A_2381 = tpu.vector_load %arg9[%get3A_2379, %get3A_2380] {strides = array<i32>} : memref<2x768xf32, #tpu.memory_space<vmem>>, vector<16xf32>,
    %get3A_2382 = arith.constant 5 : i32
    %get3A_2383 = arith.index_cast %get3A_2382 : i32 to index
    %get3A_2384 = arith.constant 80 : index
    %get3A_2385 = tpu.vector_load %arg8[%get3A_2383, %get3A_2384] {strides = array<i32>} : memref<8x128xf32, #tpu.memory_space<vmem>>, vector<16xf32>,
    %mul3A_2386 = arith.mulf %get3A_2381, %get3A_2385 : vector<16xf32>
    %add3A_2387 = arith.addf %add3A_2347, %mul3A_2386 : vector<16xf32>
    %get3A_2388 = arith.constant 0 : i32
    %get3A_2389 = arith.index_cast %get3A_2388 : i32 to index
    %get3A_2390 = arith.constant 736 : index
    %get3A_2391 = tpu.vector_load %arg9[%get3A_2389, %get3A_2390] {strides = array<i32>} : memref<2x768xf32, #tpu.memory_space<vmem>>, vector<16xf32>,
    %get3A_2392 = arith.constant 5 : i32
    %get3A_2393 = arith.index_cast %get3A_2392 : i32 to index
    %get3A_2394 = arith.constant 96 : index
    %get3A_2395 = tpu.vector_load %arg8[%get3A_2393, %get3A_2394] {strides = array<i32>} : memref<8x128xf32, #tpu.memory_space<vmem>>, vector<16xf32>,
    %mul3A_2396 = arith.mulf %get3A_2391, %get3A_2395 : vector<16xf32>
    %add3A_2397 = arith.addf %add3A_2357, %mul3A_2396 : vector<16xf32>
    %get3A_2398 = arith.constant 0 : i32
    %get3A_2399 = arith.index_cast %get3A_2398 : i32 to index
    %get3A_2400 = arith.constant 752 : index
    %get3A_2401 = tpu.vector_load %arg9[%get3A_2399, %get3A_2400] {strides = array<i32>} : memref<2x768xf32, #tpu.memory_space<vmem>>, vector<16xf32>,
    %get3A_2402 = arith.constant 5 : i32
    %get3A_2403 = arith.index_cast %get3A_2402 : i32 to index
    %get3A_2404 = arith.constant 112 : index
    %get3A_2405 = tpu.vector_load %arg8[%get3A_2403, %get3A_2404] {strides = array<i32>} : memref<8x128xf32, #tpu.memory_space<vmem>>, vector<16xf32>,
    %mul3A_2406 = arith.mulf %get3A_2401, %get3A_2405 : vector<16xf32>
    %add3A_2407 = arith.addf %add3A_2367, %mul3A_2406 : vector<16xf32>
    %add3A_2408 = arith.addf %add3A_2377, %add3A_2387 : vector<16xf32>
    %add3A_2409 = arith.addf %add3A_2408, %add3A_2397 : vector<16xf32>
    %add3A_2410 = arith.addf %add3A_2409, %add3A_2407 : vector<16xf32>
    %reduce_sum3A_2411 = arith.constant true
    %reduce_sum3A_2412 = vector.broadcast %reduce_sum3A_2411 : i1 to vector<16xi1>
    %reduce_sum3A_2413 = tpu.scan <sum>, %add3A_2410 masked %reduce_sum3A_2412 : vector<16xf32>, vector<16xi1> -> vector<16xf32>
    %reduce_sum3A_2414 = vector.extract %reduce_sum3A_2413[15] : f32 from vector<16xf32>
    %add3A_2415 = vector.broadcast %reduce_sum3A_2414 : f32 to vector<16xf32>
    %add3A_2416 = arith.addf %gather3A, %add3A_2415 : vector<16xf32>
    %swap3A = arith.constant 0 : index
    %swap3A_2417 = tpu.vector_load %arg11[%swap3A] {strides = array<i32>} : memref<16xf32, #tpu.memory_space<vmem>>, vector<16xf32>,
    tpu.vector_store %arg11[%swap3A], %add3A_2416 {strides = array<i32>} : memref<16xf32, #tpu.memory_space<vmem>>, vector<16xf32>,
    %mul3A_2418 = arith.constant 2 : i32
    %mul3A_2419 = arith.muli %arg1, %mul3A_2418 : i32
    %add3A_2420 = arith.constant 0 : i32
    %add3A_2421 = arith.addi %mul3A_2419, %add3A_2420 : i32
    "tpu.region"() ({
      %run_scoped3A = tpu.sem_alloc : memref<!tpu.dma_semaphore, #tpu.memory_space<semaphore_mem>>
      %dma_start3A_2932 = arith.constant 0 : i32
      %dma_start3A_2933 = tpu.memref_slice %arg6[%add3A_2421, %dma_start3A_2932] : memref<32x16xf32, #tpu.memory_space<hbm>> -> memref<1x16xf32, #tpu.memory_space<hbm>>
      %dma_start3A_2934 = tpu.memref_squeeze %dma_start3A_2933 : memref<1x16xf32, #tpu.memory_space<hbm>> -> memref<16xf32, #tpu.memory_space<hbm>>
      %dma_start3A_2935 = arith.constant 0 : i32
      %dma_start3A_2936 = tpu.memref_slice %arg6[%add3A_2421, %dma_start3A_2935] : memref<32x16xf32, #tpu.memory_space<hbm>> -> memref<1x16xf32, #tpu.memory_space<hbm>>
      %dma_start3A_2937 = tpu.memref_squeeze %dma_start3A_2936 : memref<1x16xf32, #tpu.memory_space<hbm>> -> memref<16xf32, #tpu.memory_space<hbm>>
      tpu.enqueue_dma source(%arg11 : memref<16xf32, #tpu.memory_space<vmem>>) target(%dma_start3A_2937 : memref<16xf32, #tpu.memory_space<hbm>>) target_semaphore(%run_scoped3A : memref<!tpu.dma_semaphore, #tpu.memory_space<semaphore_mem>>)
      %dma_wait3A_2938 = arith.constant 0 : i32
      %dma_wait3A_2939 = tpu.memref_slice %arg6[%add3A_2421, %dma_wait3A_2938] : memref<32x16xf32, #tpu.memory_space<hbm>> -> memref<1x16xf32, #tpu.memory_space<hbm>>
      %dma_wait3A_2940 = tpu.memref_squeeze %dma_wait3A_2939 : memref<1x16xf32, #tpu.memory_space<hbm>> -> memref<16xf32, #tpu.memory_space<hbm>>
      %dma_wait3A_2941 = arith.constant 0 : i32
      %dma_wait3A_2942 = tpu.memref_slice %arg6[%add3A_2421, %dma_wait3A_2941] : memref<32x16xf32, #tpu.memory_space<hbm>> -> memref<1x16xf32, #tpu.memory_space<hbm>>
      %dma_wait3A_2943 = tpu.memref_squeeze %dma_wait3A_2942 : memref<1x16xf32, #tpu.memory_space<hbm>> -> memref<16xf32, #tpu.memory_space<hbm>>
      tpu.wait_dma2 semaphore(%run_scoped3A : memref<!tpu.dma_semaphore, #tpu.memory_space<semaphore_mem>>) src(%arg11 : memref<16xf32, #tpu.memory_space<vmem>>) dst(%dma_wait3A_2943 : memref<16xf32, #tpu.memory_space<hbm>>)
      tpu.yield
    }) : () -> ()
    %dma_wait3A_2422 = arith.constant 1 : i32
    %dma_wait3A_2423 = arith.constant 0 : i32
    %dma_wait3A_2424 = tpu.memref_slice %arg9[%dma_wait3A_2422, %dma_wait3A_2423] : memref<2x768xf32, #tpu.memory_space<vmem>> -> memref<1x768xf32, #tpu.memory_space<vmem>>
    %dma_wait3A_2425 = tpu.memref_squeeze %dma_wait3A_2424 : memref<1x768xf32, #tpu.memory_space<vmem>> -> memref<768xf32, #tpu.memory_space<vmem>>
    %dma_wait3A_2426 = arith.constant 0 : i32
    %dma_wait3A_2427 = tpu.memref_slice %arg3[%add3A_1884, %dma_wait3A_2426] : memref<65536x768xf32, #tpu.memory_space<hbm>> -> memref<1x768xf32, #tpu.memory_space<hbm>>
    %dma_wait3A_2428 = tpu.memref_squeeze %dma_wait3A_2427 : memref<1x768xf32, #tpu.memory_space<hbm>> -> memref<768xf32, #tpu.memory_space<hbm>>
    %dma_wait3A_2429 = arith.constant 0 : i32
    %dma_wait3A_2430 = tpu.memref_slice %arg9[%dma_wait3A_2422, %dma_wait3A_2429] : memref<2x768xf32, #tpu.memory_space<vmem>> -> memref<1x768xf32, #tpu.memory_space<vmem>>
    %dma_wait3A_2431 = tpu.memref_squeeze %dma_wait3A_2430 : memref<1x768xf32, #tpu.memory_space<vmem>> -> memref<768xf32, #tpu.memory_space<vmem>>
    %dma_wait3A_2432 = arith.constant 0 : i32
    %dma_wait3A_2433 = tpu.memref_slice %arg3[%add3A_1884, %dma_wait3A_2432] : memref<65536x768xf32, #tpu.memory_space<hbm>> -> memref<1x768xf32, #tpu.memory_space<hbm>>
    %dma_wait3A_2434 = tpu.memref_squeeze %dma_wait3A_2433 : memref<1x768xf32, #tpu.memory_space<hbm>> -> memref<768xf32, #tpu.memory_space<hbm>>
    tpu.wait_dma2 semaphore(%arg16 : memref<!tpu.dma_semaphore, #tpu.memory_space<semaphore_mem>>) src(%dma_wait3A_2434 : memref<768xf32, #tpu.memory_space<hbm>>) dst(%dma_wait3A_2431 : memref<768xf32, #tpu.memory_space<vmem>>)
    %broadcast_in_dim3A_2435 = arith.constant 0.000000e+00 : f32
    %broadcast_in_dim3A_2436 = vector.broadcast %broadcast_in_dim3A_2435 : f32 to vector<16xf32>
    %get3A_2437 = arith.constant 1 : i32
    %get3A_2438 = arith.index_cast %get3A_2437 : i32 to index
    %get3A_2439 = arith.constant 0 : index
    %get3A_2440 = tpu.vector_load %arg9[%get3A_2438, %get3A_2439] {strides = array<i32>} : memref<2x768xf32, #tpu.memory_space<vmem>>, vector<16xf32>,
    %get3A_2441 = arith.constant 0 : i32
    %get3A_2442 = arith.index_cast %get3A_2441 : i32 to index
    %get3A_2443 = arith.constant 0 : index
    %get3A_2444 = tpu.vector_load %arg8[%get3A_2442, %get3A_2443] {strides = array<i32>} : memref<8x128xf32, #tpu.memory_space<vmem>>, vector<16xf32>,
    %mul3A_2445 = arith.mulf %get3A_2440, %get3A_2444 : vector<16xf32>
    %add3A_2446 = arith.addf %broadcast_in_dim3A_2436, %mul3A_2445 : vector<16xf32>
    %get3A_2447 = arith.constant 1 : i32
    %get3A_2448 = arith.index_cast %get3A_2447 : i32 to index
    %get3A_2449 = arith.constant 16 : index
    %get3A_2450 = tpu.vector_load %arg9[%get3A_2448, %get3A_2449] {strides = array<i32>} : memref<2x768xf32, #tpu.memory_space<vmem>>, vector<16xf32>,
    %get3A_2451 = arith.constant 0 : i32
    %get3A_2452 = arith.index_cast %get3A_2451 : i32 to index
    %get3A_2453 = arith.constant 16 : index
    %get3A_2454 = tpu.vector_load %arg8[%get3A_2452, %get3A_2453] {strides = array<i32>} : memref<8x128xf32, #tpu.memory_space<vmem>>, vector<16xf32>,
    %mul3A_2455 = arith.mulf %get3A_2450, %get3A_2454 : vector<16xf32>
    %add3A_2456 = arith.addf %broadcast_in_dim3A_2436, %mul3A_2455 : vector<16xf32>
    %get3A_2457 = arith.constant 1 : i32
    %get3A_2458 = arith.index_cast %get3A_2457 : i32 to index
    %get3A_2459 = arith.constant 32 : index
    %get3A_2460 = tpu.vector_load %arg9[%get3A_2458, %get3A_2459] {strides = array<i32>} : memref<2x768xf32, #tpu.memory_space<vmem>>, vector<16xf32>,
    %get3A_2461 = arith.constant 0 : i32
    %get3A_2462 = arith.index_cast %get3A_2461 : i32 to index
    %get3A_2463 = arith.constant 32 : index
    %get3A_2464 = tpu.vector_load %arg8[%get3A_2462, %get3A_2463] {strides = array<i32>} : memref<8x128xf32, #tpu.memory_space<vmem>>, vector<16xf32>,
    %mul3A_2465 = arith.mulf %get3A_2460, %get3A_2464 : vector<16xf32>
    %add3A_2466 = arith.addf %broadcast_in_dim3A_2436, %mul3A_2465 : vector<16xf32>
    %get3A_2467 = arith.constant 1 : i32
    %get3A_2468 = arith.index_cast %get3A_2467 : i32 to index
    %get3A_2469 = arith.constant 48 : index
    %get3A_2470 = tpu.vector_load %arg9[%get3A_2468, %get3A_2469] {strides = array<i32>} : memref<2x768xf32, #tpu.memory_space<vmem>>, vector<16xf32>,
    %get3A_2471 = arith.constant 0 : i32
    %get3A_2472 = arith.index_cast %get3A_2471 : i32 to index
    %get3A_2473 = arith.constant 48 : index
    %get3A_2474 = tpu.vector_load %arg8[%get3A_2472, %get3A_2473] {strides = array<i32>} : memref<8x128xf32, #tpu.memory_space<vmem>>, vector<16xf32>,
    %mul3A_2475 = arith.mulf %get3A_2470, %get3A_2474 : vector<16xf32>
    %add3A_2476 = arith.addf %broadcast_in_dim3A_2436, %mul3A_2475 : vector<16xf32>
    %get3A_2477 = arith.constant 1 : i32
    %get3A_2478 = arith.index_cast %get3A_2477 : i32 to index
    %get3A_2479 = arith.constant 64 : index
    %get3A_2480 = tpu.vector_load %arg9[%get3A_2478, %get3A_2479] {strides = array<i32>} : memref<2x768xf32, #tpu.memory_space<vmem>>, vector<16xf32>,
    %get3A_2481 = arith.constant 0 : i32
    %get3A_2482 = arith.index_cast %get3A_2481 : i32 to index
    %get3A_2483 = arith.constant 64 : index
    %get3A_2484 = tpu.vector_load %arg8[%get3A_2482, %get3A_2483] {strides = array<i32>} : memref<8x128xf32, #tpu.memory_space<vmem>>, vector<16xf32>,
    %mul3A_2485 = arith.mulf %get3A_2480, %get3A_2484 : vector<16xf32>
    %add3A_2486 = arith.addf %add3A_2446, %mul3A_2485 : vector<16xf32>
    %get3A_2487 = arith.constant 1 : i32
    %get3A_2488 = arith.index_cast %get3A_2487 : i32 to index
    %get3A_2489 = arith.constant 80 : index
    %get3A_2490 = tpu.vector_load %arg9[%get3A_2488, %get3A_2489] {strides = array<i32>} : memref<2x768xf32, #tpu.memory_space<vmem>>, vector<16xf32>,
    %get3A_2491 = arith.constant 0 : i32
    %get3A_2492 = arith.index_cast %get3A_2491 : i32 to index
    %get3A_2493 = arith.constant 80 : index
    %get3A_2494 = tpu.vector_load %arg8[%get3A_2492, %get3A_2493] {strides = array<i32>} : memref<8x128xf32, #tpu.memory_space<vmem>>, vector<16xf32>,
    %mul3A_2495 = arith.mulf %get3A_2490, %get3A_2494 : vector<16xf32>
    %add3A_2496 = arith.addf %add3A_2456, %mul3A_2495 : vector<16xf32>
    %get3A_2497 = arith.constant 1 : i32
    %get3A_2498 = arith.index_cast %get3A_2497 : i32 to index
    %get3A_2499 = arith.constant 96 : index
    %get3A_2500 = tpu.vector_load %arg9[%get3A_2498, %get3A_2499] {strides = array<i32>} : memref<2x768xf32, #tpu.memory_space<vmem>>, vector<16xf32>,
    %get3A_2501 = arith.constant 0 : i32
    %get3A_2502 = arith.index_cast %get3A_2501 : i32 to index
    %get3A_2503 = arith.constant 96 : index
    %get3A_2504 = tpu.vector_load %arg8[%get3A_2502, %get3A_2503] {strides = array<i32>} : memref<8x128xf32, #tpu.memory_space<vmem>>, vector<16xf32>,
    %mul3A_2505 = arith.mulf %get3A_2500, %get3A_2504 : vector<16xf32>
    %add3A_2506 = arith.addf %add3A_2466, %mul3A_2505 : vector<16xf32>
    %get3A_2507 = arith.constant 1 : i32
    %get3A_2508 = arith.index_cast %get3A_2507 : i32 to index
    %get3A_2509 = arith.constant 112 : index
    %get3A_2510 = tpu.vector_load %arg9[%get3A_2508, %get3A_2509] {strides = array<i32>} : memref<2x768xf32, #tpu.memory_space<vmem>>, vector<16xf32>,
    %get3A_2511 = arith.constant 0 : i32
    %get3A_2512 = arith.index_cast %get3A_2511 : i32 to index
    %get3A_2513 = arith.constant 112 : index
    %get3A_2514 = tpu.vector_load %arg8[%get3A_2512, %get3A_2513] {strides = array<i32>} : memref<8x128xf32, #tpu.memory_space<vmem>>, vector<16xf32>,
    %mul3A_2515 = arith.mulf %get3A_2510, %get3A_2514 : vector<16xf32>
    %add3A_2516 = arith.addf %add3A_2476, %mul3A_2515 : vector<16xf32>
    %get3A_2517 = arith.constant 1 : i32
    %get3A_2518 = arith.index_cast %get3A_2517 : i32 to index
    %get3A_2519 = arith.constant 128 : index
    %get3A_2520 = tpu.vector_load %arg9[%get3A_2518, %get3A_2519] {strides = array<i32>} : memref<2x768xf32, #tpu.memory_space<vmem>>, vector<16xf32>,
    %get3A_2521 = arith.constant 1 : i32
    %get3A_2522 = arith.index_cast %get3A_2521 : i32 to index
    %get3A_2523 = arith.constant 0 : index
    %get3A_2524 = tpu.vector_load %arg8[%get3A_2522, %get3A_2523] {strides = array<i32>} : memref<8x128xf32, #tpu.memory_space<vmem>>, vector<16xf32>,
    %mul3A_2525 = arith.mulf %get3A_2520, %get3A_2524 : vector<16xf32>
    %add3A_2526 = arith.addf %add3A_2486, %mul3A_2525 : vector<16xf32>
    %get3A_2527 = arith.constant 1 : i32
    %get3A_2528 = arith.index_cast %get3A_2527 : i32 to index
    %get3A_2529 = arith.constant 144 : index
    %get3A_2530 = tpu.vector_load %arg9[%get3A_2528, %get3A_2529] {strides = array<i32>} : memref<2x768xf32, #tpu.memory_space<vmem>>, vector<16xf32>,
    %get3A_2531 = arith.constant 1 : i32
    %get3A_2532 = arith.index_cast %get3A_2531 : i32 to index
    %get3A_2533 = arith.constant 16 : index
    %get3A_2534 = tpu.vector_load %arg8[%get3A_2532, %get3A_2533] {strides = array<i32>} : memref<8x128xf32, #tpu.memory_space<vmem>>, vector<16xf32>,
    %mul3A_2535 = arith.mulf %get3A_2530, %get3A_2534 : vector<16xf32>
    %add3A_2536 = arith.addf %add3A_2496, %mul3A_2535 : vector<16xf32>
    %get3A_2537 = arith.constant 1 : i32
    %get3A_2538 = arith.index_cast %get3A_2537 : i32 to index
    %get3A_2539 = arith.constant 160 : index
    %get3A_2540 = tpu.vector_load %arg9[%get3A_2538, %get3A_2539] {strides = array<i32>} : memref<2x768xf32, #tpu.memory_space<vmem>>, vector<16xf32>,
    %get3A_2541 = arith.constant 1 : i32
    %get3A_2542 = arith.index_cast %get3A_2541 : i32 to index
    %get3A_2543 = arith.constant 32 : index
    %get3A_2544 = tpu.vector_load %arg8[%get3A_2542, %get3A_2543] {strides = array<i32>} : memref<8x128xf32, #tpu.memory_space<vmem>>, vector<16xf32>,
    %mul3A_2545 = arith.mulf %get3A_2540, %get3A_2544 : vector<16xf32>
    %add3A_2546 = arith.addf %add3A_2506, %mul3A_2545 : vector<16xf32>
    %get3A_2547 = arith.constant 1 : i32
    %get3A_2548 = arith.index_cast %get3A_2547 : i32 to index
    %get3A_2549 = arith.constant 176 : index
    %get3A_2550 = tpu.vector_load %arg9[%get3A_2548, %get3A_2549] {strides = array<i32>} : memref<2x768xf32, #tpu.memory_space<vmem>>, vector<16xf32>,
    %get3A_2551 = arith.constant 1 : i32
    %get3A_2552 = arith.index_cast %get3A_2551 : i32 to index
    %get3A_2553 = arith.constant 48 : index
    %get3A_2554 = tpu.vector_load %arg8[%get3A_2552, %get3A_2553] {strides = array<i32>} : memref<8x128xf32, #tpu.memory_space<vmem>>, vector<16xf32>,
    %mul3A_2555 = arith.mulf %get3A_2550, %get3A_2554 : vector<16xf32>
    %add3A_2556 = arith.addf %add3A_2516, %mul3A_2555 : vector<16xf32>
    %get3A_2557 = arith.constant 1 : i32
    %get3A_2558 = arith.index_cast %get3A_2557 : i32 to index
    %get3A_2559 = arith.constant 192 : index
    %get3A_2560 = tpu.vector_load %arg9[%get3A_2558, %get3A_2559] {strides = array<i32>} : memref<2x768xf32, #tpu.memory_space<vmem>>, vector<16xf32>,
    %get3A_2561 = arith.constant 1 : i32
    %get3A_2562 = arith.index_cast %get3A_2561 : i32 to index
    %get3A_2563 = arith.constant 64 : index
    %get3A_2564 = tpu.vector_load %arg8[%get3A_2562, %get3A_2563] {strides = array<i32>} : memref<8x128xf32, #tpu.memory_space<vmem>>, vector<16xf32>,
    %mul3A_2565 = arith.mulf %get3A_2560, %get3A_2564 : vector<16xf32>
    %add3A_2566 = arith.addf %add3A_2526, %mul3A_2565 : vector<16xf32>
    %get3A_2567 = arith.constant 1 : i32
    %get3A_2568 = arith.index_cast %get3A_2567 : i32 to index
    %get3A_2569 = arith.constant 208 : index
    %get3A_2570 = tpu.vector_load %arg9[%get3A_2568, %get3A_2569] {strides = array<i32>} : memref<2x768xf32, #tpu.memory_space<vmem>>, vector<16xf32>,
    %get3A_2571 = arith.constant 1 : i32
    %get3A_2572 = arith.index_cast %get3A_2571 : i32 to index
    %get3A_2573 = arith.constant 80 : index
    %get3A_2574 = tpu.vector_load %arg8[%get3A_2572, %get3A_2573] {strides = array<i32>} : memref<8x128xf32, #tpu.memory_space<vmem>>, vector<16xf32>,
    %mul3A_2575 = arith.mulf %get3A_2570, %get3A_2574 : vector<16xf32>
    %add3A_2576 = arith.addf %add3A_2536, %mul3A_2575 : vector<16xf32>
    %get3A_2577 = arith.constant 1 : i32
    %get3A_2578 = arith.index_cast %get3A_2577 : i32 to index
    %get3A_2579 = arith.constant 224 : index
    %get3A_2580 = tpu.vector_load %arg9[%get3A_2578, %get3A_2579] {strides = array<i32>} : memref<2x768xf32, #tpu.memory_space<vmem>>, vector<16xf32>,
    %get3A_2581 = arith.constant 1 : i32
    %get3A_2582 = arith.index_cast %get3A_2581 : i32 to index
    %get3A_2583 = arith.constant 96 : index
    %get3A_2584 = tpu.vector_load %arg8[%get3A_2582, %get3A_2583] {strides = array<i32>} : memref<8x128xf32, #tpu.memory_space<vmem>>, vector<16xf32>,
    %mul3A_2585 = arith.mulf %get3A_2580, %get3A_2584 : vector<16xf32>
    %add3A_2586 = arith.addf %add3A_2546, %mul3A_2585 : vector<16xf32>
    %get3A_2587 = arith.constant 1 : i32
    %get3A_2588 = arith.index_cast %get3A_2587 : i32 to index
    %get3A_2589 = arith.constant 240 : index
    %get3A_2590 = tpu.vector_load %arg9[%get3A_2588, %get3A_2589] {strides = array<i32>} : memref<2x768xf32, #tpu.memory_space<vmem>>, vector<16xf32>,
    %get3A_2591 = arith.constant 1 : i32
    %get3A_2592 = arith.index_cast %get3A_2591 : i32 to index
    %get3A_2593 = arith.constant 112 : index
    %get3A_2594 = tpu.vector_load %arg8[%get3A_2592, %get3A_2593] {strides = array<i32>} : memref<8x128xf32, #tpu.memory_space<vmem>>, vector<16xf32>,
    %mul3A_2595 = arith.mulf %get3A_2590, %get3A_2594 : vector<16xf32>
    %add3A_2596 = arith.addf %add3A_2556, %mul3A_2595 : vector<16xf32>
    %get3A_2597 = arith.constant 1 : i32
    %get3A_2598 = arith.index_cast %get3A_2597 : i32 to index
    %get3A_2599 = arith.constant 256 : index
    %get3A_2600 = tpu.vector_load %arg9[%get3A_2598, %get3A_2599] {strides = array<i32>} : memref<2x768xf32, #tpu.memory_space<vmem>>, vector<16xf32>,
    %get3A_2601 = arith.constant 2 : i32
    %get3A_2602 = arith.index_cast %get3A_2601 : i32 to index
    %get3A_2603 = arith.constant 0 : index
    %get3A_2604 = tpu.vector_load %arg8[%get3A_2602, %get3A_2603] {strides = array<i32>} : memref<8x128xf32, #tpu.memory_space<vmem>>, vector<16xf32>,
    %mul3A_2605 = arith.mulf %get3A_2600, %get3A_2604 : vector<16xf32>
    %add3A_2606 = arith.addf %add3A_2566, %mul3A_2605 : vector<16xf32>
    %get3A_2607 = arith.constant 1 : i32
    %get3A_2608 = arith.index_cast %get3A_2607 : i32 to index
    %get3A_2609 = arith.constant 272 : index
    %get3A_2610 = tpu.vector_load %arg9[%get3A_2608, %get3A_2609] {strides = array<i32>} : memref<2x768xf32, #tpu.memory_space<vmem>>, vector<16xf32>,
    %get3A_2611 = arith.constant 2 : i32
    %get3A_2612 = arith.index_cast %get3A_2611 : i32 to index
    %get3A_2613 = arith.constant 16 : index
    %get3A_2614 = tpu.vector_load %arg8[%get3A_2612, %get3A_2613] {strides = array<i32>} : memref<8x128xf32, #tpu.memory_space<vmem>>, vector<16xf32>,
    %mul3A_2615 = arith.mulf %get3A_2610, %get3A_2614 : vector<16xf32>
    %add3A_2616 = arith.addf %add3A_2576, %mul3A_2615 : vector<16xf32>
    %get3A_2617 = arith.constant 1 : i32
    %get3A_2618 = arith.index_cast %get3A_2617 : i32 to index
    %get3A_2619 = arith.constant 288 : index
    %get3A_2620 = tpu.vector_load %arg9[%get3A_2618, %get3A_2619] {strides = array<i32>} : memref<2x768xf32, #tpu.memory_space<vmem>>, vector<16xf32>,
    %get3A_2621 = arith.constant 2 : i32
    %get3A_2622 = arith.index_cast %get3A_2621 : i32 to index
    %get3A_2623 = arith.constant 32 : index
    %get3A_2624 = tpu.vector_load %arg8[%get3A_2622, %get3A_2623] {strides = array<i32>} : memref<8x128xf32, #tpu.memory_space<vmem>>, vector<16xf32>,
    %mul3A_2625 = arith.mulf %get3A_2620, %get3A_2624 : vector<16xf32>
    %add3A_2626 = arith.addf %add3A_2586, %mul3A_2625 : vector<16xf32>
    %get3A_2627 = arith.constant 1 : i32
    %get3A_2628 = arith.index_cast %get3A_2627 : i32 to index
    %get3A_2629 = arith.constant 304 : index
    %get3A_2630 = tpu.vector_load %arg9[%get3A_2628, %get3A_2629] {strides = array<i32>} : memref<2x768xf32, #tpu.memory_space<vmem>>, vector<16xf32>,
    %get3A_2631 = arith.constant 2 : i32
    %get3A_2632 = arith.index_cast %get3A_2631 : i32 to index
    %get3A_2633 = arith.constant 48 : index
    %get3A_2634 = tpu.vector_load %arg8[%get3A_2632, %get3A_2633] {strides = array<i32>} : memref<8x128xf32, #tpu.memory_space<vmem>>, vector<16xf32>,
    %mul3A_2635 = arith.mulf %get3A_2630, %get3A_2634 : vector<16xf32>
    %add3A_2636 = arith.addf %add3A_2596, %mul3A_2635 : vector<16xf32>
    %get3A_2637 = arith.constant 1 : i32
    %get3A_2638 = arith.index_cast %get3A_2637 : i32 to index
    %get3A_2639 = arith.constant 320 : index
    %get3A_2640 = tpu.vector_load %arg9[%get3A_2638, %get3A_2639] {strides = array<i32>} : memref<2x768xf32, #tpu.memory_space<vmem>>, vector<16xf32>,
    %get3A_2641 = arith.constant 2 : i32
    %get3A_2642 = arith.index_cast %get3A_2641 : i32 to index
    %get3A_2643 = arith.constant 64 : index
    %get3A_2644 = tpu.vector_load %arg8[%get3A_2642, %get3A_2643] {strides = array<i32>} : memref<8x128xf32, #tpu.memory_space<vmem>>, vector<16xf32>,
    %mul3A_2645 = arith.mulf %get3A_2640, %get3A_2644 : vector<16xf32>
    %add3A_2646 = arith.addf %add3A_2606, %mul3A_2645 : vector<16xf32>
    %get3A_2647 = arith.constant 1 : i32
    %get3A_2648 = arith.index_cast %get3A_2647 : i32 to index
    %get3A_2649 = arith.constant 336 : index
    %get3A_2650 = tpu.vector_load %arg9[%get3A_2648, %get3A_2649] {strides = array<i32>} : memref<2x768xf32, #tpu.memory_space<vmem>>, vector<16xf32>,
    %get3A_2651 = arith.constant 2 : i32
    %get3A_2652 = arith.index_cast %get3A_2651 : i32 to index
    %get3A_2653 = arith.constant 80 : index
    %get3A_2654 = tpu.vector_load %arg8[%get3A_2652, %get3A_2653] {strides = array<i32>} : memref<8x128xf32, #tpu.memory_space<vmem>>, vector<16xf32>,
    %mul3A_2655 = arith.mulf %get3A_2650, %get3A_2654 : vector<16xf32>
    %add3A_2656 = arith.addf %add3A_2616, %mul3A_2655 : vector<16xf32>
    %get3A_2657 = arith.constant 1 : i32
    %get3A_2658 = arith.index_cast %get3A_2657 : i32 to index
    %get3A_2659 = arith.constant 352 : index
    %get3A_2660 = tpu.vector_load %arg9[%get3A_2658, %get3A_2659] {strides = array<i32>} : memref<2x768xf32, #tpu.memory_space<vmem>>, vector<16xf32>,
    %get3A_2661 = arith.constant 2 : i32
    %get3A_2662 = arith.index_cast %get3A_2661 : i32 to index
    %get3A_2663 = arith.constant 96 : index
    %get3A_2664 = tpu.vector_load %arg8[%get3A_2662, %get3A_2663] {strides = array<i32>} : memref<8x128xf32, #tpu.memory_space<vmem>>, vector<16xf32>,
    %mul3A_2665 = arith.mulf %get3A_2660, %get3A_2664 : vector<16xf32>
    %add3A_2666 = arith.addf %add3A_2626, %mul3A_2665 : vector<16xf32>
    %get3A_2667 = arith.constant 1 : i32
    %get3A_2668 = arith.index_cast %get3A_2667 : i32 to index
    %get3A_2669 = arith.constant 368 : index
    %get3A_2670 = tpu.vector_load %arg9[%get3A_2668, %get3A_2669] {strides = array<i32>} : memref<2x768xf32, #tpu.memory_space<vmem>>, vector<16xf32>,
    %get3A_2671 = arith.constant 2 : i32
    %get3A_2672 = arith.index_cast %get3A_2671 : i32 to index
    %get3A_2673 = arith.constant 112 : index
    %get3A_2674 = tpu.vector_load %arg8[%get3A_2672, %get3A_2673] {strides = array<i32>} : memref<8x128xf32, #tpu.memory_space<vmem>>, vector<16xf32>,
    %mul3A_2675 = arith.mulf %get3A_2670, %get3A_2674 : vector<16xf32>
    %add3A_2676 = arith.addf %add3A_2636, %mul3A_2675 : vector<16xf32>
    %get3A_2677 = arith.constant 1 : i32
    %get3A_2678 = arith.index_cast %get3A_2677 : i32 to index
    %get3A_2679 = arith.constant 384 : index
    %get3A_2680 = tpu.vector_load %arg9[%get3A_2678, %get3A_2679] {strides = array<i32>} : memref<2x768xf32, #tpu.memory_space<vmem>>, vector<16xf32>,
    %get3A_2681 = arith.constant 3 : i32
    %get3A_2682 = arith.index_cast %get3A_2681 : i32 to index
    %get3A_2683 = arith.constant 0 : index
    %get3A_2684 = tpu.vector_load %arg8[%get3A_2682, %get3A_2683] {strides = array<i32>} : memref<8x128xf32, #tpu.memory_space<vmem>>, vector<16xf32>,
    %mul3A_2685 = arith.mulf %get3A_2680, %get3A_2684 : vector<16xf32>
    %add3A_2686 = arith.addf %add3A_2646, %mul3A_2685 : vector<16xf32>
    %get3A_2687 = arith.constant 1 : i32
    %get3A_2688 = arith.index_cast %get3A_2687 : i32 to index
    %get3A_2689 = arith.constant 400 : index
    %get3A_2690 = tpu.vector_load %arg9[%get3A_2688, %get3A_2689] {strides = array<i32>} : memref<2x768xf32, #tpu.memory_space<vmem>>, vector<16xf32>,
    %get3A_2691 = arith.constant 3 : i32
    %get3A_2692 = arith.index_cast %get3A_2691 : i32 to index
    %get3A_2693 = arith.constant 16 : index
    %get3A_2694 = tpu.vector_load %arg8[%get3A_2692, %get3A_2693] {strides = array<i32>} : memref<8x128xf32, #tpu.memory_space<vmem>>, vector<16xf32>,
    %mul3A_2695 = arith.mulf %get3A_2690, %get3A_2694 : vector<16xf32>
    %add3A_2696 = arith.addf %add3A_2656, %mul3A_2695 : vector<16xf32>
    %get3A_2697 = arith.constant 1 : i32
    %get3A_2698 = arith.index_cast %get3A_2697 : i32 to index
    %get3A_2699 = arith.constant 416 : index
    %get3A_2700 = tpu.vector_load %arg9[%get3A_2698, %get3A_2699] {strides = array<i32>} : memref<2x768xf32, #tpu.memory_space<vmem>>, vector<16xf32>,
    %get3A_2701 = arith.constant 3 : i32
    %get3A_2702 = arith.index_cast %get3A_2701 : i32 to index
    %get3A_2703 = arith.constant 32 : index
    %get3A_2704 = tpu.vector_load %arg8[%get3A_2702, %get3A_2703] {strides = array<i32>} : memref<8x128xf32, #tpu.memory_space<vmem>>, vector<16xf32>,
    %mul3A_2705 = arith.mulf %get3A_2700, %get3A_2704 : vector<16xf32>
    %add3A_2706 = arith.addf %add3A_2666, %mul3A_2705 : vector<16xf32>
    %get3A_2707 = arith.constant 1 : i32
    %get3A_2708 = arith.index_cast %get3A_2707 : i32 to index
    %get3A_2709 = arith.constant 432 : index
    %get3A_2710 = tpu.vector_load %arg9[%get3A_2708, %get3A_2709] {strides = array<i32>} : memref<2x768xf32, #tpu.memory_space<vmem>>, vector<16xf32>,
    %get3A_2711 = arith.constant 3 : i32
    %get3A_2712 = arith.index_cast %get3A_2711 : i32 to index
    %get3A_2713 = arith.constant 48 : index
    %get3A_2714 = tpu.vector_load %arg8[%get3A_2712, %get3A_2713] {strides = array<i32>} : memref<8x128xf32, #tpu.memory_space<vmem>>, vector<16xf32>,
    %mul3A_2715 = arith.mulf %get3A_2710, %get3A_2714 : vector<16xf32>
    %add3A_2716 = arith.addf %add3A_2676, %mul3A_2715 : vector<16xf32>
    %get3A_2717 = arith.constant 1 : i32
    %get3A_2718 = arith.index_cast %get3A_2717 : i32 to index
    %get3A_2719 = arith.constant 448 : index
    %get3A_2720 = tpu.vector_load %arg9[%get3A_2718, %get3A_2719] {strides = array<i32>} : memref<2x768xf32, #tpu.memory_space<vmem>>, vector<16xf32>,
    %get3A_2721 = arith.constant 3 : i32
    %get3A_2722 = arith.index_cast %get3A_2721 : i32 to index
    %get3A_2723 = arith.constant 64 : index
    %get3A_2724 = tpu.vector_load %arg8[%get3A_2722, %get3A_2723] {strides = array<i32>} : memref<8x128xf32, #tpu.memory_space<vmem>>, vector<16xf32>,
    %mul3A_2725 = arith.mulf %get3A_2720, %get3A_2724 : vector<16xf32>
    %add3A_2726 = arith.addf %add3A_2686, %mul3A_2725 : vector<16xf32>
    %get3A_2727 = arith.constant 1 : i32
    %get3A_2728 = arith.index_cast %get3A_2727 : i32 to index
    %get3A_2729 = arith.constant 464 : index
    %get3A_2730 = tpu.vector_load %arg9[%get3A_2728, %get3A_2729] {strides = array<i32>} : memref<2x768xf32, #tpu.memory_space<vmem>>, vector<16xf32>,
    %get3A_2731 = arith.constant 3 : i32
    %get3A_2732 = arith.index_cast %get3A_2731 : i32 to index
    %get3A_2733 = arith.constant 80 : index
    %get3A_2734 = tpu.vector_load %arg8[%get3A_2732, %get3A_2733] {strides = array<i32>} : memref<8x128xf32, #tpu.memory_space<vmem>>, vector<16xf32>,
    %mul3A_2735 = arith.mulf %get3A_2730, %get3A_2734 : vector<16xf32>
    %add3A_2736 = arith.addf %add3A_2696, %mul3A_2735 : vector<16xf32>
    %get3A_2737 = arith.constant 1 : i32
    %get3A_2738 = arith.index_cast %get3A_2737 : i32 to index
    %get3A_2739 = arith.constant 480 : index
    %get3A_2740 = tpu.vector_load %arg9[%get3A_2738, %get3A_2739] {strides = array<i32>} : memref<2x768xf32, #tpu.memory_space<vmem>>, vector<16xf32>,
    %get3A_2741 = arith.constant 3 : i32
    %get3A_2742 = arith.index_cast %get3A_2741 : i32 to index
    %get3A_2743 = arith.constant 96 : index
    %get3A_2744 = tpu.vector_load %arg8[%get3A_2742, %get3A_2743] {strides = array<i32>} : memref<8x128xf32, #tpu.memory_space<vmem>>, vector<16xf32>,
    %mul3A_2745 = arith.mulf %get3A_2740, %get3A_2744 : vector<16xf32>
    %add3A_2746 = arith.addf %add3A_2706, %mul3A_2745 : vector<16xf32>
    %get3A_2747 = arith.constant 1 : i32
    %get3A_2748 = arith.index_cast %get3A_2747 : i32 to index
    %get3A_2749 = arith.constant 496 : index
    %get3A_2750 = tpu.vector_load %arg9[%get3A_2748, %get3A_2749] {strides = array<i32>} : memref<2x768xf32, #tpu.memory_space<vmem>>, vector<16xf32>,
    %get3A_2751 = arith.constant 3 : i32
    %get3A_2752 = arith.index_cast %get3A_2751 : i32 to index
    %get3A_2753 = arith.constant 112 : index
    %get3A_2754 = tpu.vector_load %arg8[%get3A_2752, %get3A_2753] {strides = array<i32>} : memref<8x128xf32, #tpu.memory_space<vmem>>, vector<16xf32>,
    %mul3A_2755 = arith.mulf %get3A_2750, %get3A_2754 : vector<16xf32>
    %add3A_2756 = arith.addf %add3A_2716, %mul3A_2755 : vector<16xf32>
    %get3A_2757 = arith.constant 1 : i32
    %get3A_2758 = arith.index_cast %get3A_2757 : i32 to index
    %get3A_2759 = arith.constant 512 : index
    %get3A_2760 = tpu.vector_load %arg9[%get3A_2758, %get3A_2759] {strides = array<i32>} : memref<2x768xf32, #tpu.memory_space<vmem>>, vector<16xf32>,
    %get3A_2761 = arith.constant 4 : i32
    %get3A_2762 = arith.index_cast %get3A_2761 : i32 to index
    %get3A_2763 = arith.constant 0 : index
    %get3A_2764 = tpu.vector_load %arg8[%get3A_2762, %get3A_2763] {strides = array<i32>} : memref<8x128xf32, #tpu.memory_space<vmem>>, vector<16xf32>,
    %mul3A_2765 = arith.mulf %get3A_2760, %get3A_2764 : vector<16xf32>
    %add3A_2766 = arith.addf %add3A_2726, %mul3A_2765 : vector<16xf32>
    %get3A_2767 = arith.constant 1 : i32
    %get3A_2768 = arith.index_cast %get3A_2767 : i32 to index
    %get3A_2769 = arith.constant 528 : index
    %get3A_2770 = tpu.vector_load %arg9[%get3A_2768, %get3A_2769] {strides = array<i32>} : memref<2x768xf32, #tpu.memory_space<vmem>>, vector<16xf32>,
    %get3A_2771 = arith.constant 4 : i32
    %get3A_2772 = arith.index_cast %get3A_2771 : i32 to index
    %get3A_2773 = arith.constant 16 : index
    %get3A_2774 = tpu.vector_load %arg8[%get3A_2772, %get3A_2773] {strides = array<i32>} : memref<8x128xf32, #tpu.memory_space<vmem>>, vector<16xf32>,
    %mul3A_2775 = arith.mulf %get3A_2770, %get3A_2774 : vector<16xf32>
    %add3A_2776 = arith.addf %add3A_2736, %mul3A_2775 : vector<16xf32>
    %get3A_2777 = arith.constant 1 : i32
    %get3A_2778 = arith.index_cast %get3A_2777 : i32 to index
    %get3A_2779 = arith.constant 544 : index
    %get3A_2780 = tpu.vector_load %arg9[%get3A_2778, %get3A_2779] {strides = array<i32>} : memref<2x768xf32, #tpu.memory_space<vmem>>, vector<16xf32>,
    %get3A_2781 = arith.constant 4 : i32
    %get3A_2782 = arith.index_cast %get3A_2781 : i32 to index
    %get3A_2783 = arith.constant 32 : index
    %get3A_2784 = tpu.vector_load %arg8[%get3A_2782, %get3A_2783] {strides = array<i32>} : memref<8x128xf32, #tpu.memory_space<vmem>>, vector<16xf32>,
    %mul3A_2785 = arith.mulf %get3A_2780, %get3A_2784 : vector<16xf32>
    %add3A_2786 = arith.addf %add3A_2746, %mul3A_2785 : vector<16xf32>
    %get3A_2787 = arith.constant 1 : i32
    %get3A_2788 = arith.index_cast %get3A_2787 : i32 to index
    %get3A_2789 = arith.constant 560 : index
    %get3A_2790 = tpu.vector_load %arg9[%get3A_2788, %get3A_2789] {strides = array<i32>} : memref<2x768xf32, #tpu.memory_space<vmem>>, vector<16xf32>,
    %get3A_2791 = arith.constant 4 : i32
    %get3A_2792 = arith.index_cast %get3A_2791 : i32 to index
    %get3A_2793 = arith.constant 48 : index
    %get3A_2794 = tpu.vector_load %arg8[%get3A_2792, %get3A_2793] {strides = array<i32>} : memref<8x128xf32, #tpu.memory_space<vmem>>, vector<16xf32>,
    %mul3A_2795 = arith.mulf %get3A_2790, %get3A_2794 : vector<16xf32>
    %add3A_2796 = arith.addf %add3A_2756, %mul3A_2795 : vector<16xf32>
    %get3A_2797 = arith.constant 1 : i32
    %get3A_2798 = arith.index_cast %get3A_2797 : i32 to index
    %get3A_2799 = arith.constant 576 : index
    %get3A_2800 = tpu.vector_load %arg9[%get3A_2798, %get3A_2799] {strides = array<i32>} : memref<2x768xf32, #tpu.memory_space<vmem>>, vector<16xf32>,
    %get3A_2801 = arith.constant 4 : i32
    %get3A_2802 = arith.index_cast %get3A_2801 : i32 to index
    %get3A_2803 = arith.constant 64 : index
    %get3A_2804 = tpu.vector_load %arg8[%get3A_2802, %get3A_2803] {strides = array<i32>} : memref<8x128xf32, #tpu.memory_space<vmem>>, vector<16xf32>,
    %mul3A_2805 = arith.mulf %get3A_2800, %get3A_2804 : vector<16xf32>
    %add3A_2806 = arith.addf %add3A_2766, %mul3A_2805 : vector<16xf32>
    %get3A_2807 = arith.constant 1 : i32
    %get3A_2808 = arith.index_cast %get3A_2807 : i32 to index
    %get3A_2809 = arith.constant 592 : index
    %get3A_2810 = tpu.vector_load %arg9[%get3A_2808, %get3A_2809] {strides = array<i32>} : memref<2x768xf32, #tpu.memory_space<vmem>>, vector<16xf32>,
    %get3A_2811 = arith.constant 4 : i32
    %get3A_2812 = arith.index_cast %get3A_2811 : i32 to index
    %get3A_2813 = arith.constant 80 : index
    %get3A_2814 = tpu.vector_load %arg8[%get3A_2812, %get3A_2813] {strides = array<i32>} : memref<8x128xf32, #tpu.memory_space<vmem>>, vector<16xf32>,
    %mul3A_2815 = arith.mulf %get3A_2810, %get3A_2814 : vector<16xf32>
    %add3A_2816 = arith.addf %add3A_2776, %mul3A_2815 : vector<16xf32>
    %get3A_2817 = arith.constant 1 : i32
    %get3A_2818 = arith.index_cast %get3A_2817 : i32 to index
    %get3A_2819 = arith.constant 608 : index
    %get3A_2820 = tpu.vector_load %arg9[%get3A_2818, %get3A_2819] {strides = array<i32>} : memref<2x768xf32, #tpu.memory_space<vmem>>, vector<16xf32>,
    %get3A_2821 = arith.constant 4 : i32
    %get3A_2822 = arith.index_cast %get3A_2821 : i32 to index
    %get3A_2823 = arith.constant 96 : index
    %get3A_2824 = tpu.vector_load %arg8[%get3A_2822, %get3A_2823] {strides = array<i32>} : memref<8x128xf32, #tpu.memory_space<vmem>>, vector<16xf32>,
    %mul3A_2825 = arith.mulf %get3A_2820, %get3A_2824 : vector<16xf32>
    %add3A_2826 = arith.addf %add3A_2786, %mul3A_2825 : vector<16xf32>
    %get3A_2827 = arith.constant 1 : i32
    %get3A_2828 = arith.index_cast %get3A_2827 : i32 to index
    %get3A_2829 = arith.constant 624 : index
    %get3A_2830 = tpu.vector_load %arg9[%get3A_2828, %get3A_2829] {strides = array<i32>} : memref<2x768xf32, #tpu.memory_space<vmem>>, vector<16xf32>,
    %get3A_2831 = arith.constant 4 : i32
    %get3A_2832 = arith.index_cast %get3A_2831 : i32 to index
    %get3A_2833 = arith.constant 112 : index
    %get3A_2834 = tpu.vector_load %arg8[%get3A_2832, %get3A_2833] {strides = array<i32>} : memref<8x128xf32, #tpu.memory_space<vmem>>, vector<16xf32>,
    %mul3A_2835 = arith.mulf %get3A_2830, %get3A_2834 : vector<16xf32>
    %add3A_2836 = arith.addf %add3A_2796, %mul3A_2835 : vector<16xf32>
    %get3A_2837 = arith.constant 1 : i32
    %get3A_2838 = arith.index_cast %get3A_2837 : i32 to index
    %get3A_2839 = arith.constant 640 : index
    %get3A_2840 = tpu.vector_load %arg9[%get3A_2838, %get3A_2839] {strides = array<i32>} : memref<2x768xf32, #tpu.memory_space<vmem>>, vector<16xf32>,
    %get3A_2841 = arith.constant 5 : i32
    %get3A_2842 = arith.index_cast %get3A_2841 : i32 to index
    %get3A_2843 = arith.constant 0 : index
    %get3A_2844 = tpu.vector_load %arg8[%get3A_2842, %get3A_2843] {strides = array<i32>} : memref<8x128xf32, #tpu.memory_space<vmem>>, vector<16xf32>,
    %mul3A_2845 = arith.mulf %get3A_2840, %get3A_2844 : vector<16xf32>
    %add3A_2846 = arith.addf %add3A_2806, %mul3A_2845 : vector<16xf32>
    %get3A_2847 = arith.constant 1 : i32
    %get3A_2848 = arith.index_cast %get3A_2847 : i32 to index
    %get3A_2849 = arith.constant 656 : index
    %get3A_2850 = tpu.vector_load %arg9[%get3A_2848, %get3A_2849] {strides = array<i32>} : memref<2x768xf32, #tpu.memory_space<vmem>>, vector<16xf32>,
    %get3A_2851 = arith.constant 5 : i32
    %get3A_2852 = arith.index_cast %get3A_2851 : i32 to index
    %get3A_2853 = arith.constant 16 : index
    %get3A_2854 = tpu.vector_load %arg8[%get3A_2852, %get3A_2853] {strides = array<i32>} : memref<8x128xf32, #tpu.memory_space<vmem>>, vector<16xf32>,
    %mul3A_2855 = arith.mulf %get3A_2850, %get3A_2854 : vector<16xf32>
    %add3A_2856 = arith.addf %add3A_2816, %mul3A_2855 : vector<16xf32>
    %get3A_2857 = arith.constant 1 : i32
    %get3A_2858 = arith.index_cast %get3A_2857 : i32 to index
    %get3A_2859 = arith.constant 672 : index
    %get3A_2860 = tpu.vector_load %arg9[%get3A_2858, %get3A_2859] {strides = array<i32>} : memref<2x768xf32, #tpu.memory_space<vmem>>, vector<16xf32>,
    %get3A_2861 = arith.constant 5 : i32
    %get3A_2862 = arith.index_cast %get3A_2861 : i32 to index
    %get3A_2863 = arith.constant 32 : index
    %get3A_2864 = tpu.vector_load %arg8[%get3A_2862, %get3A_2863] {strides = array<i32>} : memref<8x128xf32, #tpu.memory_space<vmem>>, vector<16xf32>,
    %mul3A_2865 = arith.mulf %get3A_2860, %get3A_2864 : vector<16xf32>
    %add3A_2866 = arith.addf %add3A_2826, %mul3A_2865 : vector<16xf32>
    %get3A_2867 = arith.constant 1 : i32
    %get3A_2868 = arith.index_cast %get3A_2867 : i32 to index
    %get3A_2869 = arith.constant 688 : index
    %get3A_2870 = tpu.vector_load %arg9[%get3A_2868, %get3A_2869] {strides = array<i32>} : memref<2x768xf32, #tpu.memory_space<vmem>>, vector<16xf32>,
    %get3A_2871 = arith.constant 5 : i32
    %get3A_2872 = arith.index_cast %get3A_2871 : i32 to index
    %get3A_2873 = arith.constant 48 : index
    %get3A_2874 = tpu.vector_load %arg8[%get3A_2872, %get3A_2873] {strides = array<i32>} : memref<8x128xf32, #tpu.memory_space<vmem>>, vector<16xf32>,
    %mul3A_2875 = arith.mulf %get3A_2870, %get3A_2874 : vector<16xf32>
    %add3A_2876 = arith.addf %add3A_2836, %mul3A_2875 : vector<16xf32>
    %get3A_2877 = arith.constant 1 : i32
    %get3A_2878 = arith.index_cast %get3A_2877 : i32 to index
    %get3A_2879 = arith.constant 704 : index
    %get3A_2880 = tpu.vector_load %arg9[%get3A_2878, %get3A_2879] {strides = array<i32>} : memref<2x768xf32, #tpu.memory_space<vmem>>, vector<16xf32>,
    %get3A_2881 = arith.constant 5 : i32
    %get3A_2882 = arith.index_cast %get3A_2881 : i32 to index
    %get3A_2883 = arith.constant 64 : index
    %get3A_2884 = tpu.vector_load %arg8[%get3A_2882, %get3A_2883] {strides = array<i32>} : memref<8x128xf32, #tpu.memory_space<vmem>>, vector<16xf32>,
    %mul3A_2885 = arith.mulf %get3A_2880, %get3A_2884 : vector<16xf32>
    %add3A_2886 = arith.addf %add3A_2846, %mul3A_2885 : vector<16xf32>
    %get3A_2887 = arith.constant 1 : i32
    %get3A_2888 = arith.index_cast %get3A_2887 : i32 to index
    %get3A_2889 = arith.constant 720 : index
    %get3A_2890 = tpu.vector_load %arg9[%get3A_2888, %get3A_2889] {strides = array<i32>} : memref<2x768xf32, #tpu.memory_space<vmem>>, vector<16xf32>,
    %get3A_2891 = arith.constant 5 : i32
    %get3A_2892 = arith.index_cast %get3A_2891 : i32 to index
    %get3A_2893 = arith.constant 80 : index
    %get3A_2894 = tpu.vector_load %arg8[%get3A_2892, %get3A_2893] {strides = array<i32>} : memref<8x128xf32, #tpu.memory_space<vmem>>, vector<16xf32>,
    %mul3A_2895 = arith.mulf %get3A_2890, %get3A_2894 : vector<16xf32>
    %add3A_2896 = arith.addf %add3A_2856, %mul3A_2895 : vector<16xf32>
    %get3A_2897 = arith.constant 1 : i32
    %get3A_2898 = arith.index_cast %get3A_2897 : i32 to index
    %get3A_2899 = arith.constant 736 : index
    %get3A_2900 = tpu.vector_load %arg9[%get3A_2898, %get3A_2899] {strides = array<i32>} : memref<2x768xf32, #tpu.memory_space<vmem>>, vector<16xf32>,
    %get3A_2901 = arith.constant 5 : i32
    %get3A_2902 = arith.index_cast %get3A_2901 : i32 to index
    %get3A_2903 = arith.constant 96 : index
    %get3A_2904 = tpu.vector_load %arg8[%get3A_2902, %get3A_2903] {strides = array<i32>} : memref<8x128xf32, #tpu.memory_space<vmem>>, vector<16xf32>,
    %mul3A_2905 = arith.mulf %get3A_2900, %get3A_2904 : vector<16xf32>
    %add3A_2906 = arith.addf %add3A_2866, %mul3A_2905 : vector<16xf32>
    %get3A_2907 = arith.constant 1 : i32
    %get3A_2908 = arith.index_cast %get3A_2907 : i32 to index
    %get3A_2909 = arith.constant 752 : index
    %get3A_2910 = tpu.vector_load %arg9[%get3A_2908, %get3A_2909] {strides = array<i32>} : memref<2x768xf32, #tpu.memory_space<vmem>>, vector<16xf32>,
    %get3A_2911 = arith.constant 5 : i32
    %get3A_2912 = arith.index_cast %get3A_2911 : i32 to index
    %get3A_2913 = arith.constant 112 : index
    %get3A_2914 = tpu.vector_load %arg8[%get3A_2912, %get3A_2913] {strides = array<i32>} : memref<8x128xf32, #tpu.memory_space<vmem>>, vector<16xf32>,
    %mul3A_2915 = arith.mulf %get3A_2910, %get3A_2914 : vector<16xf32>
    %add3A_2916 = arith.addf %add3A_2876, %mul3A_2915 : vector<16xf32>
    %add3A_2917 = arith.addf %add3A_2886, %add3A_2896 : vector<16xf32>
    %add3A_2918 = arith.addf %add3A_2917, %add3A_2906 : vector<16xf32>
    %add3A_2919 = arith.addf %add3A_2918, %add3A_2916 : vector<16xf32>
    %reduce_sum3A_2920 = arith.constant true
    %reduce_sum3A_2921 = vector.broadcast %reduce_sum3A_2920 : i1 to vector<16xi1>
    %reduce_sum3A_2922 = tpu.scan <sum>, %add3A_2919 masked %reduce_sum3A_2921 : vector<16xf32>, vector<16xi1> -> vector<16xf32>
    %reduce_sum3A_2923 = vector.extract %reduce_sum3A_2922[15] : f32 from vector<16xf32>
    %add3A_2924 = vector.broadcast %reduce_sum3A_2923 : f32 to vector<16xf32>
    %add3A_2925 = arith.addf %gather3A, %add3A_2924 : vector<16xf32>
    %swap3A_2926 = arith.constant 0 : index
    %swap3A_2927 = tpu.vector_load %arg11[%swap3A_2926] {strides = array<i32>} : memref<16xf32, #tpu.memory_space<vmem>>, vector<16xf32>,
    tpu.vector_store %arg11[%swap3A_2926], %add3A_2925 {strides = array<i32>} : memref<16xf32, #tpu.memory_space<vmem>>, vector<16xf32>,
    %mul3A_2928 = arith.constant 2 : i32
    %mul3A_2929 = arith.muli %arg1, %mul3A_2928 : i32
    %add3A_2930 = arith.constant 1 : i32
    %add3A_2931 = arith.addi %mul3A_2929, %add3A_2930 : i32
    "tpu.region"() ({
      %run_scoped3A = tpu.sem_alloc : memref<!tpu.dma_semaphore, #tpu.memory_space<semaphore_mem>>
      %dma_start3A_2932 = arith.constant 0 : i32
      %dma_start3A_2933 = tpu.memref_slice %arg6[%add3A_2931, %dma_start3A_2932] : memref<32x16xf32, #tpu.memory_space<hbm>> -> memref<1x16xf32, #tpu.memory_space<hbm>>
      %dma_start3A_2934 = tpu.memref_squeeze %dma_start3A_2933 : memref<1x16xf32, #tpu.memory_space<hbm>> -> memref<16xf32, #tpu.memory_space<hbm>>
      %dma_start3A_2935 = arith.constant 0 : i32
      %dma_start3A_2936 = tpu.memref_slice %arg6[%add3A_2931, %dma_start3A_2935] : memref<32x16xf32, #tpu.memory_space<hbm>> -> memref<1x16xf32, #tpu.memory_space<hbm>>
      %dma_start3A_2937 = tpu.memref_squeeze %dma_start3A_2936 : memref<1x16xf32, #tpu.memory_space<hbm>> -> memref<16xf32, #tpu.memory_space<hbm>>
      tpu.enqueue_dma source(%arg11 : memref<16xf32, #tpu.memory_space<vmem>>) target(%dma_start3A_2937 : memref<16xf32, #tpu.memory_space<hbm>>) target_semaphore(%run_scoped3A : memref<!tpu.dma_semaphore, #tpu.memory_space<semaphore_mem>>)
      %dma_wait3A_2938 = arith.constant 0 : i32
      %dma_wait3A_2939 = tpu.memref_slice %arg6[%add3A_2931, %dma_wait3A_2938] : memref<32x16xf32, #tpu.memory_space<hbm>> -> memref<1x16xf32, #tpu.memory_space<hbm>>
      %dma_wait3A_2940 = tpu.memref_squeeze %dma_wait3A_2939 : memref<1x16xf32, #tpu.memory_space<hbm>> -> memref<16xf32, #tpu.memory_space<hbm>>
      %dma_wait3A_2941 = arith.constant 0 : i32
      %dma_wait3A_2942 = tpu.memref_slice %arg6[%add3A_2931, %dma_wait3A_2941] : memref<32x16xf32, #tpu.memory_space<hbm>> -> memref<1x16xf32, #tpu.memory_space<hbm>>
      %dma_wait3A_2943 = tpu.memref_squeeze %dma_wait3A_2942 : memref<1x16xf32, #tpu.memory_space<hbm>> -> memref<16xf32, #tpu.memory_space<hbm>>
      tpu.wait_dma2 semaphore(%run_scoped3A : memref<!tpu.dma_semaphore, #tpu.memory_space<semaphore_mem>>) src(%arg11 : memref<16xf32, #tpu.memory_space<vmem>>) dst(%dma_wait3A_2943 : memref<16xf32, #tpu.memory_space<hbm>>)
      tpu.yield
    }) : () -> ()
    return
  }
}

</mosaic_0001>

<sc_bundles>
// kernel: _mc_head.3.cloned.1.call-start
scs
__scs_entry_jumppad:
0x0: {  	(pc) =	sbr.rel $0x88, $3  }
0x1: {  	(tag) =	ssettag $0x0;
	lr =	simm.s32 $0x1  }
0x2: {  	[smem:$0x3F9D] =	sst lr;
	_ =	strace $0xD0000000  }
0x3: {  	_ = 	snop  }
0x4: {  	_ = 	snop  }
0x5: {  	_ = 	snop  }
0x6: {  	_ = 	snop  }
0x7: {  	_ = 	snop  }
__scs_overlays_trampoline_lowered:
0x8: {  	[smem:$0x3FAC] =	sst s0  }
0x9: {  	[smem:$0x3FAD] =	sst s1  }
0xa: {  	[smem:$0x3FAE] =	sst s2  }
0xb: {  	[smem:$0x3FAF] =	sst s3  }
0xc: {  	[smem:$0x3FB0] =	sst s4  }
0xd: {  	[smem:$0x3FB1] =	sst s5  }
0xe: {  	[smem:$0x3FB2] =	sst s6  }
0xf: {  	[smem:$0x3FB3] =	sst s7  }
0x10: {  	[smem:$0x3FB4] =	sst s8  }
0x11: {  	[smem:$0x3FB5] =	sst s9;
	s0 =	simm.s32 @!p0 $0x0  }
0x12: {  	s1 =	sld [smem:$0x3F9B];
	s0 =	simm.s32 @p0 $0x1  }
0x13: {  	[smem:$0x3FB6] =	sst s0;
	s0 =	simm.s32 @!p1 $0x0  }
0x14: {  	s2 =	sld [smem:$0x3F9A];
	s0 =	simm.s32 @p1 $0x1  }
0x15: {  	[smem:$0x3FB7] =	sst s0;
	s0 =	simm.s32 @!p2 $0x0  }
0x16: {  	s3 =	sld [smem:$0x3FDB];
	s0 =	simm.s32 @p2 $0x1  }
0x17: {  	s4 =	simm.s32 $0x1BF5;
	[smem:$0x3FB9] =	sst s0  }
0x18: {  	s0 =	sld [smem:$0x3F9C];
	_ =	swait.ge [sflag:s4], $0x0  }
0x19: {  	s7 =	sld [smem:$0x3F9D]  }
0x1a: {  	s8 =	sadd.s32 $0xFFFFE003, lr  }
0x1b: {  	s9 =	sadd.s32 $0xFFFFFEF7, lr;
	s5 =	simm.s32 $0xFFFFFFFF;
	p2 =	slt.u32 s8, $0xFFFFF086  }
0x1c: {  	p1 =	slt.u32 s9, $0xF7A;
	s5 =	simm.s32 @!p2 $0x0  }
0x1d: {  	s5 =	simm.s32 @p1 $0x1;
	p0 =	seq.s32 s7, s2  }
0x1e: {  	s7 =	smul.u32 @!p0 $0xF7A, s2;
	p2 =	seq.s32 @!p0 s5, $0x0  }
0x1f: {  	s9 =	smul.u32 $0xF7A, s1;
	s8 =	simm.s32 @!p0 $0x1BF5;
	p2 =	por !p2, p0  }
0x20: {  	[sflag:s8] =	ssyncset.s32 @!p0 $0xFFFFF086;
	s6 =	sadd.s32 @!p0 s3, s7;
	s7 =	simm.s32 @!p0 $0x108  }
0x21: {  	s3 =	sadd.s32 s3, s9;
	s6 =	sadd.s32 @!p0 $0x88, s6;
	s7 =	simm.s32 @p2 $0x1082  }
0x22: {  	[simem:s7], [sflag:s8] =	dma.local @!p0 [hbm:s6], $0xF7A  }
0x23: {  	s9 =	sor.u32 $0xD0000000, s2;
	s6 =	simm.s32 $0x108;
	_ =	swait.ge @!p0 [sflag:s8], $0x0  }
0x24: {  	s3 =	sadd.s32 $0x88, s3;
	s6 =	simm.s32 @!p1 $0x1082;
	[sflag:s4] =	ssyncset.s32 $0xFFFFF086  }
0x25: {  	[simem:s6], [sflag:s4] =	dma.local [hbm:s3], $0xF7A  }
0x26: {  	[smem:$0x3F9D] =	sst s1;
	(tag) =	ssettag s2;
	_ =	strace s9  }
0x27: {  	s1 =	sld [smem:$0x3FAD]  }
0x28: {  	s2 =	sld [smem:$0x3FAE]  }
0x29: {  	s4 =	sld [smem:$0x3FB0]  }
0x2a: {  	p0 =	seq.s32 s5, $0x0;
	s5 =	sld [smem:$0x3FB1]  }
0x2b: {  	s6 =	sld [smem:$0x3FB2]  }
0x2c: {  	s7 =	sld [smem:$0x3FB3]  }
0x2d: {  	s3 =	simm.s32 $0x108;
	s8 =	sld [smem:$0x3FB4]  }
0x2e: {  	s3 =	simm.s32 @!p0 $0x1082;
	s9 =	sld [smem:$0x3FB5]  }
0x2f: {  	lr =	sadd.s32 s0, s3;
	s0 =	sld [smem:$0x3FAC]  }
0x30: {  	s3 =	sld [smem:$0x3FAF]  }
0x31: {  	[smem:$0x3FB8] =	sst s10  }
0x32: {  	s10 =	sld [smem:$0x3FB6];
	_ =	sdelay $0x3  }
0x33: {  	p0 =	seq.s32 s10, $0x1;
	s10 =	sld [smem:$0x3FB8];
	_ =	sdelay $0x3  }
0x34: {  	[smem:$0x3FB8] =	sst s10  }
0x35: {  	s10 =	sld [smem:$0x3FB7];
	_ =	sdelay $0x3  }
0x36: {  	p1 =	seq.s32 s10, $0x1;
	s10 =	sld [smem:$0x3FB8];
	_ =	sdelay $0x3  }
0x37: {  	[smem:$0x3FB8] =	sst s10  }
0x38: {  	s10 =	sld [smem:$0x3FB9]  }
0x39: {  	_ = 	snop;
	(pc) =	sbr.ind lr, $3  }
0x3a: {  	_ = 	snop  }
0x3b: {  	_ = 	snop  }
0x3c: {  	p2 =	seq.s32 s10, $0x1;
	s10 =	sld [smem:$0x3FB8]  }
0x3d: {  	_ =	shalt  }
0x3e: {  	_ =	shalt  }
0x3f: {  	_ =	shalt  }
0x40: {  	_ =	shalt  }
0x41: {  	_ =	shalt  }
0x42: {  	_ =	shalt  }
0x43: {  	_ =	shalt  }
0x44: {  	_ =	shalt  }
0x45: {  	_ =	shalt  }
0x46: {  	_ =	shalt  }
0x47: {  	_ =	shalt  }
0x48: {  	_ =	shalt  }
0x49: {  	_ =	shalt  }
0x4a: {  	_ =	shalt  }
0x4b: {  	_ =	shalt  }
0x4c: {  	_ =	shalt  }
0x4d: {  	_ =	shalt  }
0x4e: {  	_ =	shalt  }
0x4f: {  	_ =	shalt  }
0x50: {  	_ =	shalt  }
0x51: {  	_ =	shalt  }
0x52: {  	_ =	shalt  }
0x53: {  	_ =	shalt  }
0x54: {  	_ =	shalt  }
0x55: {  	_ =	shalt  }
0x56: {  	_ =	shalt  }
0x57: {  	_ =	shalt  }
0x58: {  	_ =	shalt  }
0x59: {  	_ =	shalt  }
0x5a: {  	_ =	shalt  }
0x5b: {  	_ =	shalt  }
0x5c: {  	_ =	shalt  }
0x5d: {  	_ =	shalt  }
0x5e: {  	_ =	shalt  }
0x5f: {  	_ =	shalt  }
0x60: {  	_ =	shalt  }
0x61: {  	_ =	shalt  }
0x62: {  	_ =	shalt  }
0x63: {  	_ =	shalt  }
0x64: {  	_ =	shalt  }
0x65: {  	_ =	shalt  }
0x66: {  	_ =	shalt  }
0x67: {  	_ =	shalt  }
0x68: {  	_ =	shalt  }
0x69: {  	_ =	shalt  }
0x6a: {  	_ =	shalt  }
0x6b: {  	_ =	shalt  }
0x6c: {  	_ =	shalt  }
0x6d: {  	_ =	shalt  }
0x6e: {  	_ =	shalt  }
0x6f: {  	_ =	shalt  }
0x70: {  	_ =	shalt  }
0x71: {  	_ =	shalt  }
0x72: {  	_ =	shalt  }
0x73: {  	_ =	shalt  }
0x74: {  	_ =	shalt  }
0x75: {  	_ =	shalt  }
0x76: {  	_ =	shalt  }
0x77: {  	_ =	shalt  }
0x78: {  	_ =	shalt  }
0x79: {  	_ =	shalt  }
0x7a: {  	_ =	shalt  }
0x7b: {  	_ =	shalt  }
0x7c: {  	_ =	shalt  }
0x7d: {  	_ =	shalt  }
0x7e: {  	_ =	shalt  }
0x7f: {  	_ =	shalt  }
0x80: {  	_ =	shalt  }
0x81: {  	_ =	shalt  }
0x82: {  	_ =	shalt  }
0x83: {  	_ =	shalt  }
0x84: {  	_ =	shalt  }
0x85: {  	_ =	shalt  }
0x86: {  	_ =	shalt  }
0x87: {  	_ =	shalt  }
.Lfunc_end0:
.L_simem_size_0:
called_computation_lowered:
.L_overlay_start_0:
0x88: {  	s0 =	sld [smem:$0x3FD9]  }
0x89: {  	s1 =	sld [smem:$0x3FFE];
	_ =	sdelay $0x3  }
0x8a: {  	s0 =	sadd.s32 s1, s0  }
0x8b: {  	[smem:$0x3FC4] =	sst s0  }
0x8c: {  	_ = 	snop  }
0x8d: {  	s0 =	sld [smem:$0x3FC9]  }
0x8e: {  	s16 =	sld [smem:$0x3FC8]  }
0x8f: {  	s2 =	sld [smem:$0x3FC7]  }
0x90: {  	s3 =	sld [smem:$0x3FC6];
	(tm) =	ssettm $0x1  }
0x91: {  	s4 =	sld [smem:$0x3FFB];
	_ =	sdelay $0x3  }
0x92: {  	_ =	strace s4  }
0x93: {  	s4 =	sld [smem:$0x3FFC];
	_ =	sdelay $0x3  }
0x94: {  	_ =	strace s4  }
0x95: {  	s4 =	sld [smem:$0x3FFD];
	_ =	sdelay $0x3  }
0x96: {  	_ =	strace s4  }
0x97: {  	_ =	strace $0x8FFFFFFF  }
0x98: {  	s17 =	sld [smem:$0x3FDB];
	_ =	sdelay $0x1  }
0x99: {  	s5 =	simm.s32 $_scs_section_size  }
0x9a: {  	s6 =	simm.s32 $_size__tile_overlayer_lowered;
	s7 =	simm.s32 $_tile_overlayer_lowered  }
0x9b: {  	s20 =	simm.s32 $0x1BFF;
	s19 =	sshll.u32 s7, $0x1;
	s4 =	sadd.s32 s5, s17  }
0x9c: {  	s8 =	simm.s32 $0x0;
	s18 =	sshll.u32 s6, $0x1;
	s6 =	sadd.s32 s19, s4  }
0x9d: {  	[timem:s8], [sflag:s20] =	dma.local [hbm:s6], s18  }
0x9e: {  	_ =	swait.ge [sflag:s20], s18  }
0x9f: {  	s5 =	ssub.s32 $0x0, s18;
	[sflag:s20] =	ssyncset.done $0x0  }
0xa0: {  	[sflag:s20] =	ssyncadd.s32 s5;
	_ =	sdelay $0x1  }
0xa1: {  	s21 =	simm.s32 $0x1B8B  }
0xa2: {  	_ =	swait.ge [sflag:s21], $0x1  }
0xa3: {  	[sflag:s21] =	ssyncset.done $0x0  }
0xa4: {  	s23 =	simm.s32 $0x1B8E;
	s22 =	sld [smem:$0x3FFE];
	[sflag:s21] =	ssyncadd.s32 $0xFFFFFFFF  }
0xa5: {  	s24 =	simm.s32 $execute0_lowered;
	[smem:$0x3FD2] =	sst s23  }
0xa6: {  	s6 =	sshll.u32 s24, $0x1;
	_ =	strace $0x80000046;
	[dreg:$0x1] =	wrdreg $0xFFFFFFFF  }
0xa7: {  	s25 =	simm.s32 $_size_execute0_lowered;
	s4 =	sadd.s32 s4, s6;
	[dreg:$0x0] =	wrdreg $0x0  }
0xa8: {  	s6 =	sshll.u32 s25, $0x1;
	[dreg:$0x2] =	wrdreg s4  }
0xa9: {  	[dreg:$0x3] =	wrdreg s6  }
0xaa: {  	[dreg:$0x4] =	wrdreg $0xC0  }
0xab: {  	_ =	task [dreg:s8], $0x5FFFF  }
0xac: {  	[dreg:$0x1] =	wrdreg $0xFFFFFFFF  }
0xad: {  	[dreg:$0x0] =	wrdreg $0x60  }
0xae: {  	[dreg:$0x2] =	wrdreg s0  }
0xaf: {  	[dreg:$0x3] =	wrdreg s16  }
0xb0: {  	[dreg:$0x4] =	wrdreg s2  }
0xb1: {  	[dreg:$0x5] =	wrdreg s3  }
0xb2: {  	[dreg:$0x6] =	wrdreg s22  }
0xb3: {  	[dreg:$0x7] =	wrdreg $0x9  }
0xb4: {  	_ =	task.clear_ibuf [dreg:s8], $0x8FFFF;
	_ =	strace $0x90000046  }
0xb5: {  	s26 =	simm.s32 $0x9;
	_ =	strace $0x80000048  }
0xb6: {  	_ =	swait.ge [sflag:s26], $0x1  }
0xb7: {  	[sflag:s26] =	ssyncadd.s32 $0xFFFFFFFF  }
0xb8: {  	_ =	strace $0x90000048  }
0xb9: {  	_ =	sfence  }
0xba: {  	s28 =	sld [smem:$0x0];
	_ =	sdelay $0x1  }
0xbb: {  	s29 =	srdreg.scid  }
0xbc: {  	s30 =	sshll.u32 s29, $0xD;
	s31 =	sshrl.u32 s29, $0x2  }
0xbd: {  	s1 =	sand.u32 $0x1, s29;
	s2 =	sand.u32 $0x4000, s30;
	s0 =	sadd.s32 s31, s28  }
0xbe: {  	s1 =	sor.u32 s2, s1;
	s0 =	sshll.u32 s0, $0x11  }
0xbf: {  	s0 =	sor.u32 s0, s1  }
0xc0: {  	s0 =	sadd.s32 $0x8F2B, s0  }
0xc1: {  	[sflag:s0] =	ssyncadd.remote.s32 $0x1  }
0xc2: {  	_ =	sfence.sel $0xFFFF  }
0xc3: {  	[dreg:$0x0] =	wrdreg $0xFFFFFFFF;
	(pc) =	sbr.abs _section_cstart, $3  }
0xc4: {  	[dreg:$0x1] =	wrdreg $0xFFFFFFFF  }
0xc5: {  	_ =	task.clear_ibuf [dreg:s8], $0x2FFFF;
	_ =	strace $0x9FFFFFFF  }
0xc6: {  	(tm) =	ssettm $0x7FFFFFFF  }
0xc7: {  	_ =	shalt  }
tec
execute0_lowered:
.L_overlay_start_1:
0x0: {  	(tag) =	ssettag $0x1  }
0x1: {  	s3 =	rddreg [dreg:$0x0]  }
0x2: {  	s6 =	rddreg [dreg:$0x1]  }
0x3: {  	s5 =	rddreg [dreg:$0x2]  }
0x4: {  	s7 =	rddreg [dreg:$0x3]  }
0x5: {  	s4 =	rddreg [dreg:$0x4]  }
0x6: {  	s0 =	rddreg [dreg:$0x5];
	s2 =	simm.s32 $0x0  }
0x7: {  	s1 =	stileid.u32;
	[smem:$0x7FF] =	sst s2  }
0x8: {  	s8 =	sshll.u32 s1, $0xA;
	s9 =	sadd.s32 $0x100, s3;
	s3 =	sshllo.u32 s1, $0x1  }
0x9: {  	_ =	strace $0x80000047;
	s8 =	sadd.s32 s8, s9;
	s10 =	sshll.u32 s3, $0x9  }
0xa: {  	[tilespmem:s2], [sflag:$0x1] =	stream.linear.gather [hbm4b:s8+s2], $0x800, $0x38;
	[tilespmem:$0x1B00] =	vst v63  }
0xb: {  	s18 =	simm.s32 $0x800;
	s17 =	sadd.s32 s10, s9  }
0xc: {  	[tilespmem:s18], [sflag:$0x2] =	stream.linear.gather [hbm4b:s17+s2], $0x800, $0x38;
	[tilespmem:$0x1B00] =	vst v63  }
0xd: {  	s19 =	simm.s32 $0x1000  }
0xe: {  	[tilespmem:s19], [sflag:$0x3] =	stream.linear.gather [hbm4b:s5+s2], $0x400, $0x38;
	[tilespmem:$0x1B00] =	vst v63  }
0xf: {  	s20 =	simm.s32 $0x1;
	s5 =	simm.s32 $0x1A00  }
0x10: {  	[tilespmem:s5], [sflag:$0x3] =	stream.linear.gather [hbm4b:s7+s2], $0x80, $0x38;
	[tilespmem:$0x1B00] =	vst v63  }
0x11: {  	_ =	swait.ge [sflag:s20], $0x800  }
0x12: {  	[sflag:s20] =	ssyncset.done $0x0  }
0x13: {  	[sflag:s20] =	ssyncadd.s32 $0xFFFFF800  }
0x14: {  	v0 =	vld [tilespmem:$0x0]  }
0x15: {  	v1 =	vld [tilespmem:$0x40]  }
0x16: {  	v2 =	vld [tilespmem:$0x100]  }
0x17: {  	v3 =	vld [tilespmem:$0x140]  }
0x18: {  	v4 =	vld [tilespmem:$0x200]  }
0x19: {  	v5 =	vld [tilespmem:$0x240]  }
0x1a: {  	v6 =	vld [tilespmem:$0x300]  }
0x1b: {  	v49 =	vld [tilespmem:$0x340]  }
0x1c: {  	v16 =	vlaneseq.u32;
	v50 =	vld [tilespmem:$0x400]  }
0x1d: {  	v13 =	vor.u32 $0x40, v16;
	v12 =	vor.u32 $0x80, v16;
	v51 =	vld [tilespmem:$0x440]  }
0x1e: {  	v11 =	vor.u32 $0xC0, v16;
	v10 =	vor.u32 $0x100, v16;
	v9 =	vor.u32 $0x140, v16;
	v52 =	vld [tilespmem:$0x500]  }
0x1f: {  	v8 =	vor.u32 $0x180, v16;
	v7 =	vor.u32 $0x1C0, v16;
	v54 =	vor.u32 $0x200, v16;
	v14 =	vld [tilespmem:$0x540]  }
0x20: {  	v55 =	vor.u32 $0x240, v16;
	v56 =	vor.u32 $0x280, v16;
	v57 =	vor.u32 $0x2C0, v16;
	v17 =	vld [tilespmem:$0x600]  }
0x21: {  	v59 =	vor.u32 $0x300, v16;
	v61 =	vor.u32 $0x340, v16;
	v62 =	vor.u32 $0x380, v16;
	v53 =	vld [tilespmem:$0x640]  }
0x22: {  	v28 =	vor.u32 $0x10, v16;
	v27 =	vor.u32 $0x50, v16;
	v20 =	vld [tilespmem:$0x700];
	vm0 =	veq.s32 v0, $0x9E20  }
0x23: {  	vm1 =	veq.s32 v1, $0x9E20;
	vm2 =	veq.s32 v2, $0x9E20;
	vm11 =	veq.s32 v3, $0x9E20  }
0x24: {  	v23 =	vld [tilespmem:$0x10];
	vm12 =	veq.s32 v4, $0x9E20;
	vm13 =	veq.s32 v5, $0x9E20;
	vm14 =	veq.s32 v6, $0x9E20  }
0x25: {  	v25 =	vld [tilespmem:$0x740];
	vm15 =	veq.s32 v49, $0x9E20;
	vm4 =	veq.s32 v50, $0x9E20;
	vm5 =	veq.s32 v51, $0x9E20  }
0x26: {  	v58 =	vld [tilespmem:$0x50];
	vm6 =	veq.s32 v52, $0x9E20;
	vm7 =	veq.s32 v14, $0x9E20;
	vm8 =	veq.s32 v17, $0x9E20  }
0x27: {  	v37 =	vld [tilespmem:$0x110];
	vm9 =	veq.s32 v53, $0x9E20;
	vm10 =	veq.s32 v20, $0x9E20;
	v20 =	vor.u32 $0x110, v16  }
0x28: {  	v60 =	vld [tilespmem:$0x150];
	v17 =	vor.u32 $0x150, v16;
	v14 =	vor.u32 $0x190, v16;
	v15 =	vnsel vm0, $0x0, v16  }
0x29: {  	v63 =	vld [tilespmem:$0x210];
	v18 =	vnsel vm1, $0x0, v13;
	v19 =	vnsel vm2, $0x0, v12;
	v35 =	vnsel vm11, $0x0, v11  }
0x2a: {  	v38 =	vld [tilespmem:$0x250];
	v36 =	vnsel vm12, $0x0, v10;
	v21 =	vnsel vm13, $0x0, v9;
	v33 =	vnsel vm14, $0x0, v8  }
0x2b: {  	v39 =	vld [tilespmem:$0x20];
	v22 =	vnsel vm15, $0x0, v7;
	v24 =	vnsel vm4, $0x0, v54;
	v32 =	vnsel vm5, $0x0, v55  }
0x2c: {  	v44 =	vld [tilespmem:$0x60];
	v26 =	vnsel vm6, $0x0, v56;
	v31 =	vnsel vm7, $0x0, v57;
	v30 =	vnsel vm8, $0x0, v59  }
0x2d: {  	v29 =	vnsel vm9, $0x0, v61;
	v34 =	vnsel vm10, $0x0, v62;
	vm0 =	veq.s32 v25, $0x9E20  }
0x2e: {  	vm11 =	veq.s32 v23, $0x9E20;
	vm12 =	veq.s32 v58, $0x9E20;
	vm13 =	veq.s32 v37, $0x9E20  }
0x2f: {  	[tilespmem:$0x1FF20] =	vst v54;
	v3 =	vld [tilespmem:$0x30];
	v25 =	vor.u32 $0x90, v16;
	vm14 =	veq.s32 v60, $0x9E20;
	v23 =	vor.u32 $0xD0, v16  }
0x30: {  	[tilespmem:$0x1FF40] =	vst v56;
	vm15 =	veq.s32 v63, $0x9E20;
	vm4 =	veq.s32 v38, $0x9E20;
	vm5 =	veq.s32 v39, $0x9E20  }
0x31: {  	[tilespmem:$0x1FF80] =	vst v62;
	v60 =	vor.u32 $0x20, v16;
	v62 =	vor.u32 $0x30, v16;
	vm8 =	veq.s32 v44, $0x9E20  }
0x32: {  	[tilespmem:$0x1FF50] =	vst v57;
	v57 =	vor.u32 $0x60, v16;
	v63 =	vor.u32 $0x70, v16;
	v56 =	vor.u32 $0xA0, v16  }
0x33: {  	[tilespmem:$0x1FF70] =	vst v61;
	v5 =	vld [tilespmem:$0x70];
	v61 =	vor.u32 $0xB0, v16;
	v54 =	vor.u32 $0xE0, v16;
	v40 =	vnsel vm11, $0x0, v28  }
0x34: {  	v2 =	vld [tilespmem:$0x310];
	v47 =	vnsel vm5, $0x0, v60;
	v15 =	vadd.s32 v15, v40;
	vm7 =	veq.s32 v3, $0x9E20  }
0x35: {  	[tilespmem:$0x1FF60] =	vst v59;
	v4 =	vld [tilespmem:$0x350];
	v59 =	vor.u32 $0xF0, v16;
	v15 =	vadd.s32 v47, v15;
	v48 =	vnsel vm7, $0x0, v62  }
0x36: {  	v6 =	vld [tilespmem:$0x120];
	v58 =	vor.u32 $0x130, v16;
	v41 =	vnsel vm12, $0x0, v27;
	v15 =	vadd.s32 v48, v15  }
0x37: {  	v49 =	vld [tilespmem:$0x130];
	v42 =	vnsel vm13, $0x0, v25;
	v43 =	vnsel vm14, $0x0, v23;
	v15 =	vadd.s32 v18, v15  }
0x38: {  	v51 =	vld [tilespmem:$0x410];
	v50 =	vnsel vm8, $0x0, v57;
	vm10 =	veq.s32 v5, $0x9E20;
	v52 =	vadd.s32 v41, v15  }
0x39: {  	v53 =	vld [tilespmem:$0x160];
	v45 =	vnsel vm15, $0x0, v20;
	v0 =	vnsel vm10, $0x0, v63;
	v38 =	vadd.s32 v50, v52  }
0x3a: {  	v46 =	vnsel vm4, $0x0, v17;
	v47 =	vor.u32 $0x1A0, v16;
	v1 =	vadd.s32 v0, v38  }
0x3b: {  	vm6 =	veq.s32 v2, $0x9E20;
	vm11 =	veq.s32 v6, $0x9E20;
	v2 =	vld [tilespmem:$0x170];
	v19 =	vadd.s32 v19, v1  }
0x3c: {  	vm12 =	veq.s32 v49, $0x9E20;
	v3 =	vnsel vm11, $0x0, v56;
	v19 =	vadd.s32 v42, v19  }
0x3d: {  	vm9 =	veq.s32 v4, $0x9E20;
	v4 =	vld [tilespmem:$0x220];
	v5 =	vnsel vm12, $0x0, v61;
	v19 =	vadd.s32 v3, v19  }
0x3e: {  	vm13 =	veq.s32 v51, $0x9E20;
	vm14 =	veq.s32 v53, $0x9E20;
	v19 =	vadd.s32 v5, v19  }
0x3f: {  	v51 =	vor.u32 $0x120, v16;
	v53 =	vor.u32 $0x1B0, v16;
	v0 =	vld [tilespmem:$0x230];
	v19 =	vadd.s32 v35, v19  }
0x40: {  	v6 =	vld [tilespmem:$0x450];
	vm15 =	veq.s32 v2, $0x9E20;
	v1 =	vnsel vm14, $0x0, v54;
	v19 =	vadd.s32 v43, v19  }
0x41: {  	v40 =	vnsel vm6, $0x0, v14;
	v2 =	vld [tilespmem:$0x260];
	v3 =	vnsel vm15, $0x0, v59;
	v19 =	vadd.s32 v1, v19  }
0x42: {  	v15 =	vor.u32 $0x1D0, v16;
	vm4 =	veq.s32 v4, $0x9E20;
	v4 =	vld [tilespmem:$0x270];
	v19 =	vadd.s32 v3, v19  }
0x43: {  	v18 =	vor.u32 $0x210, v16;
	v39 =	vnsel vm9, $0x0, v15;
	v19 =	vadd.s32 v36, v19  }
0x44: {  	[tilespmem:$0x1FF30] =	vst v55;
	v48 =	vld [tilespmem:$0x420];
	v5 =	vnsel vm4, $0x0, v51;
	vm6 =	veq.s32 v0, $0x9E20;
	v55 =	vadd.s32 v45, v19  }
0x45: {  	vm5 =	veq.s32 v6, $0x9E20;
	v6 =	vld [tilespmem:$0x510];
	v0 =	vnsel vm6, $0x0, v58;
	v41 =	vadd.s32 v5, v55  }
0x46: {  	v50 =	vor.u32 $0x160, v16;
	v52 =	vor.u32 $0x1F0, v16;
	v43 =	vld [tilespmem:$0x320];
	v1 =	vadd.s32 v0, v41  }
0x47: {  	vm7 =	veq.s32 v2, $0x9E20;
	v2 =	vld [tilespmem:$0x330];
	vm8 =	veq.s32 v4, $0x9E20;
	v21 =	vadd.s32 v21, v1  }
0x48: {  	v49 =	vld [tilespmem:$0x430];
	v3 =	vnsel vm7, $0x0, v50;
	v55 =	vor.u32 $0x170, v16;
	v21 =	vadd.s32 v46, v21  }
0x49: {  	v38 =	vnsel vm13, $0x0, v18;
	v4 =	vld [tilespmem:$0x360];
	v5 =	vnsel vm8, $0x0, v55;
	v21 =	vadd.s32 v3, v21  }
0x4a: {  	v42 =	vor.u32 $0x220, v16;
	vm9 =	veq.s32 v6, $0x9E20;
	v6 =	vld [tilespmem:$0x550];
	v36 =	vadd.s32 v5, v21  }
0x4b: {  	vm15 =	veq.s32 v48, $0x9E20;
	vm10 =	veq.s32 v43, $0x9E20;
	v46 =	vld [tilespmem:$0x370];
	v33 =	vadd.s32 v33, v36  }
0x4c: {  	v35 =	vld [tilespmem:$0x520];
	vm11 =	veq.s32 v2, $0x9E20;
	v43 =	vnsel vm10, $0x0, v47;
	v33 =	vadd.s32 v40, v33  }
0x4d: {  	v48 =	vor.u32 $0x230, v16;
	v41 =	vnsel vm11, $0x0, v53;
	v33 =	vadd.s32 v43, v33  }
0x4e: {  	vm4 =	veq.s32 v49, $0x9E20;
	vm12 =	veq.s32 v4, $0x9E20;
	v33 =	vadd.s32 v41, v33  }
0x4f: {  	vm13 =	veq.s32 v6, $0x9E20;
	v6 =	vld [tilespmem:$0x610];
	v43 =	vor.u32 $0x1E0, v16;
	v22 =	vadd.s32 v22, v33  }
0x50: {  	v0 =	vld [tilespmem:$0x460];
	vm14 =	veq.s32 v46, $0x9E20;
	v5 =	vnsel vm12, $0x0, v43;
	v39 =	vadd.s32 v39, v22  }
0x51: {  	vm8 =	veq.s32 v35, $0x9E20;
	v35 =	vld [tilespmem:$0x570];
	v1 =	vnsel vm14, $0x0, v52;
	v37 =	vadd.s32 v5, v39  }
0x52: {  	v49 =	vor.u32 $0x270, v16;
	v19 =	vor.u32 $0x250, v16;
	v2 =	vadd.s32 v1, v37  }
0x53: {  	v4 =	vnsel vm15, $0x0, v42;
	v44 =	vnsel vm5, $0x0, v19;
	v3 =	vld [tilespmem:$0x470];
	v24 =	vadd.s32 v24, v2  }
0x54: {  	vm5 =	veq.s32 v6, $0x9E20;
	v6 =	vld [tilespmem:$0x650];
	v21 =	vor.u32 $0x290, v16;
	v24 =	vadd.s32 v38, v24  }
0x55: {  	vm6 =	veq.s32 v0, $0x9E20;
	v5 =	vnsel vm4, $0x0, v48;
	v24 =	vadd.s32 v4, v24  }
0x56: {  	vm11 =	veq.s32 v35, $0x9E20;
	v35 =	vor.u32 $0x3D0, v16;
	v33 =	vadd.s32 v5, v24  }
0x57: {  	v40 =	vnsel vm9, $0x0, v21;
	v39 =	vor.u32 $0x260, v16;
	v38 =	vld [tilespmem:$0x530];
	v32 =	vadd.s32 v32, v33  }
0x58: {  	v0 =	vld [tilespmem:$0x630];
	vm7 =	veq.s32 v3, $0x9E20;
	v41 =	vnsel vm6, $0x0, v39;
	v32 =	vadd.s32 v44, v32  }
0x59: {  	vm3 =	veq.s32 v6, $0x9E20;
	v4 =	vnsel vm7, $0x0, v49;
	v33 =	vld [tilespmem:$0x560];
	v32 =	vadd.s32 v41, v32  }
0x5a: {  	v46 =	vor.u32 $0x2B0, v16;
	v22 =	vor.u32 $0x2D0, v16;
	v5 =	vld [tilespmem:$0x710];
	v32 =	vadd.s32 v4, v32  }
0x5b: {  	v45 =	vnsel vm13, $0x0, v22;
	v37 =	vor.u32 $0x2A0, v16;
	v26 =	vadd.s32 v26, v32  }
0x5c: {  	v6 =	vnsel vm8, $0x0, v37;
	vm9 =	veq.s32 v38, $0x9E20;
	v26 =	vadd.s32 v40, v26  }
0x5d: {  	vm13 =	veq.s32 v0, $0x9E20;
	v44 =	vnsel vm9, $0x0, v46;
	v36 =	vadd.s32 v6, v26  }
0x5e: {  	v24 =	vor.u32 $0x310, v16;
	v38 =	vld [tilespmem:$0x620];
	vm4 =	veq.s32 v33, $0x9E20;
	v33 =	vadd.s32 v44, v36  }
0x5f: {  	vm10 =	veq.s32 v5, $0x9E20;
	v40 =	vor.u32 $0x2E0, v16;
	v31 =	vadd.s32 v31, v33  }
0x60: {  	v5 =	vld [tilespmem:$0x660];
	v4 =	vnsel vm4, $0x0, v40;
	v44 =	vor.u32 $0x2F0, v16;
	v31 =	vadd.s32 v45, v31  }
0x61: {  	v32 =	vld [tilespmem:$0x750];
	v26 =	vor.u32 $0x350, v16;
	v41 =	vnsel vm11, $0x0, v44;
	v31 =	vadd.s32 v4, v31  }
0x62: {  	v1 =	vnsel vm5, $0x0, v24;
	v6 =	vld [tilespmem:$0x670];
	v36 =	vnsel vm3, $0x0, v26;
	v31 =	vadd.s32 v41, v31  }
0x63: {  	vm12 =	veq.s32 v38, $0x9E20;
	v38 =	vld [tilespmem:$0x720];
	v41 =	vor.u32 $0x320, v16;
	v45 =	vadd.s32 v30, v31  }
0x64: {  	v4 =	vnsel vm12, $0x0, v41;
	v0 =	vadd.s32 v1, v45;
	v45 =	vor.u32 $0x330, v16  }
0x65: {  	vm14 =	veq.s32 v5, $0x9E20;
	v30 =	vld [tilespmem:$0x760];
	v5 =	vnsel vm13, $0x0, v45;
	v0 =	vadd.s32 v4, v0  }
0x66: {  	v2 =	vld [tilespmem:$0x730];
	v33 =	vor.u32 $0x370, v16;
	vm1 =	veq.s32 v32, $0x9E20;
	v0 =	vadd.s32 v5, v0  }
0x67: {  	v32 =	vor.u32 $0x360, v16;
	vm15 =	veq.s32 v6, $0x9E20;
	v0 =	vadd.s32 v29, v0  }
0x68: {  	v6 =	vnsel vm14, $0x0, v32;
	vm8 =	veq.s32 v38, $0x9E20;
	v0 =	vadd.s32 v36, v0  }
0x69: {  	v38 =	vld [tilespmem:$0x770];
	v31 =	vor.u32 $0x3A0, v16;
	v4 =	vnsel vm15, $0x0, v33;
	v0 =	vadd.s32 v6, v0  }
0x6a: {  	s21 =	simm.s32 $0x2;
	v29 =	vor.u32 $0x390, v16;
	vm9 =	veq.s32 v30, $0x9E20;
	v0 =	vadd.s32 v4, v0  }
0x6b: {  	_ =	swait.ge [sflag:s21], $0x800;
	v5 =	vnsel vm10, $0x0, v29;
	vm10 =	veq.s32 v2, $0x9E20;
	v0 =	vadd.s32 v34, v0  }
0x6c: {  	[sflag:s21] =	ssyncset.done $0x0;
	v30 =	vor.u32 $0x3B0, v16;
	v6 =	vnsel vm8, $0x0, v31;
	v0 =	vadd.s32 v5, v0  }
0x6d: {  	[sflag:s21] =	ssyncadd.s32 $0xFFFFF800;
	v36 =	vnsel vm10, $0x0, v30;
	v34 =	vor.u32 $0x3C0, v16;
	v0 =	vadd.s32 v6, v0  }
0x6e: {  	v1 =	vld [tilespmem:$0x810];
	vm11 =	veq.s32 v38, $0x9E20;
	v38 =	vnsel vm0, $0x0, v34;
	v0 =	vadd.s32 v36, v0  }
0x6f: {  	v3 =	vld [tilespmem:$0x830];
	v4 =	vnsel vm1, $0x0, v35;
	v36 =	vor.u32 $0x3E0, v16;
	v0 =	vadd.s32 v38, v0  }
0x70: {  	v2 =	vld [tilespmem:$0x820];
	v5 =	vnsel vm9, $0x0, v36;
	v38 =	vor.u32 $0x3F0, v16;
	v0 =	vadd.s32 v4, v0  }
0x71: {  	v6 =	vnsel vm11, $0x0, v38;
	v4 =	vld [tilespmem:$0x840];
	v0 =	vadd.s32 v5, v0  }
0x72: {  	v5 =	vld [tilespmem:$0x850];
	v0 =	vadd.s32 v6, v0  }
0x73: {  	(xrf0) =	vadd.scan.msk.s32 $0xffff, v0;
	v0 =	vld [tilespmem:$0x800];
	_ =	sdelay $0x1  }
0x74: {  	vm15 =	veq.s32 v3, $0x9E20;
	v3 =	vld [tilespmem:$0x900]  }
0x75: {  	vm14 =	veq.s32 v2, $0x9E20;
	v2 =	vld [tilespmem:$0x930]  }
0x76: {  	vm4 =	veq.s32 v4, $0x9E20;
	v4 =	vld [tilespmem:$0x910]  }
0x77: {  	vm13 =	veq.s32 v1, $0x9E20;
	vm5 =	veq.s32 v5, $0x9E20;
	v5 =	vld [tilespmem:$0x920];
	vm12 =	veq.s32 v0, $0x9E20  }
0x78: {  	v28 =	vnsel vm13, $0x0, v28;
	v0 =	vld [tilespmem:$0x860];
	v6, _, _ =	vpop (xrf0);
	v16 =	vnsel vm12, $0x0, v16  }
0x79: {  	(v2sf) =	vpush v6, $0xF;
	v6 =	vld [tilespmem:$0x870];
	v1 =	vadd.s32 v16, v28  }
0x7a: {  	v16 =	vnsel vm14, $0x0, v60;
	v60 =	vnsel vm4, $0x0, v13;
	v13 =	vnsel vm5, $0x0, v27;
	v27 =	vld [tilespmem:$0x940]  }
0x7b: {  	v28 =	vnsel vm15, $0x0, v62;
	vm9 =	veq.s32 v4, $0x9E20;
	v4 =	vld [tilespmem:$0x970];
	v1 =	vadd.s32 v16, v1  }
0x7c: {  	vm10 =	veq.s32 v5, $0x9E20;
	v5 =	vld [tilespmem:$0xA00];
	v1 =	vadd.s32 v28, v1  }
0x7d: {  	vm6 =	veq.s32 v0, $0x9E20;
	v62 =	vadd.s32 v60, v1;
	v60 =	vld [tilespmem:$0x960]  }
0x7e: {  	vm11 =	veq.s32 v2, $0x9E20;
	v16 =	vnsel vm6, $0x0, v57;
	v57 =	vld [tilespmem:$0x950]  }
0x7f: {  	v0 =	vadd.s32 v13, v62;
	v62 =	vnsel vm9, $0x0, v25;
	v25 =	vnsel vm11, $0x0, v61;
	v61 =	vld [tilespmem:$0xA50]  }
0x80: {  	vm7 =	veq.s32 v6, $0x9E20;
	v0 =	vadd.s32 v16, v0;
	v16 =	vld [tilespmem:$0xA10]  }
0x81: {  	vm8 =	veq.s32 v3, $0x9E20;
	vm12 =	veq.s32 v27, $0x9E20;
	v27 =	vld [tilespmem:$0xA20];
	v28 =	vnsel vm7, $0x0, v63  }
0x82: {  	v12 =	vnsel vm8, $0x0, v12;
	v0 =	vadd.s32 v28, v0;
	v28 =	vld [tilespmem:$0xA30]  }
0x83: {  	v0 =	vadd.s32 v12, v0;
	v12 =	vld [tilespmem:$0xA70]  }
0x84: {  	vm15 =	veq.s32 v4, $0x9E20;
	vm14 =	veq.s32 v60, $0x9E20;
	vm13 =	veq.s32 v57, $0x9E20;
	v57 =	vld [tilespmem:$0xA40]  }
0x85: {  	v63 =	vnsel vm10, $0x0, v56;
	v0 =	vadd.s32 v62, v0;
	v60 =	vnsel vm14, $0x0, v54;
	v54 =	vld [tilespmem:$0xB40]  }
0x86: {  	v62 =	vnsel vm15, $0x0, v59;
	v59 =	vld [tilespmem:$0xB60];
	v0 =	vadd.s32 v63, v0  }
0x87: {  	v11 =	vnsel vm12, $0x0, v11;
	v63 =	vld [tilespmem:$0xA60];
	v0 =	vadd.s32 v25, v0  }
0x88: {  	v56 =	vnsel vm13, $0x0, v23;
	vm5 =	veq.s32 v16, $0x9E20;
	v16 =	vld [tilespmem:$0xB00];
	v0 =	vadd.s32 v11, v0  }
0x89: {  	v23 =	vld [tilespmem:$0xB10];
	v0 =	vadd.s32 v56, v0  }
0x8a: {  	vm4 =	veq.s32 v5, $0x9E20;
	vm6 =	veq.s32 v27, $0x9E20;
	v27 =	vld [tilespmem:$0xB20];
	v0 =	vadd.s32 v60, v0  }
0x8b: {  	v10 =	vnsel vm4, $0x0, v10;
	vm7 =	veq.s32 v28, $0x9E20;
	v28 =	vld [tilespmem:$0xB30];
	v0 =	vadd.s32 v62, v0  }
0x8c: {  	vm9 =	veq.s32 v61, $0x9E20;
	v13 =	vnsel vm5, $0x0, v20;
	v11 =	vld [tilespmem:$0x1FF40];
	v0 =	vadd.s32 v10, v0  }
0x8d: {  	v20 =	vnsel vm6, $0x0, v51;
	vm11 =	veq.s32 v12, $0x9E20;
	v12 =	vld [tilespmem:$0xC10];
	v0 =	vadd.s32 v13, v0  }
0x8e: {  	v25 =	vnsel vm7, $0x0, v58;
	vm8 =	veq.s32 v57, $0x9E20;
	v57 =	vld [tilespmem:$0xB50];
	v0 =	vadd.s32 v20, v0  }
0x8f: {  	v51 =	vnsel vm9, $0x0, v17;
	v60 =	vld [tilespmem:$0xB70];
	v9 =	vnsel vm8, $0x0, v9;
	v0 =	vadd.s32 v25, v0  }
0x90: {  	v58 =	vnsel vm11, $0x0, v55;
	v55 =	vld [tilespmem:$0xD20];
	vm10 =	veq.s32 v63, $0x9E20;
	v0 =	vadd.s32 v9, v0  }
0x91: {  	vm6 =	veq.s32 v59, $0x9E20;
	v59 =	vld [tilespmem:$0xD40];
	v56 =	vnsel vm10, $0x0, v50;
	v0 =	vadd.s32 v51, v0  }
0x92: {  	vm12 =	veq.s32 v16, $0x9E20;
	vm13 =	veq.s32 v23, $0x9E20;
	v62 =	vld [tilespmem:$0xC00];
	v0 =	vadd.s32 v56, v0  }
0x93: {  	vm14 =	veq.s32 v27, $0x9E20;
	v16 =	vld [tilespmem:$0xC30];
	v8 =	vnsel vm12, $0x0, v8;
	v0 =	vadd.s32 v58, v0  }
0x94: {  	v23 =	vnsel vm6, $0x0, v43;
	v43 =	vld [tilespmem:$0x1FF20];
	v61 =	vnsel vm13, $0x0, v14;
	v0 =	vadd.s32 v8, v0  }
0x95: {  	v63 =	vnsel vm14, $0x0, v47;
	v14 =	vld [tilespmem:$0xC20];
	vm15 =	veq.s32 v28, $0x9E20;
	v0 =	vadd.s32 v61, v0  }
0x96: {  	vm4 =	veq.s32 v54, $0x9E20;
	v47 =	vld [tilespmem:$0xC70];
	v13 =	vnsel vm15, $0x0, v53;
	v0 =	vadd.s32 v63, v0  }
0x97: {  	v7 =	vnsel vm4, $0x0, v7;
	v28 =	vld [tilespmem:$0xC60];
	vm5 =	veq.s32 v57, $0x9E20;
	v0 =	vadd.s32 v13, v0  }
0x98: {  	v20 =	vld [tilespmem:$0xC40];
	v17 =	vnsel vm5, $0x0, v15;
	v0 =	vadd.s32 v7, v0  }
0x99: {  	vm9 =	veq.s32 v12, $0x9E20;
	vm7 =	veq.s32 v60, $0x9E20;
	v25 =	vld [tilespmem:$0xC50];
	v0 =	vadd.s32 v17, v0  }
0x9a: {  	v27 =	vnsel vm7, $0x0, v52;
	vm8 =	veq.s32 v62, $0x9E20;
	v56 =	vld [tilespmem:$0x1FF30];
	v0 =	vadd.s32 v23, v0  }
0x9b: {  	v53 =	vld [tilespmem:$0xD10];
	v50 =	vnsel vm9, $0x0, v18;
	v7 =	vnsel vm8, $0x0, v43;
	v0 =	vadd.s32 v27, v0  }
0x9c: {  	v12 =	vld [tilespmem:$0xD70];
	vm6 =	veq.s32 v55, $0x9E20;
	vm10 =	veq.s32 v14, $0x9E20;
	v0 =	vadd.s32 v7, v0  }
0x9d: {  	vm11 =	veq.s32 v16, $0x9E20;
	v51 =	vld [tilespmem:$0xD00];
	v52 =	vnsel vm10, $0x0, v42;
	v0 =	vadd.s32 v50, v0  }
0x9e: {  	v57 =	vld [tilespmem:$0xD30];
	v54 =	vnsel vm11, $0x0, v48;
	vm12 =	veq.s32 v20, $0x9E20;
	v0 =	vadd.s32 v52, v0  }
0x9f: {  	v18 =	vld [tilespmem:$0xE20];
	vm13 =	veq.s32 v25, $0x9E20;
	v7 =	vnsel vm12, $0x0, v56;
	v0 =	vadd.s32 v54, v0  }
0xa0: {  	v55 =	vld [tilespmem:$0x1FF80];
	vm14 =	veq.s32 v28, $0x9E20;
	v58 =	vnsel vm13, $0x0, v19;
	v0 =	vadd.s32 v7, v0  }
0xa1: {  	vm15 =	veq.s32 v47, $0x9E20;
	v60 =	vnsel vm14, $0x0, v39;
	v61 =	vld [tilespmem:$0xD50];
	v0 =	vadd.s32 v58, v0  }
0xa2: {  	v62 =	vnsel vm15, $0x0, v49;
	v19 =	vld [tilespmem:$0x1FF50];
	vm4 =	veq.s32 v51, $0x9E20;
	v0 =	vadd.s32 v60, v0  }
0xa3: {  	vm5 =	veq.s32 v53, $0x9E20;
	v63 =	vld [tilespmem:$0xD60];
	v7 =	vnsel vm4, $0x0, v11;
	v0 =	vadd.s32 v62, v0  }
0xa4: {  	v16 =	vld [tilespmem:$0xE10];
	v13 =	vnsel vm5, $0x0, v21;
	v0 =	vadd.s32 v7, v0  }
0xa5: {  	v15 =	vnsel vm6, $0x0, v37;
	v14 =	vld [tilespmem:$0xE00];
	vm7 =	veq.s32 v57, $0x9E20;
	v0 =	vadd.s32 v13, v0  }
0xa6: {  	v37 =	vld [tilespmem:$0x1FF60];
	vm8 =	veq.s32 v59, $0x9E20;
	v17 =	vnsel vm7, $0x0, v46;
	v0 =	vadd.s32 v15, v0  }
0xa7: {  	v47 =	vld [tilespmem:$0x1FF70];
	vm9 =	veq.s32 v61, $0x9E20;
	v7 =	vnsel vm8, $0x0, v19;
	v0 =	vadd.s32 v17, v0  }
0xa8: {  	v20 =	vld [tilespmem:$0xE30];
	v21 =	vnsel vm9, $0x0, v22;
	vm10 =	veq.s32 v63, $0x9E20;
	v0 =	vadd.s32 v7, v0  }
0xa9: {  	vm11 =	veq.s32 v12, $0x9E20;
	v22 =	vld [tilespmem:$0xE40];
	v23 =	vnsel vm10, $0x0, v40;
	v0 =	vadd.s32 v21, v0  }
0xaa: {  	v25 =	vld [tilespmem:$0xE50];
	v27 =	vnsel vm11, $0x0, v44;
	vm12 =	veq.s32 v14, $0x9E20;
	v0 =	vadd.s32 v23, v0  }
0xab: {  	v28 =	vld [tilespmem:$0xE60];
	vm13 =	veq.s32 v16, $0x9E20;
	v7 =	vnsel vm12, $0x0, v37;
	v0 =	vadd.s32 v27, v0  }
0xac: {  	v39 =	vld [tilespmem:$0xE70];
	vm14 =	veq.s32 v18, $0x9E20;
	v40 =	vnsel vm13, $0x0, v24;
	v0 =	vadd.s32 v7, v0  }
0xad: {  	v42 =	vld [tilespmem:$0xF00];
	v43 =	vnsel vm14, $0x0, v41;
	vm15 =	veq.s32 v20, $0x9E20;
	v0 =	vadd.s32 v40, v0  }
0xae: {  	v45 =	vnsel vm15, $0x0, v45;
	v44 =	vld [tilespmem:$0xF10];
	vm4 =	veq.s32 v22, $0x9E20;
	v0 =	vadd.s32 v43, v0  }
0xaf: {  	v46 =	vld [tilespmem:$0xF20];
	vm5 =	veq.s32 v25, $0x9E20;
	v7 =	vnsel vm4, $0x0, v47;
	v0 =	vadd.s32 v45, v0  }
0xb0: {  	v48 =	vld [tilespmem:$0xF30];
	vm6 =	veq.s32 v28, $0x9E20;
	v49 =	vnsel vm5, $0x0, v26;
	v0 =	vadd.s32 v7, v0  }
0xb1: {  	v51 =	vnsel vm6, $0x0, v32;
	vm7 =	veq.s32 v39, $0x9E20;
	v50 =	vld [tilespmem:$0xF40];
	v0 =	vadd.s32 v49, v0  }
0xb2: {  	v53 =	vnsel vm7, $0x0, v33;
	v52 =	vld [tilespmem:$0xF50];
	vm8 =	veq.s32 v42, $0x9E20;
	v0 =	vadd.s32 v51, v0  }
0xb3: {  	v54 =	vld [tilespmem:$0xF60];
	vm9 =	veq.s32 v44, $0x9E20;
	v7 =	vnsel vm8, $0x0, v55;
	v0 =	vadd.s32 v53, v0  }
0xb4: {  	v56 =	vld [tilespmem:$0xF70];
	vm10 =	veq.s32 v46, $0x9E20;
	v57 =	vnsel vm9, $0x0, v29;
	v0 =	vadd.s32 v7, v0  }
0xb5: {  	vm11 =	veq.s32 v48, $0x9E20;
	v5 =	vnsel vm10, $0x0, v31;
	v0 =	vadd.s32 v57, v0  }
0xb6: {  	v2 =	vnsel vm11, $0x0, v30;
	vm12 =	veq.s32 v50, $0x9E20;
	v0 =	vadd.s32 v5, v0  }
0xb7: {  	vm13 =	veq.s32 v52, $0x9E20;
	v1 =	vnsel vm12, $0x0, v34;
	v0 =	vadd.s32 v2, v0  }
0xb8: {  	v58 =	vnsel vm13, $0x0, v35;
	vm14 =	veq.s32 v54, $0x9E20;
	v0 =	vadd.s32 v1, v0  }
0xb9: {  	vm15 =	veq.s32 v56, $0x9E20;
	v59 =	vnsel vm14, $0x0, v36;
	v0 =	vadd.s32 v58, v0  }
0xba: {  	v60 =	vnsel vm15, $0x0, v38;
	v0 =	vadd.s32 v59, v0  }
0xbb: {  	v0 =	vadd.s32 v60, v0  }
0xbc: {  	(xrf0) =	vadd.scan.msk.s32 $0xffff, v0;
	_ =	sdelay $0x1  }
0xbd: {  	s22 =	sshll.u32 s1, $0xC;
	s23 =	spop (v2sf)  }
0xbe: {  	s7 =	sadd.s32 s22, s23  }
0xbf: {  	s7 =	sadd.s32 $0x400, s7  }
0xc0: {  	s7 =	sshrl.u32 s7, $0x3  }
0xc1: {  	s8 =	sshll.u32 s23, $0x7;
	s7 =	smul.u32 $0x1800, s7;
	v0, _, _ =	vpop (xrf0)  }
0xc2: {  	s8 =	sand.u32 $0x380, s8;
	(v2sf) =	vpush v0, $0xF  }
0xc3: {  	s7 =	sor.u32 s8, s7  }
0xc4: {  	s7 =	sshrl.u32 s7, $0x3  }
0xc5: {  	s24 =	simm.s32 $0x1400;
	s7 =	sadd.s32 s6, s7  }
0xc6: {  	[tilespmem:s24], [sflag:$0x4] =	stream.linear.gather [hbm4b:s7+s2], $0x80, $0x38;
	[tilespmem:$0x1B00] =	vst v63  }
0xc7: {  	s26 =	simm.s32 $0x1500;
	s25 =	sadd.s32 $0x80, s7  }
0xc8: {  	[tilespmem:s26], [sflag:$0x4] =	stream.linear.gather [hbm4b:s25+s2], $0x80, $0x38;
	[tilespmem:$0x1B00] =	vst v63  }
0xc9: {  	s29 =	simm.s32 $0x1600;
	s28 =	sadd.s32 $0x100, s7  }
0xca: {  	[tilespmem:s29], [sflag:$0x4] =	stream.linear.gather [hbm4b:s28+s2], $0x80, $0x38;
	[tilespmem:$0x1B00] =	vst v63  }
0xcb: {  	s31 =	simm.s32 $0x1700;
	s30 =	sadd.s32 $0x180, s7  }
0xcc: {  	[tilespmem:s31], [sflag:$0x4] =	stream.linear.gather [hbm4b:s30+s2], $0x80, $0x38;
	[tilespmem:$0x1B00] =	vst v63  }
0xcd: {  	s10 =	simm.s32 $0x1800;
	s9 =	sadd.s32 $0x200, s7  }
0xce: {  	[tilespmem:s10], [sflag:$0x4] =	stream.linear.gather [hbm4b:s9+s2], $0x80, $0x38;
	[tilespmem:$0x1B00] =	vst v63  }
0xcf: {  	s11 =	simm.s32 $0x1900;
	s7 =	sadd.s32 $0x280, s7  }
0xd0: {  	[tilespmem:s11], [sflag:$0x4] =	stream.linear.gather [hbm4b:s7+s2], $0x80, $0x38;
	[tilespmem:$0x1B00] =	vst v63  }
0xd1: {  	s12 =	sshll.u32 s3, $0xB;
	s13 =	spop (v2sf)  }
0xd2: {  	s7 =	sadd.s32 s12, s13  }
0xd3: {  	s7 =	sadd.s32 $0x400, s7  }
0xd4: {  	s7 =	sshrl.u32 s7, $0x3  }
0xd5: {  	s8 =	sshll.u32 s13, $0x7;
	s7 =	smul.u32 $0x1800, s7  }
0xd6: {  	s8 =	sand.u32 $0x380, s8  }
0xd7: {  	s7 =	sor.u32 s8, s7  }
0xd8: {  	s7 =	sshrl.u32 s7, $0x3  }
0xd9: {  	s14 =	simm.s32 $0x1480;
	s6 =	sadd.s32 s6, s7  }
0xda: {  	[tilespmem:s14], [sflag:$0x5] =	stream.linear.gather [hbm4b:s6+s2], $0x80, $0x38;
	[tilespmem:$0x1B00] =	vst v63  }
0xdb: {  	s16 =	simm.s32 $0x1580;
	s15 =	sadd.s32 $0x80, s6  }
0xdc: {  	[tilespmem:s16], [sflag:$0x5] =	stream.linear.gather [hbm4b:s15+s2], $0x80, $0x38;
	[tilespmem:$0x1B00] =	vst v63  }
0xdd: {  	s18 =	simm.s32 $0x1680;
	s17 =	sadd.s32 $0x100, s6  }
0xde: {  	[tilespmem:s18], [sflag:$0x5] =	stream.linear.gather [hbm4b:s17+s2], $0x80, $0x38;
	[tilespmem:$0x1B00] =	vst v63  }
0xdf: {  	s20 =	simm.s32 $0x1780;
	s19 =	sadd.s32 $0x180, s6  }
0xe0: {  	[tilespmem:s20], [sflag:$0x5] =	stream.linear.gather [hbm4b:s19+s2], $0x80, $0x38;
	[tilespmem:$0x1B00] =	vst v63  }
0xe1: {  	s22 =	simm.s32 $0x1880;
	s21 =	sadd.s32 $0x200, s6  }
0xe2: {  	[tilespmem:s22], [sflag:$0x5] =	stream.linear.gather [hbm4b:s21+s2], $0x80, $0x38;
	[tilespmem:$0x1B00] =	vst v63  }
0xe3: {  	s23 =	simm.s32 $0x1980;
	s24 =	simm.s32 $0x3;
	s6 =	sadd.s32 $0x280, s6  }
0xe4: {  	[tilespmem:s23], [sflag:$0x5] =	stream.linear.gather [hbm4b:s6+s2], $0x80, $0x38;
	[tilespmem:$0x1B00] =	vst v63  }
0xe5: {  	_ =	swait.ge [sflag:s24], $0x400  }
0xe6: {  	[sflag:s24] =	ssyncset.done $0x0  }
0xe7: {  	[sflag:s24] =	ssyncadd.s32 $0xFFFFFC00  }
0xe8: {  	_ =	swait.ge [sflag:s24], $0x80  }
0xe9: {  	[sflag:s24] =	ssyncset.done $0x0  }
0xea: {  	[sflag:s24] =	ssyncadd.s32 $0xFFFFFF80  }
0xeb: {  	v61 =	vld.msk [tilespmem:s5+$0x0], $0xffff;
	_ =	sdelay $0x4  }
0xec: {  	s25 =	simm.s32 $0x4;
	[tilespmem:$0x1FFF0] =	vst v61  }
0xed: {  	_ =	swait.ge [sflag:s25], $0x300  }
0xee: {  	[sflag:s25] =	ssyncset.done $0x0  }
0xef: {  	[sflag:s25] =	ssyncadd.s32 $0xFFFFFD00  }
0xf0: {  	v1 =	vld [tilespmem:$0x1400]  }
0xf1: {  	v2 =	vld [tilespmem:$0x1000]  }
0xf2: {  	v3 =	vld [tilespmem:$0x1410]  }
0xf3: {  	v4 =	vld [tilespmem:$0x1010]  }
0xf4: {  	v5 =	vld [tilespmem:$0x1420]  }
0xf5: {  	v6 =	vld [tilespmem:$0x1020]  }
0xf6: {  	v7 =	vld [tilespmem:$0x1430]  }
0xf7: {  	v8 =	vld [tilespmem:$0x1030]  }
0xf8: {  	v9 =	vld [tilespmem:$0x1440]  }
0xf9: {  	v10 =	vld [tilespmem:$0x1040]  }
0xfa: {  	v11 =	vld [tilespmem:$0x1450]  }
0xfb: {  	v12 =	vld [tilespmem:$0x1050]  }
0xfc: {  	v13 =	vld [tilespmem:$0x1460]  }
0xfd: {  	v14 =	vld [tilespmem:$0x1060]  }
0xfe: {  	v15 =	vld [tilespmem:$0x1470]  }
0xff: {  	v16 =	vld [tilespmem:$0x1070]  }
0x100: {  	v17 =	vld [tilespmem:$0x1500]  }
0x101: {  	v18 =	vld [tilespmem:$0x1080]  }
0x102: {  	v19 =	vld [tilespmem:$0x1510]  }
0x103: {  	v20 =	vld [tilespmem:$0x1090]  }
0x104: {  	v21 =	vld [tilespmem:$0x1520]  }
0x105: {  	v22 =	vld [tilespmem:$0x10A0]  }
0x106: {  	v23 =	vld [tilespmem:$0x1530]  }
0x107: {  	v24 =	vld [tilespmem:$0x10B0]  }
0x108: {  	v25 =	vld [tilespmem:$0x1540]  }
0x109: {  	v26 =	vld [tilespmem:$0x10C0]  }
0x10a: {  	v27 =	vld [tilespmem:$0x1550]  }
0x10b: {  	v28 =	vld [tilespmem:$0x10D0]  }
0x10c: {  	v29 =	vld [tilespmem:$0x1560]  }
0x10d: {  	v30 =	vld [tilespmem:$0x10E0]  }
0x10e: {  	v31 =	vld [tilespmem:$0x1570]  }
0x10f: {  	v32 =	vld [tilespmem:$0x10F0]  }
0x110: {  	v33 =	vld [tilespmem:$0x1600]  }
0x111: {  	v34 =	vld [tilespmem:$0x1100]  }
0x112: {  	v35 =	vld [tilespmem:$0x1610]  }
0x113: {  	v36 =	vld [tilespmem:$0x1110]  }
0x114: {  	v37 =	vld [tilespmem:$0x1620]  }
0x115: {  	v38 =	vld [tilespmem:$0x1120]  }
0x116: {  	v39 =	vld [tilespmem:$0x1630]  }
0x117: {  	v40 =	vld [tilespmem:$0x1130]  }
0x118: {  	v41 =	vld [tilespmem:$0x1640]  }
0x119: {  	v42 =	vld [tilespmem:$0x1140]  }
0x11a: {  	v43 =	vld [tilespmem:$0x1650]  }
0x11b: {  	v44 =	vld [tilespmem:$0x1150]  }
0x11c: {  	v45 =	vld [tilespmem:$0x1660]  }
0x11d: {  	v46 =	vld [tilespmem:$0x1160]  }
0x11e: {  	v47 =	vld [tilespmem:$0x1670]  }
0x11f: {  	v48 =	vld [tilespmem:$0x1170]  }
0x120: {  	v49 =	vld [tilespmem:$0x1700]  }
0x121: {  	v50 =	vld [tilespmem:$0x1180]  }
0x122: {  	v51 =	vld [tilespmem:$0x1710]  }
0x123: {  	v52 =	vld [tilespmem:$0x1190]  }
0x124: {  	v53 =	vld [tilespmem:$0x1720]  }
0x125: {  	v54 =	vld [tilespmem:$0x11A0]  }
0x126: {  	v55 =	vld [tilespmem:$0x1730]  }
0x127: {  	v56 =	vld [tilespmem:$0x11B0]  }
0x128: {  	v57 =	vld [tilespmem:$0x1740]  }
0x129: {  	v58 =	vld [tilespmem:$0x11C0]  }
0x12a: {  	v62 =	vld [tilespmem:$0x1750]  }
0x12b: {  	v60 =	vld [tilespmem:$0x11D0]  }
0x12c: {  	v63 =	vld [tilespmem:$0x1770]  }
0x12d: {  	v61 =	vld [tilespmem:$0x1760]  }
0x12e: {  	v59 =	vld [tilespmem:$0x1800]  }
0x12f: {  	v0 =	vld [tilespmem:$0x1200]  }
0x130: {  	[tilespmem:$0x1FF90] =	vst v62;
	v62 =	vld [tilespmem:$0x11E0]  }
0x131: {  	[tilespmem:$0x1FFA0] =	vst v63;
	v63 =	vld [tilespmem:$0x11F0]  }
0x132: {  	v1 =	vmul.f32 v2, v1;
	v2 =	vld [tilespmem:$0x1810]  }
0x133: {  	v9 =	vmul.f32 v10, v9;
	v10 =	vld [tilespmem:$0x1820]  }
0x134: {  	v3 =	vmul.f32 v4, v3;
	v4 =	vmul.f32 v6, v5;
	v5 =	vld [tilespmem:$0x1220]  }
0x135: {  	v6 =	vmul.f32 v8, v7;
	v8 =	vld [tilespmem:$0x1830]  }
0x136: {  	v7 =	vmul.f32 v12, v11;
	v11 =	vld [tilespmem:$0x1230]  }
0x137: {  	v16 =	vmul.f32 v16, v15;
	v18 =	vmul.f32 v18, v17;
	v15 =	vld [tilespmem:$0x1260]  }
0x138: {  	v20 =	vmul.f32 v20, v19;
	v22 =	vmul.f32 v22, v21;
	v17 =	vld [tilespmem:$0x1870]  }
0x139: {  	v24 =	vmul.f32 v24, v23;
	v26 =	vmul.f32 v26, v25;
	v19 =	vld [tilespmem:$0x1280]  }
0x13a: {  	v28 =	vmul.f32 v28, v27;
	v30 =	vmul.f32 v30, v29;
	v21 =	vld [tilespmem:$0x1910]  }
0x13b: {  	v32 =	vmul.f32 v32, v31;
	v49 =	vmul.f32 v50, v49;
	v50 =	vld [tilespmem:$0x1290]  }
0x13c: {  	v34 =	vmul.f32 v34, v33;
	v53 =	vmul.f32 v54, v53;
	v54 =	vld [tilespmem:$0x1920]  }
0x13d: {  	v36 =	vmul.f32 v36, v35;
	v55 =	vmul.f32 v56, v55;
	v56 =	vld [tilespmem:$0x12A0]  }
0x13e: {  	v38 =	vmul.f32 v38, v37;
	v40 =	vmul.f32 v40, v39;
	v35 =	vld [tilespmem:$0x12B0];
	v1 =	vadd.f32 $0.0e+00, v1  }
0x13f: {  	v42 =	vmul.f32 v42, v41;
	v37 =	vld [tilespmem:$0x1940];
	v3 =	vadd.f32 $0.0e+00, v3;
	v4 =	vadd.f32 $0.0e+00, v4  }
0x140: {  	v39 =	vld [tilespmem:$0x12C0];
	v6 =	vadd.f32 $0.0e+00, v6;
	v1 =	vadd.f32 v9, v1;
	v9 =	vmul.f32 v14, v13  }
0x141: {  	v44 =	vmul.f32 v44, v43;
	v46 =	vmul.f32 v46, v45;
	v33 =	vld [tilespmem:$0x1FF90];
	v3 =	vadd.f32 v7, v3  }
0x142: {  	v48 =	vmul.f32 v48, v47;
	v6 =	vadd.f32 v16, v6;
	v13 =	vld [tilespmem:$0x1850];
	v4 =	vadd.f32 v9, v4  }
0x143: {  	v52 =	vmul.f32 v52, v51;
	v16 =	vld [tilespmem:$0x1250];
	v1 =	vadd.f32 v18, v1;
	v3 =	vadd.f32 v20, v3  }
0x144: {  	v58 =	vmul.f32 v58, v57;
	v14 =	vld [tilespmem:$0x1840];
	v6 =	vadd.f32 v24, v6;
	v4 =	vadd.f32 v22, v4  }
0x145: {  	v0 =	vmul.f32 v0, v59;
	[tilespmem:$0x1FFB0] =	vst v2;
	v2 =	vld [tilespmem:$0x1210];
	v1 =	vadd.f32 v26, v1;
	v3 =	vadd.f32 v28, v3  }
0x146: {  	v50 =	vmul.f32 v50, v21;
	v9 =	vld [tilespmem:$0x1240];
	v6 =	vadd.f32 v32, v6;
	v4 =	vadd.f32 v30, v4  }
0x147: {  	v7 =	vmul.f32 v60, v33;
	v22 =	vld [tilespmem:$0x1900];
	v1 =	vadd.f32 v34, v1;
	v3 =	vadd.f32 v36, v3  }
0x148: {  	v45 =	vmul.f32 v16, v13;
	v6 =	vadd.f32 v40, v6;
	v4 =	vadd.f32 v38, v4;
	v38 =	vld [tilespmem:$0x1FFB0]  }
0x149: {  	v34 =	vmul.f32 v62, v61;
	v36 =	vld [tilespmem:$0x1FFA0];
	v1 =	vadd.f32 v42, v1;
	v3 =	vadd.f32 v44, v3  }
0x14a: {  	v18 =	vld [tilespmem:$0x1860];
	v40 =	vmul.f32 v5, v10;
	v6 =	vadd.f32 v48, v6;
	v4 =	vadd.f32 v46, v4  }
0x14b: {  	v20 =	vld [tilespmem:$0x1270];
	v43 =	vmul.f32 v9, v14;
	v1 =	vadd.f32 v49, v1;
	v3 =	vadd.f32 v52, v3  }
0x14c: {  	v41 =	vld [tilespmem:$0x1950];
	v42 =	vmul.f32 v11, v8;
	v48 =	vmul.f32 v19, v22;
	v4 =	vadd.f32 v53, v4  }
0x14d: {  	v47 =	vld [tilespmem:$0x1960];
	v1 =	vadd.f32 v58, v1;
	v3 =	vadd.f32 v7, v3;
	v2 =	vmul.f32 v2, v38  }
0x14e: {  	v44 =	vld [tilespmem:$0x12D0];
	v6 =	vadd.f32 v55, v6;
	v12 =	vmul.f32 v63, v36;
	v4 =	vadd.f32 v34, v4  }
0x14f: {  	v32 =	vld [tilespmem:$0x1930];
	v46 =	vmul.f32 v15, v18;
	v0 =	vadd.f32 v0, v1;
	v2 =	vadd.f32 v2, v3  }
0x150: {  	v49 =	vld [tilespmem:$0x12E0];
	v52 =	vmul.f32 v20, v17;
	v6 =	vadd.f32 v12, v6;
	v1 =	vadd.f32 v40, v4  }
0x151: {  	v51 =	vld [tilespmem:$0x1970];
	v55 =	vmul.f32 v39, v37;
	v0 =	vadd.f32 v43, v0;
	v2 =	vadd.f32 v45, v2  }
0x152: {  	v53 =	vmul.f32 v56, v54;
	v54 =	vld [tilespmem:$0x12F0];
	v3 =	vadd.f32 v42, v6;
	v1 =	vadd.f32 v46, v1  }
0x153: {  	v5 =	vmul.f32 v44, v41;
	v0 =	vadd.f32 v48, v0;
	v2 =	vadd.f32 v50, v2  }
0x154: {  	v56 =	vmul.f32 v35, v32;
	v3 =	vadd.f32 v52, v3;
	v1 =	vadd.f32 v53, v1  }
0x155: {  	v57 =	vmul.f32 v49, v47;
	v0 =	vadd.f32 v55, v0;
	v2 =	vadd.f32 v5, v2  }
0x156: {  	v3 =	vadd.f32 v56, v3  }
0x157: {  	v58 =	vmul.f32 v54, v51;
	v1 =	vadd.f32 v57, v1;
	v0 =	vadd.f32 v2, v0;
	_ =	sdelay $0x1  }
0x158: {  	v59 =	vadd.f32 v58, v3;
	v0 =	vadd.f32 v1, v0;
	_ =	sdelay $0x1  }
0x159: {  	v0 =	vadd.f32 v59, v0;
	_ =	sdelay $0x1  }
0x15a: {  	(xrf2) =	vadd.scan.msk.f32 $0xffff, v0;
	_ =	sdelay $0x7  }
0x15b: {  	v60 =	vld [tilespmem:$0x1FFF0];
	_ =	sdelay $0x1  }
0x15c: {  	v0, _, _ =	vpop (xrf2)  }
0x15d: {  	v0 =	vbroadcast v0, $0xF;
	_ =	sdelay $0x1  }
0x15e: {  	v0 =	vadd.f32 v0, v60  }
0x15f: {  	s4 =	sadd.s32 $0x400, s4;
	s26 =	sshll.u32 s1, $0x5  }
0x160: {  	s28 =	sadd.s32 s4, s26;
	s29 =	simm.s32 $0x1A80;
	s30 =	simm.s32 $0x6;
	[tilespmem:$0x1A80] =	vst v0  }
0x161: {  	[hbm4b:s28+s2] =	stream.linear.scatter [tilespmem:s29], [sflag:$0x6], $0x80, $0x38;
	[tilespmem:$0x1B00] =	vst v63  }
0x162: {  	_ =	swait.ge [sflag:s30], $0x80  }
0x163: {  	[sflag:s30] =	ssyncset.done $0x0  }
0x164: {  	s31 =	simm.s32 $0x5;
	[sflag:s30] =	ssyncadd.s32 $0xFFFFFF80  }
0x165: {  	_ =	swait.ge [sflag:s31], $0x300  }
0x166: {  	[sflag:s31] =	ssyncset.done $0x0  }
0x167: {  	[sflag:s31] =	ssyncadd.s32 $0xFFFFFD00  }
0x168: {  	v0 =	vld [tilespmem:$0x1480]  }
0x169: {  	v1 =	vld [tilespmem:$0x1000]  }
0x16a: {  	v2 =	vld [tilespmem:$0x1490]  }
0x16b: {  	v3 =	vld [tilespmem:$0x1010]  }
0x16c: {  	v4 =	vld [tilespmem:$0x14A0]  }
0x16d: {  	v5 =	vld [tilespmem:$0x1020]  }
0x16e: {  	v6 =	vld [tilespmem:$0x14B0]  }
0x16f: {  	v7 =	vld [tilespmem:$0x1030]  }
0x170: {  	v8 =	vld [tilespmem:$0x14C0]  }
0x171: {  	v9 =	vld [tilespmem:$0x1040]  }
0x172: {  	v10 =	vld [tilespmem:$0x14D0]  }
0x173: {  	v11 =	vld [tilespmem:$0x1050]  }
0x174: {  	v12 =	vld [tilespmem:$0x14E0]  }
0x175: {  	v13 =	vld [tilespmem:$0x1060]  }
0x176: {  	v14 =	vld [tilespmem:$0x14F0]  }
0x177: {  	v15 =	vld [tilespmem:$0x1070]  }
0x178: {  	v16 =	vld [tilespmem:$0x1580]  }
0x179: {  	v17 =	vld [tilespmem:$0x1080]  }
0x17a: {  	v18 =	vld [tilespmem:$0x1590]  }
0x17b: {  	v19 =	vld [tilespmem:$0x1090]  }
0x17c: {  	v20 =	vld [tilespmem:$0x15A0]  }
0x17d: {  	v21 =	vld [tilespmem:$0x10A0]  }
0x17e: {  	v22 =	vld [tilespmem:$0x15B0]  }
0x17f: {  	v23 =	vld [tilespmem:$0x10B0]  }
0x180: {  	v24 =	vld [tilespmem:$0x15C0]  }
0x181: {  	v25 =	vld [tilespmem:$0x10C0]  }
0x182: {  	v26 =	vld [tilespmem:$0x15D0]  }
0x183: {  	v27 =	vld [tilespmem:$0x10D0]  }
0x184: {  	v28 =	vld [tilespmem:$0x15E0]  }
0x185: {  	v29 =	vld [tilespmem:$0x10E0]  }
0x186: {  	v30 =	vld [tilespmem:$0x15F0]  }
0x187: {  	v31 =	vld [tilespmem:$0x10F0]  }
0x188: {  	v32 =	vld [tilespmem:$0x1680]  }
0x189: {  	v33 =	vld [tilespmem:$0x1100]  }
0x18a: {  	v34 =	vld [tilespmem:$0x1690]  }
0x18b: {  	v35 =	vld [tilespmem:$0x1110]  }
0x18c: {  	v36 =	vld [tilespmem:$0x16A0]  }
0x18d: {  	v37 =	vld [tilespmem:$0x1120]  }
0x18e: {  	v38 =	vld [tilespmem:$0x16B0]  }
0x18f: {  	v39 =	vld [tilespmem:$0x1130]  }
0x190: {  	v40 =	vld [tilespmem:$0x16C0]  }
0x191: {  	v41 =	vld [tilespmem:$0x1140]  }
0x192: {  	v42 =	vld [tilespmem:$0x16D0]  }
0x193: {  	v43 =	vld [tilespmem:$0x1150]  }
0x194: {  	v44 =	vld [tilespmem:$0x16E0]  }
0x195: {  	v45 =	vld [tilespmem:$0x1160]  }
0x196: {  	v46 =	vld [tilespmem:$0x16F0]  }
0x197: {  	v47 =	vld [tilespmem:$0x1170]  }
0x198: {  	v48 =	vld [tilespmem:$0x1780]  }
0x199: {  	v49 =	vld [tilespmem:$0x1180]  }
0x19a: {  	v50 =	vld [tilespmem:$0x1790]  }
0x19b: {  	v51 =	vld [tilespmem:$0x1190]  }
0x19c: {  	v52 =	vld [tilespmem:$0x17A0]  }
0x19d: {  	v53 =	vld [tilespmem:$0x11A0]  }
0x19e: {  	v54 =	vld [tilespmem:$0x17B0]  }
0x19f: {  	v55 =	vld [tilespmem:$0x11B0]  }
0x1a0: {  	v62 =	vld [tilespmem:$0x17C0]  }
0x1a1: {  	v57 =	vld [tilespmem:$0x11C0]  }
0x1a2: {  	v61 =	vld [tilespmem:$0x17D0]  }
0x1a3: {  	v59 =	vld [tilespmem:$0x11D0]  }
0x1a4: {  	v63 =	vld [tilespmem:$0x17F0]  }
0x1a5: {  	v60 =	vld [tilespmem:$0x17E0]  }
0x1a6: {  	v58 =	vld [tilespmem:$0x1880]  }
0x1a7: {  	v56 =	vld [tilespmem:$0x1200]  }
0x1a8: {  	[tilespmem:$0x1FFC0] =	vst v61;
	v61 =	vld [tilespmem:$0x11E0]  }
0x1a9: {  	[tilespmem:$0x1FFD0] =	vst v63;
	v63 =	vld [tilespmem:$0x11F0]  }
0x1aa: {  	v0 =	vmul.f32 v1, v0;
	v1 =	vld [tilespmem:$0x1890]  }
0x1ab: {  	v8 =	vmul.f32 v9, v8;
	v9 =	vld [tilespmem:$0x18A0]  }
0x1ac: {  	v2 =	vmul.f32 v3, v2;
	v3 =	vmul.f32 v5, v4;
	v4 =	vld [tilespmem:$0x1220]  }
0x1ad: {  	v5 =	vmul.f32 v7, v6;
	v7 =	vld [tilespmem:$0x18B0]  }
0x1ae: {  	v6 =	vmul.f32 v11, v10;
	v10 =	vld [tilespmem:$0x1230]  }
0x1af: {  	v11 =	vmul.f32 v15, v14;
	v15 =	vld [tilespmem:$0x1250]  }
0x1b0: {  	v17 =	vmul.f32 v17, v16;
	v19 =	vmul.f32 v19, v18;
	v14 =	vld [tilespmem:$0x1260]  }
0x1b1: {  	v21 =	vmul.f32 v21, v20;
	v23 =	vmul.f32 v23, v22;
	v16 =	vld [tilespmem:$0x18F0]  }
0x1b2: {  	v25 =	vmul.f32 v25, v24;
	v27 =	vmul.f32 v27, v26;
	v18 =	vld [tilespmem:$0x1280]  }
0x1b3: {  	v29 =	vmul.f32 v29, v28;
	v31 =	vmul.f32 v31, v30;
	v20 =	vld [tilespmem:$0x1990]  }
0x1b4: {  	v33 =	vmul.f32 v33, v32;
	v35 =	vmul.f32 v35, v34;
	v32 =	vld [tilespmem:$0x12A0]  }
0x1b5: {  	v37 =	vmul.f32 v37, v36;
	v41 =	vmul.f32 v41, v40;
	v34 =	vld [tilespmem:$0x19B0];
	v0 =	vadd.f32 $0.0e+00, v0  }
0x1b6: {  	v43 =	vmul.f32 v43, v42;
	v40 =	vld [tilespmem:$0x19C0];
	v2 =	vadd.f32 $0.0e+00, v2;
	v3 =	vadd.f32 $0.0e+00, v3  }
0x1b7: {  	v42 =	vld [tilespmem:$0x12C0];
	v5 =	vadd.f32 $0.0e+00, v5;
	v0 =	vadd.f32 v8, v0;
	v8 =	vmul.f32 v13, v12  }
0x1b8: {  	v39 =	vmul.f32 v39, v38;
	v47 =	vmul.f32 v47, v46;
	v46 =	vld [tilespmem:$0x12D0];
	v2 =	vadd.f32 v6, v2  }
0x1b9: {  	v28 =	vmul.f32 v49, v48;
	v49 =	vld [tilespmem:$0x19E0];
	v5 =	vadd.f32 v11, v5;
	v3 =	vadd.f32 v8, v3  }
0x1ba: {  	v45 =	vmul.f32 v45, v44;
	v38 =	vld [tilespmem:$0x1FFD0];
	v0 =	vadd.f32 v17, v0;
	v2 =	vadd.f32 v19, v2  }
0x1bb: {  	v30 =	vmul.f32 v53, v52;
	v13 =	vld [tilespmem:$0x18C0];
	v5 =	vadd.f32 v23, v5;
	v3 =	vadd.f32 v21, v3  }
0x1bc: {  	[tilespmem:$0x1FFE0] =	vst v1;
	v1 =	vld [tilespmem:$0x1210];
	v36 =	vmul.f32 v61, v60;
	v0 =	vadd.f32 v25, v0;
	v2 =	vadd.f32 v27, v2  }
0x1bd: {  	v4 =	vmul.f32 v4, v9;
	v17 =	vld [tilespmem:$0x18E0];
	v5 =	vadd.f32 v31, v5;
	v3 =	vadd.f32 v29, v3  }
0x1be: {  	v44 =	vmul.f32 v10, v7;
	v0 =	vadd.f32 v33, v0;
	v2 =	vadd.f32 v35, v2;
	v35 =	vld [tilespmem:$0x1FFC0]  }
0x1bf: {  	v23 =	vld [tilespmem:$0x1290];
	v11 =	vmul.f32 v63, v38;
	v31 =	vmul.f32 v55, v54;
	v5 =	vadd.f32 v39, v5  }
0x1c0: {  	v29 =	vmul.f32 v51, v50;
	v3 =	vadd.f32 v37, v3;
	v0 =	vadd.f32 v41, v0;
	v41 =	vld [tilespmem:$0x1FFE0]  }
0x1c1: {  	v12 =	vld [tilespmem:$0x18D0];
	v33 =	vmul.f32 v57, v62;
	v39 =	vmul.f32 v56, v58;
	v2 =	vadd.f32 v43, v2  }
0x1c2: {  	v8 =	vld [tilespmem:$0x1240];
	v57 =	vmul.f32 v42, v40;
	v48 =	vmul.f32 v14, v17;
	v3 =	vadd.f32 v45, v3  }
0x1c3: {  	v19 =	vld [tilespmem:$0x1270];
	v0 =	vadd.f32 v28, v0;
	v2 =	vadd.f32 v29, v2;
	v6 =	vmul.f32 v59, v35  }
0x1c4: {  	v21 =	vld [tilespmem:$0x1980];
	v52 =	vmul.f32 v23, v20;
	v5 =	vadd.f32 v47, v5;
	v3 =	vadd.f32 v30, v3  }
0x1c5: {  	v25 =	vld [tilespmem:$0x19A0];
	v0 =	vadd.f32 v33, v0;
	v2 =	vadd.f32 v6, v2;
	v1 =	vmul.f32 v1, v41  }
0x1c6: {  	v43 =	vld [tilespmem:$0x19D0];
	v47 =	vmul.f32 v15, v12;
	v5 =	vadd.f32 v31, v5;
	v3 =	vadd.f32 v36, v3  }
0x1c7: {  	v37 =	vld [tilespmem:$0x12B0];
	v45 =	vmul.f32 v8, v13;
	v0 =	vadd.f32 v39, v0;
	v1 =	vadd.f32 v1, v2  }
0x1c8: {  	v51 =	vld [tilespmem:$0x12E0];
	v54 =	vmul.f32 v19, v16;
	v5 =	vadd.f32 v11, v5;
	v3 =	vadd.f32 v4, v3  }
0x1c9: {  	v53 =	vld [tilespmem:$0x19F0];
	v50 =	vmul.f32 v18, v21;
	v0 =	vadd.f32 v45, v0;
	v1 =	vadd.f32 v47, v1  }
0x1ca: {  	v56 =	vld [tilespmem:$0x12F0];
	v55 =	vmul.f32 v32, v25;
	v2 =	vadd.f32 v44, v5;
	v3 =	vadd.f32 v48, v3  }
0x1cb: {  	v58 =	vmul.f32 v46, v43;
	v0 =	vadd.f32 v50, v0;
	v1 =	vadd.f32 v52, v1  }
0x1cc: {  	v59 =	vmul.f32 v37, v34;
	v2 =	vadd.f32 v54, v2;
	v3 =	vadd.f32 v55, v3  }
0x1cd: {  	v60 =	vmul.f32 v51, v49;
	v0 =	vadd.f32 v57, v0;
	v1 =	vadd.f32 v58, v1  }
0x1ce: {  	v2 =	vadd.f32 v59, v2  }
0x1cf: {  	v61 =	vmul.f32 v56, v53;
	v3 =	vadd.f32 v60, v3;
	v0 =	vadd.f32 v1, v0;
	_ =	sdelay $0x1  }
0x1d0: {  	v62 =	vadd.f32 v61, v2;
	v0 =	vadd.f32 v3, v0;
	_ =	sdelay $0x1  }
0x1d1: {  	v0 =	vadd.f32 v62, v0;
	_ =	sdelay $0x1  }
0x1d2: {  	(xrf2) =	vadd.scan.msk.f32 $0xffff, v0;
	_ =	sdelay $0x7  }
0x1d3: {  	v63 =	vld [tilespmem:$0x1FFF0];
	_ =	sdelay $0x1  }
0x1d4: {  	v0, _, _ =	vpop (xrf2)  }
0x1d5: {  	v0 =	vbroadcast v0, $0xF;
	_ =	sdelay $0x1  }
0x1d6: {  	s3 =	sshll.u32 s3, $0x4;
	s7 =	sand.u32 $0x180, s26;
	v0 =	vadd.f32 v0, v63  }
0x1d7: {  	s3 =	sand.u32 $0x70, s3;
	s4 =	sadd.s32 s4, s7  }
0x1d8: {  	s3 =	sadd.s32 s3, s4;
	[tilespmem:$0x1A80] =	vst v0  }
0x1d9: {  	[hbm4b:s3+s2] =	stream.linear.scatter [tilespmem:s29], [sflag:$0x6], $0x80, $0x38;
	[tilespmem:$0x1B00] =	vst v63  }
0x1da: {  	_ =	swait.ge [sflag:s30], $0x80  }
0x1db: {  	[sflag:s30] =	ssyncset.done $0x0  }
0x1dc: {  	[sflag:s30] =	ssyncadd.s32 $0xFFFFFF80  }
0x1dd: {  	_ =	sfence.sel $0x180000  }
0x1de: {  	[bflag:$0x0] =	sbarrier.arrive $0xFFFF  }
0x1df: {  	p0 =	sne.s32 s1, $0x0;
	_ =	strace $0x90000047  }
0x1e0: {  	s0 =	sadd.s32 @!p0 $0x100000, s0;
	[bflag:$0x2] =	sbarrier.arrive $0xFFFF  }
0x1e1: {  	[sflag:s0] =	ssyncadd.tile.s32 @!p0 $0x1;
	_ =	shalt  }
.Lfunc_end2:
_tile_overlayer_lowered:
.L_overlay_start_2:
0x1e2: {  	(tag) =	ssettag $0x2  }
0x1e3: {  	s0 =	rddreg [dreg:$0x0];
	s2 =	stileid.u32  }
0x1e4: {  	s1 =	rddreg [dreg:$0x1];
	p0 =	sne.s32 s2, $0x0  }
0x1e5: {  	s3 =	rddreg [dreg:$0x2];
	[bflag:$0x3] =	sbarrier.arrive $0xFFFF;
	s2 =	simm.s32 @!p0 $0x1C06  }
0x1e6: {  	[timem:s3], [sflag:s2] =	dma.local @!p0 [hbm:s0], s1  }
0x1e7: {  	s0 =	simm.s32 @!p0 $0x6  }
0x1e8: {  	_ =	swait.ge @!p0 [sflag:s0], s1  }
0x1e9: {  	s1 =	ssub.s32 @!p0 $0x0, s1;
	[sflag:s0] =	ssyncset.done @!p0 $0x0  }
0x1ea: {  	[sflag:s0] =	ssyncadd.s32 @!p0 s1  }
0x1eb: {  	[bflag:$0x3] =	sbarrier.arrive $0xFFFF  }
0x1ec: {  	_ =	shalt  }

</sc_bundles>
